<compile_context>
chip_gen: v7x
topology: tpu7x:2x2x1
jax: 0.10.2.dev20260603
libtpu: 0.0.44.dev20260713+nightly
codegen_flags: <defaults>
</compile_context>

<pallas_src>
import functools

import jax
import jax.numpy as jnp
from jax import lax
from jax.experimental import pallas as pl
from jax.experimental.pallas import tpu as pltpu
from jax.experimental.pallas import tpu_sc as plsc

N = 10000
E = 320000
D = 128
NC = 2
NS = 16
NW = NC * NS
K = 128
N_PAD = 10240
PAD_T = N_PAD // NS
E_PAD = 323584
CH_A = E_PAD // NS // K
CH_C = E_PAD // NW // K

_mesh = plsc.VectorSubcoreMesh(
    core_axis_name="c", subcore_axis_name="s", num_cores=NC, num_subcores=NS)


@functools.partial(
    pl.kernel,
    out_type=[jax.ShapeDtypeStruct((N_PAD,), jnp.float32),
              jax.ShapeDtypeStruct((N_PAD,), jnp.float32)],
    mesh=_mesh,
    scratch_types=[
        pltpu.VMEM_SHARED((N_PAD,), jnp.float32),
        pltpu.VMEM((PAD_T,), jnp.float32),
        pltpu.VMEM((K,), jnp.float32),
        pltpu.VMEM((2, CH_A, K), jnp.int32),
        pltpu.SemaphoreType.DMA,
    ],
)
def _sc_degrees(ei, deg_out, deg_in, hist, zb, ones, idxs, sem):
    cid = lax.axis_index("c")
    sid = lax.axis_index("s")

    def _z(i, _):
        zb[pl.ds(i * 16, 16)] = jnp.zeros((16,), jnp.float32)
        return 0
    lax.fori_loop(0, PAD_T // 16, _z, 0)

    def _o(i, _):
        ones[pl.ds(i * 16, 16)] = jnp.ones((16,), jnp.float32)
        return 0
    lax.fori_loop(0, K // 16, _o, 0)

    pltpu.sync_copy(zb, hist.at[pl.ds(sid * PAD_T, PAD_T)])
    pltpu.sync_copy(ei.at[:, sid], idxs)
    plsc.subcore_barrier()

    def _body(c, _):
        pltpu.async_copy(ones, hist.at[idxs.at[cid, c]], sem, add=True)
        return 0
    lax.fori_loop(0, CH_A, _body, 0)

    def _drain(c, _):
        pltpu.make_async_copy(ones, hist.at[idxs.at[cid, 0]], sem).wait()
        return 0
    lax.fori_loop(0, CH_A, _drain, 0)

    plsc.subcore_barrier()

    @pl.when(cid == 0)
    def _():
        pltpu.sync_copy(hist.at[pl.ds(sid * PAD_T, PAD_T)],
                        deg_out.at[pl.ds(sid * PAD_T, PAD_T)])

    @pl.when(cid == 1)
    def _():
        pltpu.sync_copy(hist.at[pl.ds(sid * PAD_T, PAD_T)],
                        deg_in.at[pl.ds(sid * PAD_T, PAD_T)])


RB = 2000
RP = N_PAD // 5


def _l1_body(f_ref, dop_ref, dip_ref, w1_ref, x1_ref, invo_ref, invi_ref):
    io = lax.rsqrt(jnp.maximum(dop_ref[...], 1.0))
    x1_ref[...] = jnp.dot(f_ref[...] * io, w1_ref[...],
                          preferred_element_type=jnp.float32)
    invo_ref[...] = io
    invi_ref[...] = lax.rsqrt(jnp.maximum(dip_ref[...], 1.0))


_tc_layer1 = pl.pallas_call(
    _l1_body,
    grid=(N_PAD // RP,),
    in_specs=[
        pl.BlockSpec((RP, D), lambda i: (i, 0)),
        pl.BlockSpec((RP, 1), lambda i: (i, 0)),
        pl.BlockSpec((RP, 1), lambda i: (i, 0)),
        pl.BlockSpec((D, D), lambda i: (0, 0)),
    ],
    out_specs=[
        pl.BlockSpec((RP, D), lambda i: (i, 0)),
        pl.BlockSpec((RP, 1), lambda i: (i, 0)),
        pl.BlockSpec((RP, 1), lambda i: (i, 0)),
    ],
    out_shape=[
        jax.ShapeDtypeStruct((N_PAD, D), jnp.float32),
        jax.ShapeDtypeStruct((N_PAD, 1), jnp.float32),
        jax.ShapeDtypeStruct((N_PAD, 1), jnp.float32),
    ],
)


@functools.partial(
    pl.kernel,
    out_type=[jax.ShapeDtypeStruct((NC, N_PAD, D), jnp.float32),
              jax.ShapeDtypeStruct((N_PAD,), jnp.float32),
              jax.ShapeDtypeStruct((N_PAD,), jnp.float32)],
    mesh=_mesh,
    scratch_types=[
        pltpu.VMEM_SHARED((N_PAD, D), jnp.float32),
        pltpu.VMEM_SHARED((N_PAD,), jnp.float32),
        pltpu.VMEM_SHARED((N_PAD,), jnp.float32),
        pltpu.VMEM((32, D), jnp.float32),
        pltpu.VMEM((PAD_T,), jnp.float32),
        pltpu.VMEM((2, 1, K), jnp.int32),
        pltpu.VMEM((2, 1, K), jnp.int32),
        pltpu.VMEM((2, 1, K), jnp.int32),
        pltpu.VMEM((K, D), jnp.float32),
        pltpu.VMEM((K, D), jnp.float32),
        pltpu.VMEM((K,), jnp.float32),
        pltpu.VMEM((K,), jnp.float32),
        pltpu.SemaphoreType.DMA,
        pltpu.SemaphoreType.DMA,
        pltpu.SemaphoreType.DMA,
        pltpu.SemaphoreType.DMA,
        pltpu.SemaphoreType.DMA,
        pltpu.SemaphoreType.DMA,
        pltpu.SemaphoreType.DMA,
        pltpu.SemaphoreType.DMA,
        pltpu.SemaphoreType.DMA,
        pltpu.SemaphoreType.DMA,
        pltpu.SemaphoreType.DMA,
    ],
)
def _sc_edge_pass(ei, x1, invin, aggp, sp0, sp1,
                  agg_sh, s_sh, inv_sh, zb2, zb1, i0, i1, i2,
                  r0, r1, v0, v1, si0, si1, si2, sr0, sr1, sv0, sv1,
                  ssr0, ssr1, ssv0, ssv1):
    cid = lax.axis_index("c")
    sid = lax.axis_index("s")

    def _zr(r, _):
        def _zc(c, _):
            zb2[r, pl.ds(c * 16, 16)] = jnp.zeros((16,), jnp.float32)
            return 0
        lax.fori_loop(0, D // 16, _zc, 0)
        return 0
    lax.fori_loop(0, 32, _zr, 0)

    def _z1(i, _):
        zb1[pl.ds(i * 16, 16)] = jnp.zeros((16,), jnp.float32)
        return 0
    lax.fori_loop(0, PAD_T // 16, _z1, 0)

    for j in range(PAD_T // 32):
        pltpu.sync_copy(zb2, agg_sh.at[pl.ds(sid * PAD_T + j * 32, 32), :])
    pltpu.sync_copy(zb1, s_sh.at[pl.ds(sid * PAD_T, PAD_T)])
    pltpu.sync_copy(invin.at[pl.ds(sid * PAD_T, PAD_T)],
                    inv_sh.at[pl.ds(sid * PAD_T, PAD_T)])

    idxs = (i0, i1, i2)
    rows = (r0, r1)
    vals = (v0, v1)
    isem = (si0, si1, si2)
    rsem = (sr0, sr1)
    vsem = (sv0, sv1)
    srsem = (ssr0, ssr1)
    svsem = (ssv0, ssv1)
    crow0 = (cid * NS + sid) * CH_C

    def load_idx(c, j):
        pltpu.async_copy(ei.at[:, crow0 + c], idxs[j], isem[j])

    def wait_idx(j):
        pltpu.make_async_copy(ei.at[:, 0], idxs[j], isem[j]).wait()

    def gath(j, b):
        pltpu.async_copy(x1.at[idxs[j].at[0, 0]], rows[b], rsem[b])
        pltpu.async_copy(inv_sh.at[idxs[j].at[1, 0]], vals[b], vsem[b])

    def drain_gath(j, b):
        pltpu.make_async_copy(x1.at[idxs[j].at[0, 0]], rows[b], rsem[b]).wait()
        pltpu.make_async_copy(inv_sh.at[idxs[j].at[1, 0]], vals[b],
                              vsem[b]).wait()

    def scat(j, b):
        pltpu.async_copy(rows[b], agg_sh.at[idxs[j].at[1, 0]], srsem[b],
                         add=True)
        pltpu.async_copy(vals[b], s_sh.at[idxs[j].at[0, 0]], svsem[b],
                         add=True)

    def drain_scat(b):
        pltpu.make_async_copy(rows[b], agg_sh.at[i0.at[1, 0]],
                              srsem[b]).wait()
        pltpu.make_async_copy(vals[b], s_sh.at[i0.at[0, 0]],
                              svsem[b]).wait()

    load_idx(0, 0)
    load_idx(1, 1)
    wait_idx(0)
    plsc.subcore_barrier()
    gath(0, 0)

    def stage(c, j, b, first=False, load=True, gather=True):
        if not first:
            drain_scat(b ^ 1)
        if load:
            load_idx(c + 2, (j + 2) % 3)
        if gather:
            wait_idx((j + 1) % 3)
            gath((j + 1) % 3, b ^ 1)
        drain_gath(j, b)
        scat(j, b)

    stage(0, 0, 0, first=True)

    def _body(m, _):
        c = 6 * m + 1
        for k in range(6):
            stage(c + k, (1 + k) % 3, (1 + k) % 2)
        return 0
    lax.fori_loop(0, (CH_C - 7) // 6, _body, 0)

    stage(CH_C - 6, 1, 1)
    stage(CH_C - 5, 2, 0)
    stage(CH_C - 4, 0, 1)
    stage(CH_C - 3, 1, 0)
    stage(CH_C - 2, 2, 1, load=False)
    stage(CH_C - 1, 0, 0, load=False, gather=False)
    drain_scat(0)

    plsc.subcore_barrier()
    pltpu.sync_copy(agg_sh.at[pl.ds(sid * PAD_T, PAD_T), :],
                    aggp.at[cid, pl.ds(sid * PAD_T, PAD_T), :])

    @pl.when(cid == 0)
    def _():
        pltpu.sync_copy(s_sh.at[pl.ds(sid * PAD_T, PAD_T)],
                        sp0.at[pl.ds(sid * PAD_T, PAD_T)])

    @pl.when(cid == 1)
    def _():
        pltpu.sync_copy(s_sh.at[pl.ds(sid * PAD_T, PAD_T)],
                        sp1.at[pl.ds(sid * PAD_T, PAD_T)])


def _fin_body(aggp_ref, sp0_ref, sp1_ref, invo_ref, invi_ref, b1_ref, w2_ref,
              b2_ref, out_ref, acc):
    i = pl.program_id(0)
    agg = aggp_ref[0] + aggp_ref[1]
    h = jnp.maximum(agg * invi_ref[...] + b1_ref[...], 0.0)
    w = invo_ref[...] * (sp0_ref[...] + sp1_ref[...])
    partial = jnp.sum(w * h, axis=0, keepdims=True)

    @pl.when(i == 0)
    def _():
        acc[...] = jnp.zeros_like(acc)

    acc[...] += partial

    @pl.when(i == N // RB - 1)
    def _():
        out_ref[...] = (jnp.dot(acc[...], w2_ref[...],
                                preferred_element_type=jnp.float32)
                        * (1.0 / N) + b2_ref[...])


_tc_finish = pl.pallas_call(
    _fin_body,
    grid=(N // RB,),
    in_specs=[
        pl.BlockSpec((NC, RB, D), lambda i: (0, i, 0)),
        pl.BlockSpec((RB, 1), lambda i: (i, 0)),
        pl.BlockSpec((RB, 1), lambda i: (i, 0)),
        pl.BlockSpec((RB, 1), lambda i: (i, 0)),
        pl.BlockSpec((RB, 1), lambda i: (i, 0)),
        pl.BlockSpec((1, D), lambda i: (0, 0)),
        pl.BlockSpec((D, D), lambda i: (0, 0)),
        pl.BlockSpec((1, D), lambda i: (0, 0)),
    ],
    out_specs=pl.BlockSpec((1, D), lambda i: (0, 0)),
    out_shape=jax.ShapeDtypeStruct((1, D), jnp.float32),
    scratch_shapes=[pltpu.VMEM((1, D), jnp.float32)],
)


def kernel(features, edge_index, W1, b1, W2, b2):
    pad_vals = jnp.arange(E_PAD - E, dtype=jnp.int32) % (N_PAD - N) + N
    ei = jnp.concatenate(
        [edge_index.astype(jnp.int32),
         jnp.stack([pad_vals, pad_vals])], axis=1)
    dego, degi = _sc_degrees(ei.reshape(2, NS, CH_A, K))
    x1, inv_out, inv_in = _tc_layer1(
        features, dego.reshape(N_PAD, 1), degi.reshape(N_PAD, 1), W1)
    aggp, sp0, sp1 = _sc_edge_pass(
        ei.reshape(2, E_PAD // K, 1, K), x1, inv_in.reshape(N_PAD))
    return _tc_finish(aggp, sp0.reshape(N_PAD, 1), sp1.reshape(N_PAD, 1),
                      inv_out, inv_in, b1.reshape(1, D), W2, b2.reshape(1, D))

# --- scband reference (transcript-rebuilt; emitter-appended) ---
"""Pipeline reference for scband-gcn-69423851373203 (READ-ONLY COPY).

The authoritative reference and input builder live on the scoring server;
editing this copy changes nothing except your own understanding.
"""

import jax, jax.numpy as jnp
import numpy as np

N = 10000
E = 320000
D_IN = 128
D_HID = 128
D_OUT = 128


def setup_inputs(seed: int = 0) -> dict:
    key = jax.random.key(seed)
    k1, k2, k3, k4 = jax.random.split(key, 4)
    features = jax.random.normal(k1, (N, D_IN), dtype=jnp.float32)
    edge_index = jax.random.randint(k2, (2, E), 0, N, dtype=jnp.int64)
    W1 = jax.random.normal(k3, (D_IN, D_HID), dtype=jnp.float32) * (1.0 / np.sqrt(D_IN))
    b1 = jnp.zeros((D_HID,), dtype=jnp.float32)
    W2 = jax.random.normal(k4, (D_HID, D_OUT), dtype=jnp.float32) * (1.0 / np.sqrt(D_HID))
    b2 = jnp.zeros((D_OUT,), dtype=jnp.float32)
    return {"features": features, "edge_index": edge_index, "W1": W1, "b1": b1, "W2": W2, "b2": b2}


def reference(features, edge_index, W1, b1, W2, b2):
    # DGL GraphConv with norm='both': h = D_in^{-1/2} A D_out^{-1/2} X W + b
    n = features.shape[0]
    src = edge_index[0]
    dst = edge_index[1]
    deg_out = jnp.clip(jnp.zeros((n,), jnp.float32).at[src].add(1.0), 1.0, None)
    deg_in = jnp.clip(jnp.zeros((n,), jnp.float32).at[dst].add(1.0), 1.0, None)
    inv_sqrt_out = jax.lax.rsqrt(deg_out)[:, None]
    inv_sqrt_in = jax.lax.rsqrt(deg_in)[:, None]

    def gconv(x, W, b, act):
        x = x * inv_sqrt_out
        x = x @ W
        agg = jnp.zeros((n, W.shape[1]), x.dtype).at[dst].add(x[src])
        agg = agg * inv_sqrt_in
        h = agg + b
        return jax.nn.relu(h) if act else h

    h = gconv(features, W1, b1, True)
    h = gconv(h, W2, b2, False)
    # dgl.mean_nodes over a single graph -> [1, out_dim]
    return jnp.mean(h, axis=0, keepdims=True)

if __name__ == "__main__":
    import jax
    _d = setup_inputs()
    print(jax.jit(kernel)(*tuple(_d.values())))

</pallas_src>

<mosaic_0001>
#map = affine_map<(d0, d1) -> (0, 0, 0, 0)>
#map1 = affine_map<(d0, d1) -> (0)>
module attributes {stable_mosaic.version = 14 : i64} {
  func.func @_sc_degrees(%arg0: i32, %arg1: i32, %arg2: memref<2x16x158x128xi32, #tpu.memory_space<hbm>>, %arg3: memref<10240xf32, #tpu.memory_space<hbm>>, %arg4: memref<10240xf32, #tpu.memory_space<hbm>>, %arg5: memref<10240xf32, #tpu.memory_space<vmem_shared>>, %arg6: memref<640xf32, #tpu.memory_space<vmem>>, %arg7: memref<128xf32, #tpu.memory_space<vmem>>, %arg8: memref<2x158x128xi32, #tpu.memory_space<vmem>>, %arg9: memref<!tpu.dma_semaphore, #tpu.memory_space<semaphore_mem>>) attributes {dimension_semantics = [#tpu.dimension_semantics<core_parallel>, #tpu.dimension_semantics<subcore_parallel>], iteration_bounds = array<i64: 2, 16>, scalar_prefetch = 0 : i64, scratch_operands = 5 : i64, tpu.core_type = #tpu.core_type<sc_vector_subcore>, window_params = [{transform_indices = #map}, {transform_indices = #map1}, {transform_indices = #map1}]} {
    %scan3A = arith.constant 0 : i32
    %scan3A_0 = arith.constant 0 : i32
    %scan3A_1 = arith.constant 40 : i32
    %scan3A_2 = arith.addi %scan3A_0, %scan3A_1 : i32
    %scan3A_3 = arith.constant 1 : i32
    %scan3A_4 = scf.for %scan3A_36 = %scan3A_0 to %scan3A_2 step %scan3A_3 iter_args(%scan3A_37 = %scan3A) -> (i32)  : i32 {
      %broadcast_in_dim3A = arith.constant 0.000000e+00 : f32
      %broadcast_in_dim3A_38 = vector.broadcast %broadcast_in_dim3A : f32 to vector<16xf32>
      %mul3A_39 = arith.constant 16 : i32
      %mul3A_40 = arith.muli %scan3A_36, %mul3A_39 : i32
      %swap3A = arith.index_cast %mul3A_40 : i32 to index
      %swap3A_41 = tpu.vector_load %arg6[%swap3A] {strides = array<i32>} : memref<640xf32, #tpu.memory_space<vmem>>, vector<16xf32>,
      %swap3A_42 = vector.shape_cast %swap3A_41 : vector<16xf32> to vector<16xf32>
      %swap3A_43 = vector.shape_cast %broadcast_in_dim3A_38 : vector<16xf32> to vector<16xf32>
      tpu.vector_store %arg6[%swap3A], %swap3A_43 {strides = array<i32>} : memref<640xf32, #tpu.memory_space<vmem>>, vector<16xf32>,
      %scan3A_44 = arith.constant 0 : i32
      scf.yield %scan3A_44 : i32
    }
    %scan3A_5 = arith.constant 40 : i32
    %scan3A_6 = arith.constant 0 : i32
    %scan3A_7 = arith.constant 0 : i32
    %scan3A_8 = arith.constant 8 : i32
    %scan3A_9 = arith.addi %scan3A_7, %scan3A_8 : i32
    %scan3A_10 = arith.constant 1 : i32
    %scan3A_11 = scf.for %scan3A_36 = %scan3A_7 to %scan3A_9 step %scan3A_10 iter_args(%scan3A_37 = %scan3A_6) -> (i32)  : i32 {
      %broadcast_in_dim3A = arith.constant 1.000000e+00 : f32
      %broadcast_in_dim3A_38 = vector.broadcast %broadcast_in_dim3A : f32 to vector<16xf32>
      %mul3A_39 = arith.constant 16 : i32
      %mul3A_40 = arith.muli %scan3A_36, %mul3A_39 : i32
      %swap3A = arith.index_cast %mul3A_40 : i32 to index
      %swap3A_41 = tpu.vector_load %arg7[%swap3A] {strides = array<i32>} : memref<128xf32, #tpu.memory_space<vmem>>, vector<16xf32>,
      %swap3A_42 = vector.shape_cast %swap3A_41 : vector<16xf32> to vector<16xf32>
      %swap3A_43 = vector.shape_cast %broadcast_in_dim3A_38 : vector<16xf32> to vector<16xf32>
      tpu.vector_store %arg7[%swap3A], %swap3A_43 {strides = array<i32>} : memref<128xf32, #tpu.memory_space<vmem>>, vector<16xf32>,
      %scan3A_44 = arith.constant 0 : i32
      scf.yield %scan3A_44 : i32
    }
    %scan3A_12 = arith.constant 8 : i32
    %mul3A = arith.constant 640 : i32
    %mul3A_13 = arith.muli %arg1, %mul3A : i32
    "tpu.region"() ({
      %run_scoped3A = tpu.sem_alloc : memref<!tpu.dma_semaphore, #tpu.memory_space<semaphore_mem>>
      %dma_start3A = tpu.memref_slice %arg5[%mul3A_13] : memref<10240xf32, #tpu.memory_space<vmem_shared>> -> memref<640xf32, #tpu.memory_space<vmem_shared>>
      %dma_start3A_36 = tpu.memref_slice %arg5[%mul3A_13] : memref<10240xf32, #tpu.memory_space<vmem_shared>> -> memref<640xf32, #tpu.memory_space<vmem_shared>>
      tpu.enqueue_dma source(%arg6 : memref<640xf32, #tpu.memory_space<vmem>>) target(%dma_start3A_36 : memref<640xf32, #tpu.memory_space<vmem_shared>>) target_semaphore(%run_scoped3A : memref<!tpu.dma_semaphore, #tpu.memory_space<semaphore_mem>>)
      %dma_wait3A = tpu.memref_slice %arg5[%mul3A_13] : memref<10240xf32, #tpu.memory_space<vmem_shared>> -> memref<640xf32, #tpu.memory_space<vmem_shared>>
      %dma_wait3A_37 = tpu.memref_slice %arg5[%mul3A_13] : memref<10240xf32, #tpu.memory_space<vmem_shared>> -> memref<640xf32, #tpu.memory_space<vmem_shared>>
      tpu.wait_dma2 semaphore(%run_scoped3A : memref<!tpu.dma_semaphore, #tpu.memory_space<semaphore_mem>>) src(%arg6 : memref<640xf32, #tpu.memory_space<vmem>>) dst(%dma_wait3A_37 : memref<640xf32, #tpu.memory_space<vmem_shared>>)
      tpu.yield
    }) : () -> ()
    "tpu.region"() ({
      %run_scoped3A = tpu.sem_alloc : memref<!tpu.dma_semaphore, #tpu.memory_space<semaphore_mem>>
      %dma_start3A = arith.constant 0 : i32
      %dma_start3A_36 = arith.constant 0 : i32
      %dma_start3A_37 = arith.constant 0 : i32
      %dma_start3A_38 = tpu.memref_slice %arg2[%dma_start3A, %arg1, %dma_start3A_36, %dma_start3A_37] : memref<2x16x158x128xi32, #tpu.memory_space<hbm>> -> memref<2x1x158x128xi32, #tpu.memory_space<hbm>>
      %dma_start3A_39 = tpu.memref_squeeze %dma_start3A_38 : memref<2x1x158x128xi32, #tpu.memory_space<hbm>> -> memref<2x158x128xi32, #tpu.memory_space<hbm>>
      %dma_start3A_40 = arith.constant 0 : i32
      %dma_start3A_41 = arith.constant 0 : i32
      %dma_start3A_42 = arith.constant 0 : i32
      %dma_start3A_43 = tpu.memref_slice %arg2[%dma_start3A_40, %arg1, %dma_start3A_41, %dma_start3A_42] : memref<2x16x158x128xi32, #tpu.memory_space<hbm>> -> memref<2x1x158x128xi32, #tpu.memory_space<hbm>>
      %dma_start3A_44 = tpu.memref_squeeze %dma_start3A_43 : memref<2x1x158x128xi32, #tpu.memory_space<hbm>> -> memref<2x158x128xi32, #tpu.memory_space<hbm>>
      tpu.enqueue_dma source(%dma_start3A_44 : memref<2x158x128xi32, #tpu.memory_space<hbm>>) target(%arg8 : memref<2x158x128xi32, #tpu.memory_space<vmem>>) target_semaphore(%run_scoped3A : memref<!tpu.dma_semaphore, #tpu.memory_space<semaphore_mem>>)
      %dma_wait3A = arith.constant 0 : i32
      %dma_wait3A_45 = arith.constant 0 : i32
      %dma_wait3A_46 = arith.constant 0 : i32
      %dma_wait3A_47 = tpu.memref_slice %arg2[%dma_wait3A, %arg1, %dma_wait3A_45, %dma_wait3A_46] : memref<2x16x158x128xi32, #tpu.memory_space<hbm>> -> memref<2x1x158x128xi32, #tpu.memory_space<hbm>>
      %dma_wait3A_48 = tpu.memref_squeeze %dma_wait3A_47 : memref<2x1x158x128xi32, #tpu.memory_space<hbm>> -> memref<2x158x128xi32, #tpu.memory_space<hbm>>
      %dma_wait3A_49 = arith.constant 0 : i32
      %dma_wait3A_50 = arith.constant 0 : i32
      %dma_wait3A_51 = arith.constant 0 : i32
      %dma_wait3A_52 = tpu.memref_slice %arg2[%dma_wait3A_49, %arg1, %dma_wait3A_50, %dma_wait3A_51] : memref<2x16x158x128xi32, #tpu.memory_space<hbm>> -> memref<2x1x158x128xi32, #tpu.memory_space<hbm>>
      %dma_wait3A_53 = tpu.memref_squeeze %dma_wait3A_52 : memref<2x1x158x128xi32, #tpu.memory_space<hbm>> -> memref<2x158x128xi32, #tpu.memory_space<hbm>>
      tpu.wait_dma2 semaphore(%run_scoped3A : memref<!tpu.dma_semaphore, #tpu.memory_space<semaphore_mem>>) src(%dma_wait3A_53 : memref<2x158x128xi32, #tpu.memory_space<hbm>>) dst(%arg8 : memref<2x158x128xi32, #tpu.memory_space<vmem>>)
      tpu.yield
    }) : () -> ()
    %barrier3A = arith.constant 0 : index
    tpu.barrier barrier_id(%barrier3A)
    %scan3A_14 = arith.constant 0 : i32
    %scan3A_15 = arith.constant 0 : i32
    %scan3A_16 = arith.constant 158 : i32
    %scan3A_17 = arith.addi %scan3A_15, %scan3A_16 : i32
    %scan3A_18 = arith.constant 1 : i32
    %scan3A_19 = scf.for %scan3A_36 = %scan3A_15 to %scan3A_17 step %scan3A_18 iter_args(%scan3A_37 = %scan3A_14) -> (i32)  : i32 {
      %dma_start3A = arith.constant 0 : i32
      %dma_start3A_38 = tpu.memref_slice %arg8[%arg0, %scan3A_36, %dma_start3A] : memref<2x158x128xi32, #tpu.memory_space<vmem>> -> memref<1x1x128xi32, #tpu.memory_space<vmem>>
      %dma_start3A_39 = tpu.memref_squeeze %dma_start3A_38 : memref<1x1x128xi32, #tpu.memory_space<vmem>> -> memref<128xi32, #tpu.memory_space<vmem>>
      %dma_start3A_40 = arith.constant 0 : i32
      %dma_start3A_41 = tpu.memref_slice %arg5[%dma_start3A_40] : memref<10240xf32, #tpu.memory_space<vmem_shared>> -> memref<10240xf32, #tpu.memory_space<vmem_shared>>
      tpu.enqueue_indirect_dma source(%arg7 : memref<128xf32, #tpu.memory_space<vmem>>) target(%dma_start3A_41 : memref<10240xf32, #tpu.memory_space<vmem_shared>>) offsets(%dma_start3A_39 : memref<128xi32, #tpu.memory_space<vmem>>) semaphore(%arg9 : memref<!tpu.dma_semaphore, #tpu.memory_space<semaphore_mem>>) {add = true}
      %scan3A_42 = arith.constant 0 : i32
      scf.yield %scan3A_42 : i32
    }
    %scan3A_20 = arith.constant 158 : i32
    %scan3A_21 = arith.constant 0 : i32
    %scan3A_22 = arith.constant 0 : i32
    %scan3A_23 = arith.constant 158 : i32
    %scan3A_24 = arith.addi %scan3A_22, %scan3A_23 : i32
    %scan3A_25 = arith.constant 1 : i32
    %scan3A_26 = scf.for %scan3A_36 = %scan3A_22 to %scan3A_24 step %scan3A_25 iter_args(%scan3A_37 = %scan3A_21) -> (i32)  : i32 {
      %dma_wait3A = arith.constant 0 : i32
      %dma_wait3A_38 = arith.constant 0 : i32
      %dma_wait3A_39 = tpu.memref_slice %arg8[%arg0, %dma_wait3A, %dma_wait3A_38] : memref<2x158x128xi32, #tpu.memory_space<vmem>> -> memref<1x1x128xi32, #tpu.memory_space<vmem>>
      %dma_wait3A_40 = tpu.memref_squeeze %dma_wait3A_39 : memref<1x1x128xi32, #tpu.memory_space<vmem>> -> memref<128xi32, #tpu.memory_space<vmem>>
      %dma_wait3A_41 = arith.constant 0 : i32
      %dma_wait3A_42 = tpu.memref_slice %arg5[%dma_wait3A_41] : memref<10240xf32, #tpu.memory_space<vmem_shared>> -> memref<10240xf32, #tpu.memory_space<vmem_shared>>
      tpu.wait_indirect_dma semaphore(%arg9 : memref<!tpu.dma_semaphore, #tpu.memory_space<semaphore_mem>>) src(%arg7 : memref<128xf32, #tpu.memory_space<vmem>>) dst(%dma_wait3A_42 : memref<10240xf32, #tpu.memory_space<vmem_shared>>)
      %scan3A_43 = arith.constant 0 : i32
      scf.yield %scan3A_43 : i32
    }
    %scan3A_27 = arith.constant 158 : i32
    %barrier3A_28 = arith.constant 0 : index
    tpu.barrier barrier_id(%barrier3A_28)
    %eq3A = arith.constant 0 : i32
    %eq3A_29 = arith.cmpi eq, %arg0, %eq3A : i32
    %convert_element_type3A = arith.extui %eq3A_29 : i1 to i32
    %cond3A = arith.constant 0 : i32
    %cond3A_30 = arith.cmpi ne, %convert_element_type3A, %cond3A : i32
    scf.if %cond3A_30 {
      %mul3A_36 = arith.constant 640 : i32
      %mul3A_37 = arith.muli %arg1, %mul3A_36 : i32
      %mul3A_38 = arith.constant 640 : i32
      %mul3A_39 = arith.muli %arg1, %mul3A_38 : i32
      "tpu.region"() ({
        %run_scoped3A = tpu.sem_alloc : memref<!tpu.dma_semaphore, #tpu.memory_space<semaphore_mem>>
        %dma_start3A = tpu.memref_slice %arg3[%mul3A_39] : memref<10240xf32, #tpu.memory_space<hbm>> -> memref<640xf32, #tpu.memory_space<hbm>>
        %dma_start3A_40 = tpu.memref_slice %arg5[%mul3A_37] : memref<10240xf32, #tpu.memory_space<vmem_shared>> -> memref<640xf32, #tpu.memory_space<vmem_shared>>
        tpu.enqueue_dma source(%dma_start3A_40 : memref<640xf32, #tpu.memory_space<vmem_shared>>) target(%dma_start3A : memref<640xf32, #tpu.memory_space<hbm>>) target_semaphore(%run_scoped3A : memref<!tpu.dma_semaphore, #tpu.memory_space<semaphore_mem>>)
        %dma_wait3A = tpu.memref_slice %arg3[%mul3A_39] : memref<10240xf32, #tpu.memory_space<hbm>> -> memref<640xf32, #tpu.memory_space<hbm>>
        %dma_wait3A_41 = tpu.memref_slice %arg5[%mul3A_37] : memref<10240xf32, #tpu.memory_space<vmem_shared>> -> memref<640xf32, #tpu.memory_space<vmem_shared>>
        tpu.wait_dma2 semaphore(%run_scoped3A : memref<!tpu.dma_semaphore, #tpu.memory_space<semaphore_mem>>) src(%dma_wait3A_41 : memref<640xf32, #tpu.memory_space<vmem_shared>>) dst(%dma_wait3A : memref<640xf32, #tpu.memory_space<hbm>>)
        tpu.yield
      }) : () -> ()
    } else {
    }
    %eq3A_31 = arith.constant 1 : i32
    %eq3A_32 = arith.cmpi eq, %arg0, %eq3A_31 : i32
    %convert_element_type3A_33 = arith.extui %eq3A_32 : i1 to i32
    %cond3A_34 = arith.constant 0 : i32
    %cond3A_35 = arith.cmpi ne, %convert_element_type3A_33, %cond3A_34 : i32
    scf.if %cond3A_35 {
      %mul3A_36 = arith.constant 640 : i32
      %mul3A_37 = arith.muli %arg1, %mul3A_36 : i32
      %mul3A_38 = arith.constant 640 : i32
      %mul3A_39 = arith.muli %arg1, %mul3A_38 : i32
      "tpu.region"() ({
        %run_scoped3A = tpu.sem_alloc : memref<!tpu.dma_semaphore, #tpu.memory_space<semaphore_mem>>
        %dma_start3A = tpu.memref_slice %arg4[%mul3A_39] : memref<10240xf32, #tpu.memory_space<hbm>> -> memref<640xf32, #tpu.memory_space<hbm>>
        %dma_start3A_40 = tpu.memref_slice %arg5[%mul3A_37] : memref<10240xf32, #tpu.memory_space<vmem_shared>> -> memref<640xf32, #tpu.memory_space<vmem_shared>>
        tpu.enqueue_dma source(%dma_start3A_40 : memref<640xf32, #tpu.memory_space<vmem_shared>>) target(%dma_start3A : memref<640xf32, #tpu.memory_space<hbm>>) target_semaphore(%run_scoped3A : memref<!tpu.dma_semaphore, #tpu.memory_space<semaphore_mem>>)
        %dma_wait3A = tpu.memref_slice %arg4[%mul3A_39] : memref<10240xf32, #tpu.memory_space<hbm>> -> memref<640xf32, #tpu.memory_space<hbm>>
        %dma_wait3A_41 = tpu.memref_slice %arg5[%mul3A_37] : memref<10240xf32, #tpu.memory_space<vmem_shared>> -> memref<640xf32, #tpu.memory_space<vmem_shared>>
        tpu.wait_dma2 semaphore(%run_scoped3A : memref<!tpu.dma_semaphore, #tpu.memory_space<semaphore_mem>>) src(%dma_wait3A_41 : memref<640xf32, #tpu.memory_space<vmem_shared>>) dst(%dma_wait3A : memref<640xf32, #tpu.memory_space<hbm>>)
        tpu.yield
      }) : () -> ()
    } else {
    }
    return
  }
}

#map = affine_map<(d0, d1) -> (0, 0, 0, 0)>
#map1 = affine_map<(d0, d1) -> (0, 0)>
#map2 = affine_map<(d0, d1) -> (0)>
#map3 = affine_map<(d0, d1) -> (0, 0, 0)>
module attributes {stable_mosaic.version = 14 : i64} {
  func.func @_sc_edge_pass(%arg0: i32, %arg1: i32, %arg2: memref<2x2528x1x128xi32, #tpu.memory_space<hbm>>, %arg3: memref<10240x128xf32, #tpu.memory_space<hbm>>, %arg4: memref<10240xf32, #tpu.memory_space<hbm>>, %arg5: memref<2x10240x128xf32, #tpu.memory_space<hbm>>, %arg6: memref<10240xf32, #tpu.memory_space<hbm>>, %arg7: memref<10240xf32, #tpu.memory_space<hbm>>, %arg8: memref<10240x128xf32, #tpu.memory_space<vmem_shared>>, %arg9: memref<10240xf32, #tpu.memory_space<vmem_shared>>, %arg10: memref<10240xf32, #tpu.memory_space<vmem_shared>>, %arg11: memref<32x128xf32, #tpu.memory_space<vmem>>, %arg12: memref<640xf32, #tpu.memory_space<vmem>>, %arg13: memref<2x1x128xi32, #tpu.memory_space<vmem>>, %arg14: memref<2x1x128xi32, #tpu.memory_space<vmem>>, %arg15: memref<2x1x128xi32, #tpu.memory_space<vmem>>, %arg16: memref<128x128xf32, #tpu.memory_space<vmem>>, %arg17: memref<128x128xf32, #tpu.memory_space<vmem>>, %arg18: memref<128xf32, #tpu.memory_space<vmem>>, %arg19: memref<128xf32, #tpu.memory_space<vmem>>, %arg20: memref<!tpu.dma_semaphore, #tpu.memory_space<semaphore_mem>>, %arg21: memref<!tpu.dma_semaphore, #tpu.memory_space<semaphore_mem>>, %arg22: memref<!tpu.dma_semaphore, #tpu.memory_space<semaphore_mem>>, %arg23: memref<!tpu.dma_semaphore, #tpu.memory_space<semaphore_mem>>, %arg24: memref<!tpu.dma_semaphore, #tpu.memory_space<semaphore_mem>>, %arg25: memref<!tpu.dma_semaphore, #tpu.memory_space<semaphore_mem>>, %arg26: memref<!tpu.dma_semaphore, #tpu.memory_space<semaphore_mem>>, %arg27: memref<!tpu.dma_semaphore, #tpu.memory_space<semaphore_mem>>, %arg28: memref<!tpu.dma_semaphore, #tpu.memory_space<semaphore_mem>>, %arg29: memref<!tpu.dma_semaphore, #tpu.memory_space<semaphore_mem>>, %arg30: memref<!tpu.dma_semaphore, #tpu.memory_space<semaphore_mem>>) attributes {dimension_semantics = [#tpu.dimension_semantics<core_parallel>, #tpu.dimension_semantics<subcore_parallel>], iteration_bounds = array<i64: 2, 16>, scalar_prefetch = 0 : i64, scratch_operands = 23 : i64, tpu.core_type = #tpu.core_type<sc_vector_subcore>, window_params = [{transform_indices = #map}, {transform_indices = #map1}, {transform_indices = #map2}, {transform_indices = #map3}, {transform_indices = #map2}, {transform_indices = #map2}]} {
    %scan3A = arith.constant 0 : i32
    %scan3A_0 = arith.constant 0 : i32
    %scan3A_1 = arith.constant 32 : i32
    %scan3A_2 = arith.addi %scan3A_0, %scan3A_1 : i32
    %scan3A_3 = arith.constant 1 : i32
    %scan3A_4 = scf.for %scan3A_700 = %scan3A_0 to %scan3A_2 step %scan3A_3 iter_args(%scan3A_701 = %scan3A) -> (i32)  : i32 {
      %scan3A_702 = arith.constant 0 : i32
      %scan3A_703 = arith.constant 0 : i32
      %scan3A_704 = arith.constant 8 : i32
      %scan3A_705 = arith.addi %scan3A_703, %scan3A_704 : i32
      %scan3A_706 = arith.constant 1 : i32
      %scan3A_707 = scf.for %scan3A_710 = %scan3A_703 to %scan3A_705 step %scan3A_706 iter_args(%scan3A_711 = %scan3A_702) -> (i32)  : i32 {
        %broadcast_in_dim3A = arith.constant 0.000000e+00 : f32
        %broadcast_in_dim3A_712 = vector.broadcast %broadcast_in_dim3A : f32 to vector<16xf32>
        %mul3A_713 = arith.constant 16 : i32
        %mul3A_714 = arith.muli %scan3A_710, %mul3A_713 : i32
        %swap3A = arith.index_cast %scan3A_700 : i32 to index
        %swap3A_715 = arith.index_cast %mul3A_714 : i32 to index
        %swap3A_716 = tpu.vector_load %arg11[%swap3A, %swap3A_715] {strides = array<i32>} : memref<32x128xf32, #tpu.memory_space<vmem>>, vector<1x16xf32>,
        %swap3A_717 = vector.shape_cast %swap3A_716 : vector<1x16xf32> to vector<16xf32>
        %swap3A_718 = vector.shape_cast %broadcast_in_dim3A_712 : vector<16xf32> to vector<1x16xf32>
        tpu.vector_store %arg11[%swap3A, %swap3A_715], %swap3A_718 {strides = array<i32>} : memref<32x128xf32, #tpu.memory_space<vmem>>, vector<1x16xf32>,
        %scan3A_719 = arith.constant 0 : i32
        scf.yield %scan3A_719 : i32
      }
      %scan3A_708 = arith.constant 8 : i32
      %scan3A_709 = arith.constant 0 : i32
      scf.yield %scan3A_709 : i32
    }
    %scan3A_5 = arith.constant 32 : i32
    %scan3A_6 = arith.constant 0 : i32
    %scan3A_7 = arith.constant 0 : i32
    %scan3A_8 = arith.constant 40 : i32
    %scan3A_9 = arith.addi %scan3A_7, %scan3A_8 : i32
    %scan3A_10 = arith.constant 1 : i32
    %scan3A_11 = scf.for %scan3A_700 = %scan3A_7 to %scan3A_9 step %scan3A_10 iter_args(%scan3A_701 = %scan3A_6) -> (i32)  : i32 {
      %broadcast_in_dim3A = arith.constant 0.000000e+00 : f32
      %broadcast_in_dim3A_702 = vector.broadcast %broadcast_in_dim3A : f32 to vector<16xf32>
      %mul3A_703 = arith.constant 16 : i32
      %mul3A_704 = arith.muli %scan3A_700, %mul3A_703 : i32
      %swap3A = arith.index_cast %mul3A_704 : i32 to index
      %swap3A_705 = tpu.vector_load %arg12[%swap3A] {strides = array<i32>} : memref<640xf32, #tpu.memory_space<vmem>>, vector<16xf32>,
      %swap3A_706 = vector.shape_cast %swap3A_705 : vector<16xf32> to vector<16xf32>
      %swap3A_707 = vector.shape_cast %broadcast_in_dim3A_702 : vector<16xf32> to vector<16xf32>
      tpu.vector_store %arg12[%swap3A], %swap3A_707 {strides = array<i32>} : memref<640xf32, #tpu.memory_space<vmem>>, vector<16xf32>,
      %scan3A_708 = arith.constant 0 : i32
      scf.yield %scan3A_708 : i32
    }
    %scan3A_12 = arith.constant 40 : i32
    %mul3A = arith.constant 640 : i32
    %mul3A_13 = arith.muli %arg1, %mul3A : i32
    %add3A = arith.constant 0 : i32
    %add3A_14 = arith.addi %mul3A_13, %add3A : i32
    "tpu.region"() ({
      %run_scoped3A = tpu.sem_alloc : memref<!tpu.dma_semaphore, #tpu.memory_space<semaphore_mem>>
      %dma_start3A_700 = arith.constant 0 : i32
      %dma_start3A_701 = tpu.memref_slice %arg8[%add3A_14, %dma_start3A_700] : memref<10240x128xf32, #tpu.memory_space<vmem_shared>> -> memref<32x128xf32, #tpu.memory_space<vmem_shared>>
      %dma_start3A_702 = arith.constant 0 : i32
      %dma_start3A_703 = tpu.memref_slice %arg8[%add3A_14, %dma_start3A_702] : memref<10240x128xf32, #tpu.memory_space<vmem_shared>> -> memref<32x128xf32, #tpu.memory_space<vmem_shared>>
      tpu.enqueue_dma source(%arg11 : memref<32x128xf32, #tpu.memory_space<vmem>>) target(%dma_start3A_703 : memref<32x128xf32, #tpu.memory_space<vmem_shared>>) target_semaphore(%run_scoped3A : memref<!tpu.dma_semaphore, #tpu.memory_space<semaphore_mem>>)
      %dma_wait3A_704 = arith.constant 0 : i32
      %dma_wait3A_705 = tpu.memref_slice %arg8[%add3A_14, %dma_wait3A_704] : memref<10240x128xf32, #tpu.memory_space<vmem_shared>> -> memref<32x128xf32, #tpu.memory_space<vmem_shared>>
      %dma_wait3A_706 = arith.constant 0 : i32
      %dma_wait3A_707 = tpu.memref_slice %arg8[%add3A_14, %dma_wait3A_706] : memref<10240x128xf32, #tpu.memory_space<vmem_shared>> -> memref<32x128xf32, #tpu.memory_space<vmem_shared>>
      tpu.wait_dma2 semaphore(%run_scoped3A : memref<!tpu.dma_semaphore, #tpu.memory_space<semaphore_mem>>) src(%arg11 : memref<32x128xf32, #tpu.memory_space<vmem>>) dst(%dma_wait3A_707 : memref<32x128xf32, #tpu.memory_space<vmem_shared>>)
      tpu.yield
    }) : () -> ()
    %mul3A_15 = arith.constant 640 : i32
    %mul3A_16 = arith.muli %arg1, %mul3A_15 : i32
    %add3A_17 = arith.constant 32 : i32
    %add3A_18 = arith.addi %mul3A_16, %add3A_17 : i32
    "tpu.region"() ({
      %run_scoped3A = tpu.sem_alloc : memref<!tpu.dma_semaphore, #tpu.memory_space<semaphore_mem>>
      %dma_start3A_700 = arith.constant 0 : i32
      %dma_start3A_701 = tpu.memref_slice %arg8[%add3A_18, %dma_start3A_700] : memref<10240x128xf32, #tpu.memory_space<vmem_shared>> -> memref<32x128xf32, #tpu.memory_space<vmem_shared>>
      %dma_start3A_702 = arith.constant 0 : i32
      %dma_start3A_703 = tpu.memref_slice %arg8[%add3A_18, %dma_start3A_702] : memref<10240x128xf32, #tpu.memory_space<vmem_shared>> -> memref<32x128xf32, #tpu.memory_space<vmem_shared>>
      tpu.enqueue_dma source(%arg11 : memref<32x128xf32, #tpu.memory_space<vmem>>) target(%dma_start3A_703 : memref<32x128xf32, #tpu.memory_space<vmem_shared>>) target_semaphore(%run_scoped3A : memref<!tpu.dma_semaphore, #tpu.memory_space<semaphore_mem>>)
      %dma_wait3A_704 = arith.constant 0 : i32
      %dma_wait3A_705 = tpu.memref_slice %arg8[%add3A_18, %dma_wait3A_704] : memref<10240x128xf32, #tpu.memory_space<vmem_shared>> -> memref<32x128xf32, #tpu.memory_space<vmem_shared>>
      %dma_wait3A_706 = arith.constant 0 : i32
      %dma_wait3A_707 = tpu.memref_slice %arg8[%add3A_18, %dma_wait3A_706] : memref<10240x128xf32, #tpu.memory_space<vmem_shared>> -> memref<32x128xf32, #tpu.memory_space<vmem_shared>>
      tpu.wait_dma2 semaphore(%run_scoped3A : memref<!tpu.dma_semaphore, #tpu.memory_space<semaphore_mem>>) src(%arg11 : memref<32x128xf32, #tpu.memory_space<vmem>>) dst(%dma_wait3A_707 : memref<32x128xf32, #tpu.memory_space<vmem_shared>>)
      tpu.yield
    }) : () -> ()
    %mul3A_19 = arith.constant 640 : i32
    %mul3A_20 = arith.muli %arg1, %mul3A_19 : i32
    %add3A_21 = arith.constant 64 : i32
    %add3A_22 = arith.addi %mul3A_20, %add3A_21 : i32
    "tpu.region"() ({
      %run_scoped3A = tpu.sem_alloc : memref<!tpu.dma_semaphore, #tpu.memory_space<semaphore_mem>>
      %dma_start3A_700 = arith.constant 0 : i32
      %dma_start3A_701 = tpu.memref_slice %arg8[%add3A_22, %dma_start3A_700] : memref<10240x128xf32, #tpu.memory_space<vmem_shared>> -> memref<32x128xf32, #tpu.memory_space<vmem_shared>>
      %dma_start3A_702 = arith.constant 0 : i32
      %dma_start3A_703 = tpu.memref_slice %arg8[%add3A_22, %dma_start3A_702] : memref<10240x128xf32, #tpu.memory_space<vmem_shared>> -> memref<32x128xf32, #tpu.memory_space<vmem_shared>>
      tpu.enqueue_dma source(%arg11 : memref<32x128xf32, #tpu.memory_space<vmem>>) target(%dma_start3A_703 : memref<32x128xf32, #tpu.memory_space<vmem_shared>>) target_semaphore(%run_scoped3A : memref<!tpu.dma_semaphore, #tpu.memory_space<semaphore_mem>>)
      %dma_wait3A_704 = arith.constant 0 : i32
      %dma_wait3A_705 = tpu.memref_slice %arg8[%add3A_22, %dma_wait3A_704] : memref<10240x128xf32, #tpu.memory_space<vmem_shared>> -> memref<32x128xf32, #tpu.memory_space<vmem_shared>>
      %dma_wait3A_706 = arith.constant 0 : i32
      %dma_wait3A_707 = tpu.memref_slice %arg8[%add3A_22, %dma_wait3A_706] : memref<10240x128xf32, #tpu.memory_space<vmem_shared>> -> memref<32x128xf32, #tpu.memory_space<vmem_shared>>
      tpu.wait_dma2 semaphore(%run_scoped3A : memref<!tpu.dma_semaphore, #tpu.memory_space<semaphore_mem>>) src(%arg11 : memref<32x128xf32, #tpu.memory_space<vmem>>) dst(%dma_wait3A_707 : memref<32x128xf32, #tpu.memory_space<vmem_shared>>)
      tpu.yield
    }) : () -> ()
    %mul3A_23 = arith.constant 640 : i32
    %mul3A_24 = arith.muli %arg1, %mul3A_23 : i32
    %add3A_25 = arith.constant 96 : i32
    %add3A_26 = arith.addi %mul3A_24, %add3A_25 : i32
    "tpu.region"() ({
      %run_scoped3A = tpu.sem_alloc : memref<!tpu.dma_semaphore, #tpu.memory_space<semaphore_mem>>
      %dma_start3A_700 = arith.constant 0 : i32
      %dma_start3A_701 = tpu.memref_slice %arg8[%add3A_26, %dma_start3A_700] : memref<10240x128xf32, #tpu.memory_space<vmem_shared>> -> memref<32x128xf32, #tpu.memory_space<vmem_shared>>
      %dma_start3A_702 = arith.constant 0 : i32
      %dma_start3A_703 = tpu.memref_slice %arg8[%add3A_26, %dma_start3A_702] : memref<10240x128xf32, #tpu.memory_space<vmem_shared>> -> memref<32x128xf32, #tpu.memory_space<vmem_shared>>
      tpu.enqueue_dma source(%arg11 : memref<32x128xf32, #tpu.memory_space<vmem>>) target(%dma_start3A_703 : memref<32x128xf32, #tpu.memory_space<vmem_shared>>) target_semaphore(%run_scoped3A : memref<!tpu.dma_semaphore, #tpu.memory_space<semaphore_mem>>)
      %dma_wait3A_704 = arith.constant 0 : i32
      %dma_wait3A_705 = tpu.memref_slice %arg8[%add3A_26, %dma_wait3A_704] : memref<10240x128xf32, #tpu.memory_space<vmem_shared>> -> memref<32x128xf32, #tpu.memory_space<vmem_shared>>
      %dma_wait3A_706 = arith.constant 0 : i32
      %dma_wait3A_707 = tpu.memref_slice %arg8[%add3A_26, %dma_wait3A_706] : memref<10240x128xf32, #tpu.memory_space<vmem_shared>> -> memref<32x128xf32, #tpu.memory_space<vmem_shared>>
      tpu.wait_dma2 semaphore(%run_scoped3A : memref<!tpu.dma_semaphore, #tpu.memory_space<semaphore_mem>>) src(%arg11 : memref<32x128xf32, #tpu.memory_space<vmem>>) dst(%dma_wait3A_707 : memref<32x128xf32, #tpu.memory_space<vmem_shared>>)
      tpu.yield
    }) : () -> ()
    %mul3A_27 = arith.constant 640 : i32
    %mul3A_28 = arith.muli %arg1, %mul3A_27 : i32
    %add3A_29 = arith.constant 128 : i32
    %add3A_30 = arith.addi %mul3A_28, %add3A_29 : i32
    "tpu.region"() ({
      %run_scoped3A = tpu.sem_alloc : memref<!tpu.dma_semaphore, #tpu.memory_space<semaphore_mem>>
      %dma_start3A_700 = arith.constant 0 : i32
      %dma_start3A_701 = tpu.memref_slice %arg8[%add3A_30, %dma_start3A_700] : memref<10240x128xf32, #tpu.memory_space<vmem_shared>> -> memref<32x128xf32, #tpu.memory_space<vmem_shared>>
      %dma_start3A_702 = arith.constant 0 : i32
      %dma_start3A_703 = tpu.memref_slice %arg8[%add3A_30, %dma_start3A_702] : memref<10240x128xf32, #tpu.memory_space<vmem_shared>> -> memref<32x128xf32, #tpu.memory_space<vmem_shared>>
      tpu.enqueue_dma source(%arg11 : memref<32x128xf32, #tpu.memory_space<vmem>>) target(%dma_start3A_703 : memref<32x128xf32, #tpu.memory_space<vmem_shared>>) target_semaphore(%run_scoped3A : memref<!tpu.dma_semaphore, #tpu.memory_space<semaphore_mem>>)
      %dma_wait3A_704 = arith.constant 0 : i32
      %dma_wait3A_705 = tpu.memref_slice %arg8[%add3A_30, %dma_wait3A_704] : memref<10240x128xf32, #tpu.memory_space<vmem_shared>> -> memref<32x128xf32, #tpu.memory_space<vmem_shared>>
      %dma_wait3A_706 = arith.constant 0 : i32
      %dma_wait3A_707 = tpu.memref_slice %arg8[%add3A_30, %dma_wait3A_706] : memref<10240x128xf32, #tpu.memory_space<vmem_shared>> -> memref<32x128xf32, #tpu.memory_space<vmem_shared>>
      tpu.wait_dma2 semaphore(%run_scoped3A : memref<!tpu.dma_semaphore, #tpu.memory_space<semaphore_mem>>) src(%arg11 : memref<32x128xf32, #tpu.memory_space<vmem>>) dst(%dma_wait3A_707 : memref<32x128xf32, #tpu.memory_space<vmem_shared>>)
      tpu.yield
    }) : () -> ()
    %mul3A_31 = arith.constant 640 : i32
    %mul3A_32 = arith.muli %arg1, %mul3A_31 : i32
    %add3A_33 = arith.constant 160 : i32
    %add3A_34 = arith.addi %mul3A_32, %add3A_33 : i32
    "tpu.region"() ({
      %run_scoped3A = tpu.sem_alloc : memref<!tpu.dma_semaphore, #tpu.memory_space<semaphore_mem>>
      %dma_start3A_700 = arith.constant 0 : i32
      %dma_start3A_701 = tpu.memref_slice %arg8[%add3A_34, %dma_start3A_700] : memref<10240x128xf32, #tpu.memory_space<vmem_shared>> -> memref<32x128xf32, #tpu.memory_space<vmem_shared>>
      %dma_start3A_702 = arith.constant 0 : i32
      %dma_start3A_703 = tpu.memref_slice %arg8[%add3A_34, %dma_start3A_702] : memref<10240x128xf32, #tpu.memory_space<vmem_shared>> -> memref<32x128xf32, #tpu.memory_space<vmem_shared>>
      tpu.enqueue_dma source(%arg11 : memref<32x128xf32, #tpu.memory_space<vmem>>) target(%dma_start3A_703 : memref<32x128xf32, #tpu.memory_space<vmem_shared>>) target_semaphore(%run_scoped3A : memref<!tpu.dma_semaphore, #tpu.memory_space<semaphore_mem>>)
      %dma_wait3A_704 = arith.constant 0 : i32
      %dma_wait3A_705 = tpu.memref_slice %arg8[%add3A_34, %dma_wait3A_704] : memref<10240x128xf32, #tpu.memory_space<vmem_shared>> -> memref<32x128xf32, #tpu.memory_space<vmem_shared>>
      %dma_wait3A_706 = arith.constant 0 : i32
      %dma_wait3A_707 = tpu.memref_slice %arg8[%add3A_34, %dma_wait3A_706] : memref<10240x128xf32, #tpu.memory_space<vmem_shared>> -> memref<32x128xf32, #tpu.memory_space<vmem_shared>>
      tpu.wait_dma2 semaphore(%run_scoped3A : memref<!tpu.dma_semaphore, #tpu.memory_space<semaphore_mem>>) src(%arg11 : memref<32x128xf32, #tpu.memory_space<vmem>>) dst(%dma_wait3A_707 : memref<32x128xf32, #tpu.memory_space<vmem_shared>>)
      tpu.yield
    }) : () -> ()
    %mul3A_35 = arith.constant 640 : i32
    %mul3A_36 = arith.muli %arg1, %mul3A_35 : i32
    %add3A_37 = arith.constant 192 : i32
    %add3A_38 = arith.addi %mul3A_36, %add3A_37 : i32
    "tpu.region"() ({
      %run_scoped3A = tpu.sem_alloc : memref<!tpu.dma_semaphore, #tpu.memory_space<semaphore_mem>>
      %dma_start3A_700 = arith.constant 0 : i32
      %dma_start3A_701 = tpu.memref_slice %arg8[%add3A_38, %dma_start3A_700] : memref<10240x128xf32, #tpu.memory_space<vmem_shared>> -> memref<32x128xf32, #tpu.memory_space<vmem_shared>>
      %dma_start3A_702 = arith.constant 0 : i32
      %dma_start3A_703 = tpu.memref_slice %arg8[%add3A_38, %dma_start3A_702] : memref<10240x128xf32, #tpu.memory_space<vmem_shared>> -> memref<32x128xf32, #tpu.memory_space<vmem_shared>>
      tpu.enqueue_dma source(%arg11 : memref<32x128xf32, #tpu.memory_space<vmem>>) target(%dma_start3A_703 : memref<32x128xf32, #tpu.memory_space<vmem_shared>>) target_semaphore(%run_scoped3A : memref<!tpu.dma_semaphore, #tpu.memory_space<semaphore_mem>>)
      %dma_wait3A_704 = arith.constant 0 : i32
      %dma_wait3A_705 = tpu.memref_slice %arg8[%add3A_38, %dma_wait3A_704] : memref<10240x128xf32, #tpu.memory_space<vmem_shared>> -> memref<32x128xf32, #tpu.memory_space<vmem_shared>>
      %dma_wait3A_706 = arith.constant 0 : i32
      %dma_wait3A_707 = tpu.memref_slice %arg8[%add3A_38, %dma_wait3A_706] : memref<10240x128xf32, #tpu.memory_space<vmem_shared>> -> memref<32x128xf32, #tpu.memory_space<vmem_shared>>
      tpu.wait_dma2 semaphore(%run_scoped3A : memref<!tpu.dma_semaphore, #tpu.memory_space<semaphore_mem>>) src(%arg11 : memref<32x128xf32, #tpu.memory_space<vmem>>) dst(%dma_wait3A_707 : memref<32x128xf32, #tpu.memory_space<vmem_shared>>)
      tpu.yield
    }) : () -> ()
    %mul3A_39 = arith.constant 640 : i32
    %mul3A_40 = arith.muli %arg1, %mul3A_39 : i32
    %add3A_41 = arith.constant 224 : i32
    %add3A_42 = arith.addi %mul3A_40, %add3A_41 : i32
    "tpu.region"() ({
      %run_scoped3A = tpu.sem_alloc : memref<!tpu.dma_semaphore, #tpu.memory_space<semaphore_mem>>
      %dma_start3A_700 = arith.constant 0 : i32
      %dma_start3A_701 = tpu.memref_slice %arg8[%add3A_42, %dma_start3A_700] : memref<10240x128xf32, #tpu.memory_space<vmem_shared>> -> memref<32x128xf32, #tpu.memory_space<vmem_shared>>
      %dma_start3A_702 = arith.constant 0 : i32
      %dma_start3A_703 = tpu.memref_slice %arg8[%add3A_42, %dma_start3A_702] : memref<10240x128xf32, #tpu.memory_space<vmem_shared>> -> memref<32x128xf32, #tpu.memory_space<vmem_shared>>
      tpu.enqueue_dma source(%arg11 : memref<32x128xf32, #tpu.memory_space<vmem>>) target(%dma_start3A_703 : memref<32x128xf32, #tpu.memory_space<vmem_shared>>) target_semaphore(%run_scoped3A : memref<!tpu.dma_semaphore, #tpu.memory_space<semaphore_mem>>)
      %dma_wait3A_704 = arith.constant 0 : i32
      %dma_wait3A_705 = tpu.memref_slice %arg8[%add3A_42, %dma_wait3A_704] : memref<10240x128xf32, #tpu.memory_space<vmem_shared>> -> memref<32x128xf32, #tpu.memory_space<vmem_shared>>
      %dma_wait3A_706 = arith.constant 0 : i32
      %dma_wait3A_707 = tpu.memref_slice %arg8[%add3A_42, %dma_wait3A_706] : memref<10240x128xf32, #tpu.memory_space<vmem_shared>> -> memref<32x128xf32, #tpu.memory_space<vmem_shared>>
      tpu.wait_dma2 semaphore(%run_scoped3A : memref<!tpu.dma_semaphore, #tpu.memory_space<semaphore_mem>>) src(%arg11 : memref<32x128xf32, #tpu.memory_space<vmem>>) dst(%dma_wait3A_707 : memref<32x128xf32, #tpu.memory_space<vmem_shared>>)
      tpu.yield
    }) : () -> ()
    %mul3A_43 = arith.constant 640 : i32
    %mul3A_44 = arith.muli %arg1, %mul3A_43 : i32
    %add3A_45 = arith.constant 256 : i32
    %add3A_46 = arith.addi %mul3A_44, %add3A_45 : i32
    "tpu.region"() ({
      %run_scoped3A = tpu.sem_alloc : memref<!tpu.dma_semaphore, #tpu.memory_space<semaphore_mem>>
      %dma_start3A_700 = arith.constant 0 : i32
      %dma_start3A_701 = tpu.memref_slice %arg8[%add3A_46, %dma_start3A_700] : memref<10240x128xf32, #tpu.memory_space<vmem_shared>> -> memref<32x128xf32, #tpu.memory_space<vmem_shared>>
      %dma_start3A_702 = arith.constant 0 : i32
      %dma_start3A_703 = tpu.memref_slice %arg8[%add3A_46, %dma_start3A_702] : memref<10240x128xf32, #tpu.memory_space<vmem_shared>> -> memref<32x128xf32, #tpu.memory_space<vmem_shared>>
      tpu.enqueue_dma source(%arg11 : memref<32x128xf32, #tpu.memory_space<vmem>>) target(%dma_start3A_703 : memref<32x128xf32, #tpu.memory_space<vmem_shared>>) target_semaphore(%run_scoped3A : memref<!tpu.dma_semaphore, #tpu.memory_space<semaphore_mem>>)
      %dma_wait3A_704 = arith.constant 0 : i32
      %dma_wait3A_705 = tpu.memref_slice %arg8[%add3A_46, %dma_wait3A_704] : memref<10240x128xf32, #tpu.memory_space<vmem_shared>> -> memref<32x128xf32, #tpu.memory_space<vmem_shared>>
      %dma_wait3A_706 = arith.constant 0 : i32
      %dma_wait3A_707 = tpu.memref_slice %arg8[%add3A_46, %dma_wait3A_706] : memref<10240x128xf32, #tpu.memory_space<vmem_shared>> -> memref<32x128xf32, #tpu.memory_space<vmem_shared>>
      tpu.wait_dma2 semaphore(%run_scoped3A : memref<!tpu.dma_semaphore, #tpu.memory_space<semaphore_mem>>) src(%arg11 : memref<32x128xf32, #tpu.memory_space<vmem>>) dst(%dma_wait3A_707 : memref<32x128xf32, #tpu.memory_space<vmem_shared>>)
      tpu.yield
    }) : () -> ()
    %mul3A_47 = arith.constant 640 : i32
    %mul3A_48 = arith.muli %arg1, %mul3A_47 : i32
    %add3A_49 = arith.constant 288 : i32
    %add3A_50 = arith.addi %mul3A_48, %add3A_49 : i32
    "tpu.region"() ({
      %run_scoped3A = tpu.sem_alloc : memref<!tpu.dma_semaphore, #tpu.memory_space<semaphore_mem>>
      %dma_start3A_700 = arith.constant 0 : i32
      %dma_start3A_701 = tpu.memref_slice %arg8[%add3A_50, %dma_start3A_700] : memref<10240x128xf32, #tpu.memory_space<vmem_shared>> -> memref<32x128xf32, #tpu.memory_space<vmem_shared>>
      %dma_start3A_702 = arith.constant 0 : i32
      %dma_start3A_703 = tpu.memref_slice %arg8[%add3A_50, %dma_start3A_702] : memref<10240x128xf32, #tpu.memory_space<vmem_shared>> -> memref<32x128xf32, #tpu.memory_space<vmem_shared>>
      tpu.enqueue_dma source(%arg11 : memref<32x128xf32, #tpu.memory_space<vmem>>) target(%dma_start3A_703 : memref<32x128xf32, #tpu.memory_space<vmem_shared>>) target_semaphore(%run_scoped3A : memref<!tpu.dma_semaphore, #tpu.memory_space<semaphore_mem>>)
      %dma_wait3A_704 = arith.constant 0 : i32
      %dma_wait3A_705 = tpu.memref_slice %arg8[%add3A_50, %dma_wait3A_704] : memref<10240x128xf32, #tpu.memory_space<vmem_shared>> -> memref<32x128xf32, #tpu.memory_space<vmem_shared>>
      %dma_wait3A_706 = arith.constant 0 : i32
      %dma_wait3A_707 = tpu.memref_slice %arg8[%add3A_50, %dma_wait3A_706] : memref<10240x128xf32, #tpu.memory_space<vmem_shared>> -> memref<32x128xf32, #tpu.memory_space<vmem_shared>>
      tpu.wait_dma2 semaphore(%run_scoped3A : memref<!tpu.dma_semaphore, #tpu.memory_space<semaphore_mem>>) src(%arg11 : memref<32x128xf32, #tpu.memory_space<vmem>>) dst(%dma_wait3A_707 : memref<32x128xf32, #tpu.memory_space<vmem_shared>>)
      tpu.yield
    }) : () -> ()
    %mul3A_51 = arith.constant 640 : i32
    %mul3A_52 = arith.muli %arg1, %mul3A_51 : i32
    %add3A_53 = arith.constant 320 : i32
    %add3A_54 = arith.addi %mul3A_52, %add3A_53 : i32
    "tpu.region"() ({
      %run_scoped3A = tpu.sem_alloc : memref<!tpu.dma_semaphore, #tpu.memory_space<semaphore_mem>>
      %dma_start3A_700 = arith.constant 0 : i32
      %dma_start3A_701 = tpu.memref_slice %arg8[%add3A_54, %dma_start3A_700] : memref<10240x128xf32, #tpu.memory_space<vmem_shared>> -> memref<32x128xf32, #tpu.memory_space<vmem_shared>>
      %dma_start3A_702 = arith.constant 0 : i32
      %dma_start3A_703 = tpu.memref_slice %arg8[%add3A_54, %dma_start3A_702] : memref<10240x128xf32, #tpu.memory_space<vmem_shared>> -> memref<32x128xf32, #tpu.memory_space<vmem_shared>>
      tpu.enqueue_dma source(%arg11 : memref<32x128xf32, #tpu.memory_space<vmem>>) target(%dma_start3A_703 : memref<32x128xf32, #tpu.memory_space<vmem_shared>>) target_semaphore(%run_scoped3A : memref<!tpu.dma_semaphore, #tpu.memory_space<semaphore_mem>>)
      %dma_wait3A_704 = arith.constant 0 : i32
      %dma_wait3A_705 = tpu.memref_slice %arg8[%add3A_54, %dma_wait3A_704] : memref<10240x128xf32, #tpu.memory_space<vmem_shared>> -> memref<32x128xf32, #tpu.memory_space<vmem_shared>>
      %dma_wait3A_706 = arith.constant 0 : i32
      %dma_wait3A_707 = tpu.memref_slice %arg8[%add3A_54, %dma_wait3A_706] : memref<10240x128xf32, #tpu.memory_space<vmem_shared>> -> memref<32x128xf32, #tpu.memory_space<vmem_shared>>
      tpu.wait_dma2 semaphore(%run_scoped3A : memref<!tpu.dma_semaphore, #tpu.memory_space<semaphore_mem>>) src(%arg11 : memref<32x128xf32, #tpu.memory_space<vmem>>) dst(%dma_wait3A_707 : memref<32x128xf32, #tpu.memory_space<vmem_shared>>)
      tpu.yield
    }) : () -> ()
    %mul3A_55 = arith.constant 640 : i32
    %mul3A_56 = arith.muli %arg1, %mul3A_55 : i32
    %add3A_57 = arith.constant 352 : i32
    %add3A_58 = arith.addi %mul3A_56, %add3A_57 : i32
    "tpu.region"() ({
      %run_scoped3A = tpu.sem_alloc : memref<!tpu.dma_semaphore, #tpu.memory_space<semaphore_mem>>
      %dma_start3A_700 = arith.constant 0 : i32
      %dma_start3A_701 = tpu.memref_slice %arg8[%add3A_58, %dma_start3A_700] : memref<10240x128xf32, #tpu.memory_space<vmem_shared>> -> memref<32x128xf32, #tpu.memory_space<vmem_shared>>
      %dma_start3A_702 = arith.constant 0 : i32
      %dma_start3A_703 = tpu.memref_slice %arg8[%add3A_58, %dma_start3A_702] : memref<10240x128xf32, #tpu.memory_space<vmem_shared>> -> memref<32x128xf32, #tpu.memory_space<vmem_shared>>
      tpu.enqueue_dma source(%arg11 : memref<32x128xf32, #tpu.memory_space<vmem>>) target(%dma_start3A_703 : memref<32x128xf32, #tpu.memory_space<vmem_shared>>) target_semaphore(%run_scoped3A : memref<!tpu.dma_semaphore, #tpu.memory_space<semaphore_mem>>)
      %dma_wait3A_704 = arith.constant 0 : i32
      %dma_wait3A_705 = tpu.memref_slice %arg8[%add3A_58, %dma_wait3A_704] : memref<10240x128xf32, #tpu.memory_space<vmem_shared>> -> memref<32x128xf32, #tpu.memory_space<vmem_shared>>
      %dma_wait3A_706 = arith.constant 0 : i32
      %dma_wait3A_707 = tpu.memref_slice %arg8[%add3A_58, %dma_wait3A_706] : memref<10240x128xf32, #tpu.memory_space<vmem_shared>> -> memref<32x128xf32, #tpu.memory_space<vmem_shared>>
      tpu.wait_dma2 semaphore(%run_scoped3A : memref<!tpu.dma_semaphore, #tpu.memory_space<semaphore_mem>>) src(%arg11 : memref<32x128xf32, #tpu.memory_space<vmem>>) dst(%dma_wait3A_707 : memref<32x128xf32, #tpu.memory_space<vmem_shared>>)
      tpu.yield
    }) : () -> ()
    %mul3A_59 = arith.constant 640 : i32
    %mul3A_60 = arith.muli %arg1, %mul3A_59 : i32
    %add3A_61 = arith.constant 384 : i32
    %add3A_62 = arith.addi %mul3A_60, %add3A_61 : i32
    "tpu.region"() ({
      %run_scoped3A = tpu.sem_alloc : memref<!tpu.dma_semaphore, #tpu.memory_space<semaphore_mem>>
      %dma_start3A_700 = arith.constant 0 : i32
      %dma_start3A_701 = tpu.memref_slice %arg8[%add3A_62, %dma_start3A_700] : memref<10240x128xf32, #tpu.memory_space<vmem_shared>> -> memref<32x128xf32, #tpu.memory_space<vmem_shared>>
      %dma_start3A_702 = arith.constant 0 : i32
      %dma_start3A_703 = tpu.memref_slice %arg8[%add3A_62, %dma_start3A_702] : memref<10240x128xf32, #tpu.memory_space<vmem_shared>> -> memref<32x128xf32, #tpu.memory_space<vmem_shared>>
      tpu.enqueue_dma source(%arg11 : memref<32x128xf32, #tpu.memory_space<vmem>>) target(%dma_start3A_703 : memref<32x128xf32, #tpu.memory_space<vmem_shared>>) target_semaphore(%run_scoped3A : memref<!tpu.dma_semaphore, #tpu.memory_space<semaphore_mem>>)
      %dma_wait3A_704 = arith.constant 0 : i32
      %dma_wait3A_705 = tpu.memref_slice %arg8[%add3A_62, %dma_wait3A_704] : memref<10240x128xf32, #tpu.memory_space<vmem_shared>> -> memref<32x128xf32, #tpu.memory_space<vmem_shared>>
      %dma_wait3A_706 = arith.constant 0 : i32
      %dma_wait3A_707 = tpu.memref_slice %arg8[%add3A_62, %dma_wait3A_706] : memref<10240x128xf32, #tpu.memory_space<vmem_shared>> -> memref<32x128xf32, #tpu.memory_space<vmem_shared>>
      tpu.wait_dma2 semaphore(%run_scoped3A : memref<!tpu.dma_semaphore, #tpu.memory_space<semaphore_mem>>) src(%arg11 : memref<32x128xf32, #tpu.memory_space<vmem>>) dst(%dma_wait3A_707 : memref<32x128xf32, #tpu.memory_space<vmem_shared>>)
      tpu.yield
    }) : () -> ()
    %mul3A_63 = arith.constant 640 : i32
    %mul3A_64 = arith.muli %arg1, %mul3A_63 : i32
    %add3A_65 = arith.constant 416 : i32
    %add3A_66 = arith.addi %mul3A_64, %add3A_65 : i32
    "tpu.region"() ({
      %run_scoped3A = tpu.sem_alloc : memref<!tpu.dma_semaphore, #tpu.memory_space<semaphore_mem>>
      %dma_start3A_700 = arith.constant 0 : i32
      %dma_start3A_701 = tpu.memref_slice %arg8[%add3A_66, %dma_start3A_700] : memref<10240x128xf32, #tpu.memory_space<vmem_shared>> -> memref<32x128xf32, #tpu.memory_space<vmem_shared>>
      %dma_start3A_702 = arith.constant 0 : i32
      %dma_start3A_703 = tpu.memref_slice %arg8[%add3A_66, %dma_start3A_702] : memref<10240x128xf32, #tpu.memory_space<vmem_shared>> -> memref<32x128xf32, #tpu.memory_space<vmem_shared>>
      tpu.enqueue_dma source(%arg11 : memref<32x128xf32, #tpu.memory_space<vmem>>) target(%dma_start3A_703 : memref<32x128xf32, #tpu.memory_space<vmem_shared>>) target_semaphore(%run_scoped3A : memref<!tpu.dma_semaphore, #tpu.memory_space<semaphore_mem>>)
      %dma_wait3A_704 = arith.constant 0 : i32
      %dma_wait3A_705 = tpu.memref_slice %arg8[%add3A_66, %dma_wait3A_704] : memref<10240x128xf32, #tpu.memory_space<vmem_shared>> -> memref<32x128xf32, #tpu.memory_space<vmem_shared>>
      %dma_wait3A_706 = arith.constant 0 : i32
      %dma_wait3A_707 = tpu.memref_slice %arg8[%add3A_66, %dma_wait3A_706] : memref<10240x128xf32, #tpu.memory_space<vmem_shared>> -> memref<32x128xf32, #tpu.memory_space<vmem_shared>>
      tpu.wait_dma2 semaphore(%run_scoped3A : memref<!tpu.dma_semaphore, #tpu.memory_space<semaphore_mem>>) src(%arg11 : memref<32x128xf32, #tpu.memory_space<vmem>>) dst(%dma_wait3A_707 : memref<32x128xf32, #tpu.memory_space<vmem_shared>>)
      tpu.yield
    }) : () -> ()
    %mul3A_67 = arith.constant 640 : i32
    %mul3A_68 = arith.muli %arg1, %mul3A_67 : i32
    %add3A_69 = arith.constant 448 : i32
    %add3A_70 = arith.addi %mul3A_68, %add3A_69 : i32
    "tpu.region"() ({
      %run_scoped3A = tpu.sem_alloc : memref<!tpu.dma_semaphore, #tpu.memory_space<semaphore_mem>>
      %dma_start3A_700 = arith.constant 0 : i32
      %dma_start3A_701 = tpu.memref_slice %arg8[%add3A_70, %dma_start3A_700] : memref<10240x128xf32, #tpu.memory_space<vmem_shared>> -> memref<32x128xf32, #tpu.memory_space<vmem_shared>>
      %dma_start3A_702 = arith.constant 0 : i32
      %dma_start3A_703 = tpu.memref_slice %arg8[%add3A_70, %dma_start3A_702] : memref<10240x128xf32, #tpu.memory_space<vmem_shared>> -> memref<32x128xf32, #tpu.memory_space<vmem_shared>>
      tpu.enqueue_dma source(%arg11 : memref<32x128xf32, #tpu.memory_space<vmem>>) target(%dma_start3A_703 : memref<32x128xf32, #tpu.memory_space<vmem_shared>>) target_semaphore(%run_scoped3A : memref<!tpu.dma_semaphore, #tpu.memory_space<semaphore_mem>>)
      %dma_wait3A_704 = arith.constant 0 : i32
      %dma_wait3A_705 = tpu.memref_slice %arg8[%add3A_70, %dma_wait3A_704] : memref<10240x128xf32, #tpu.memory_space<vmem_shared>> -> memref<32x128xf32, #tpu.memory_space<vmem_shared>>
      %dma_wait3A_706 = arith.constant 0 : i32
      %dma_wait3A_707 = tpu.memref_slice %arg8[%add3A_70, %dma_wait3A_706] : memref<10240x128xf32, #tpu.memory_space<vmem_shared>> -> memref<32x128xf32, #tpu.memory_space<vmem_shared>>
      tpu.wait_dma2 semaphore(%run_scoped3A : memref<!tpu.dma_semaphore, #tpu.memory_space<semaphore_mem>>) src(%arg11 : memref<32x128xf32, #tpu.memory_space<vmem>>) dst(%dma_wait3A_707 : memref<32x128xf32, #tpu.memory_space<vmem_shared>>)
      tpu.yield
    }) : () -> ()
    %mul3A_71 = arith.constant 640 : i32
    %mul3A_72 = arith.muli %arg1, %mul3A_71 : i32
    %add3A_73 = arith.constant 480 : i32
    %add3A_74 = arith.addi %mul3A_72, %add3A_73 : i32
    "tpu.region"() ({
      %run_scoped3A = tpu.sem_alloc : memref<!tpu.dma_semaphore, #tpu.memory_space<semaphore_mem>>
      %dma_start3A_700 = arith.constant 0 : i32
      %dma_start3A_701 = tpu.memref_slice %arg8[%add3A_74, %dma_start3A_700] : memref<10240x128xf32, #tpu.memory_space<vmem_shared>> -> memref<32x128xf32, #tpu.memory_space<vmem_shared>>
      %dma_start3A_702 = arith.constant 0 : i32
      %dma_start3A_703 = tpu.memref_slice %arg8[%add3A_74, %dma_start3A_702] : memref<10240x128xf32, #tpu.memory_space<vmem_shared>> -> memref<32x128xf32, #tpu.memory_space<vmem_shared>>
      tpu.enqueue_dma source(%arg11 : memref<32x128xf32, #tpu.memory_space<vmem>>) target(%dma_start3A_703 : memref<32x128xf32, #tpu.memory_space<vmem_shared>>) target_semaphore(%run_scoped3A : memref<!tpu.dma_semaphore, #tpu.memory_space<semaphore_mem>>)
      %dma_wait3A_704 = arith.constant 0 : i32
      %dma_wait3A_705 = tpu.memref_slice %arg8[%add3A_74, %dma_wait3A_704] : memref<10240x128xf32, #tpu.memory_space<vmem_shared>> -> memref<32x128xf32, #tpu.memory_space<vmem_shared>>
      %dma_wait3A_706 = arith.constant 0 : i32
      %dma_wait3A_707 = tpu.memref_slice %arg8[%add3A_74, %dma_wait3A_706] : memref<10240x128xf32, #tpu.memory_space<vmem_shared>> -> memref<32x128xf32, #tpu.memory_space<vmem_shared>>
      tpu.wait_dma2 semaphore(%run_scoped3A : memref<!tpu.dma_semaphore, #tpu.memory_space<semaphore_mem>>) src(%arg11 : memref<32x128xf32, #tpu.memory_space<vmem>>) dst(%dma_wait3A_707 : memref<32x128xf32, #tpu.memory_space<vmem_shared>>)
      tpu.yield
    }) : () -> ()
    %mul3A_75 = arith.constant 640 : i32
    %mul3A_76 = arith.muli %arg1, %mul3A_75 : i32
    %add3A_77 = arith.constant 512 : i32
    %add3A_78 = arith.addi %mul3A_76, %add3A_77 : i32
    "tpu.region"() ({
      %run_scoped3A = tpu.sem_alloc : memref<!tpu.dma_semaphore, #tpu.memory_space<semaphore_mem>>
      %dma_start3A_700 = arith.constant 0 : i32
      %dma_start3A_701 = tpu.memref_slice %arg8[%add3A_78, %dma_start3A_700] : memref<10240x128xf32, #tpu.memory_space<vmem_shared>> -> memref<32x128xf32, #tpu.memory_space<vmem_shared>>
      %dma_start3A_702 = arith.constant 0 : i32
      %dma_start3A_703 = tpu.memref_slice %arg8[%add3A_78, %dma_start3A_702] : memref<10240x128xf32, #tpu.memory_space<vmem_shared>> -> memref<32x128xf32, #tpu.memory_space<vmem_shared>>
      tpu.enqueue_dma source(%arg11 : memref<32x128xf32, #tpu.memory_space<vmem>>) target(%dma_start3A_703 : memref<32x128xf32, #tpu.memory_space<vmem_shared>>) target_semaphore(%run_scoped3A : memref<!tpu.dma_semaphore, #tpu.memory_space<semaphore_mem>>)
      %dma_wait3A_704 = arith.constant 0 : i32
      %dma_wait3A_705 = tpu.memref_slice %arg8[%add3A_78, %dma_wait3A_704] : memref<10240x128xf32, #tpu.memory_space<vmem_shared>> -> memref<32x128xf32, #tpu.memory_space<vmem_shared>>
      %dma_wait3A_706 = arith.constant 0 : i32
      %dma_wait3A_707 = tpu.memref_slice %arg8[%add3A_78, %dma_wait3A_706] : memref<10240x128xf32, #tpu.memory_space<vmem_shared>> -> memref<32x128xf32, #tpu.memory_space<vmem_shared>>
      tpu.wait_dma2 semaphore(%run_scoped3A : memref<!tpu.dma_semaphore, #tpu.memory_space<semaphore_mem>>) src(%arg11 : memref<32x128xf32, #tpu.memory_space<vmem>>) dst(%dma_wait3A_707 : memref<32x128xf32, #tpu.memory_space<vmem_shared>>)
      tpu.yield
    }) : () -> ()
    %mul3A_79 = arith.constant 640 : i32
    %mul3A_80 = arith.muli %arg1, %mul3A_79 : i32
    %add3A_81 = arith.constant 544 : i32
    %add3A_82 = arith.addi %mul3A_80, %add3A_81 : i32
    "tpu.region"() ({
      %run_scoped3A = tpu.sem_alloc : memref<!tpu.dma_semaphore, #tpu.memory_space<semaphore_mem>>
      %dma_start3A_700 = arith.constant 0 : i32
      %dma_start3A_701 = tpu.memref_slice %arg8[%add3A_82, %dma_start3A_700] : memref<10240x128xf32, #tpu.memory_space<vmem_shared>> -> memref<32x128xf32, #tpu.memory_space<vmem_shared>>
      %dma_start3A_702 = arith.constant 0 : i32
      %dma_start3A_703 = tpu.memref_slice %arg8[%add3A_82, %dma_start3A_702] : memref<10240x128xf32, #tpu.memory_space<vmem_shared>> -> memref<32x128xf32, #tpu.memory_space<vmem_shared>>
      tpu.enqueue_dma source(%arg11 : memref<32x128xf32, #tpu.memory_space<vmem>>) target(%dma_start3A_703 : memref<32x128xf32, #tpu.memory_space<vmem_shared>>) target_semaphore(%run_scoped3A : memref<!tpu.dma_semaphore, #tpu.memory_space<semaphore_mem>>)
      %dma_wait3A_704 = arith.constant 0 : i32
      %dma_wait3A_705 = tpu.memref_slice %arg8[%add3A_82, %dma_wait3A_704] : memref<10240x128xf32, #tpu.memory_space<vmem_shared>> -> memref<32x128xf32, #tpu.memory_space<vmem_shared>>
      %dma_wait3A_706 = arith.constant 0 : i32
      %dma_wait3A_707 = tpu.memref_slice %arg8[%add3A_82, %dma_wait3A_706] : memref<10240x128xf32, #tpu.memory_space<vmem_shared>> -> memref<32x128xf32, #tpu.memory_space<vmem_shared>>
      tpu.wait_dma2 semaphore(%run_scoped3A : memref<!tpu.dma_semaphore, #tpu.memory_space<semaphore_mem>>) src(%arg11 : memref<32x128xf32, #tpu.memory_space<vmem>>) dst(%dma_wait3A_707 : memref<32x128xf32, #tpu.memory_space<vmem_shared>>)
      tpu.yield
    }) : () -> ()
    %mul3A_83 = arith.constant 640 : i32
    %mul3A_84 = arith.muli %arg1, %mul3A_83 : i32
    %add3A_85 = arith.constant 576 : i32
    %add3A_86 = arith.addi %mul3A_84, %add3A_85 : i32
    "tpu.region"() ({
      %run_scoped3A = tpu.sem_alloc : memref<!tpu.dma_semaphore, #tpu.memory_space<semaphore_mem>>
      %dma_start3A_700 = arith.constant 0 : i32
      %dma_start3A_701 = tpu.memref_slice %arg8[%add3A_86, %dma_start3A_700] : memref<10240x128xf32, #tpu.memory_space<vmem_shared>> -> memref<32x128xf32, #tpu.memory_space<vmem_shared>>
      %dma_start3A_702 = arith.constant 0 : i32
      %dma_start3A_703 = tpu.memref_slice %arg8[%add3A_86, %dma_start3A_702] : memref<10240x128xf32, #tpu.memory_space<vmem_shared>> -> memref<32x128xf32, #tpu.memory_space<vmem_shared>>
      tpu.enqueue_dma source(%arg11 : memref<32x128xf32, #tpu.memory_space<vmem>>) target(%dma_start3A_703 : memref<32x128xf32, #tpu.memory_space<vmem_shared>>) target_semaphore(%run_scoped3A : memref<!tpu.dma_semaphore, #tpu.memory_space<semaphore_mem>>)
      %dma_wait3A_704 = arith.constant 0 : i32
      %dma_wait3A_705 = tpu.memref_slice %arg8[%add3A_86, %dma_wait3A_704] : memref<10240x128xf32, #tpu.memory_space<vmem_shared>> -> memref<32x128xf32, #tpu.memory_space<vmem_shared>>
      %dma_wait3A_706 = arith.constant 0 : i32
      %dma_wait3A_707 = tpu.memref_slice %arg8[%add3A_86, %dma_wait3A_706] : memref<10240x128xf32, #tpu.memory_space<vmem_shared>> -> memref<32x128xf32, #tpu.memory_space<vmem_shared>>
      tpu.wait_dma2 semaphore(%run_scoped3A : memref<!tpu.dma_semaphore, #tpu.memory_space<semaphore_mem>>) src(%arg11 : memref<32x128xf32, #tpu.memory_space<vmem>>) dst(%dma_wait3A_707 : memref<32x128xf32, #tpu.memory_space<vmem_shared>>)
      tpu.yield
    }) : () -> ()
    %mul3A_87 = arith.constant 640 : i32
    %mul3A_88 = arith.muli %arg1, %mul3A_87 : i32
    %add3A_89 = arith.constant 608 : i32
    %add3A_90 = arith.addi %mul3A_88, %add3A_89 : i32
    "tpu.region"() ({
      %run_scoped3A = tpu.sem_alloc : memref<!tpu.dma_semaphore, #tpu.memory_space<semaphore_mem>>
      %dma_start3A_700 = arith.constant 0 : i32
      %dma_start3A_701 = tpu.memref_slice %arg8[%add3A_90, %dma_start3A_700] : memref<10240x128xf32, #tpu.memory_space<vmem_shared>> -> memref<32x128xf32, #tpu.memory_space<vmem_shared>>
      %dma_start3A_702 = arith.constant 0 : i32
      %dma_start3A_703 = tpu.memref_slice %arg8[%add3A_90, %dma_start3A_702] : memref<10240x128xf32, #tpu.memory_space<vmem_shared>> -> memref<32x128xf32, #tpu.memory_space<vmem_shared>>
      tpu.enqueue_dma source(%arg11 : memref<32x128xf32, #tpu.memory_space<vmem>>) target(%dma_start3A_703 : memref<32x128xf32, #tpu.memory_space<vmem_shared>>) target_semaphore(%run_scoped3A : memref<!tpu.dma_semaphore, #tpu.memory_space<semaphore_mem>>)
      %dma_wait3A_704 = arith.constant 0 : i32
      %dma_wait3A_705 = tpu.memref_slice %arg8[%add3A_90, %dma_wait3A_704] : memref<10240x128xf32, #tpu.memory_space<vmem_shared>> -> memref<32x128xf32, #tpu.memory_space<vmem_shared>>
      %dma_wait3A_706 = arith.constant 0 : i32
      %dma_wait3A_707 = tpu.memref_slice %arg8[%add3A_90, %dma_wait3A_706] : memref<10240x128xf32, #tpu.memory_space<vmem_shared>> -> memref<32x128xf32, #tpu.memory_space<vmem_shared>>
      tpu.wait_dma2 semaphore(%run_scoped3A : memref<!tpu.dma_semaphore, #tpu.memory_space<semaphore_mem>>) src(%arg11 : memref<32x128xf32, #tpu.memory_space<vmem>>) dst(%dma_wait3A_707 : memref<32x128xf32, #tpu.memory_space<vmem_shared>>)
      tpu.yield
    }) : () -> ()
    %mul3A_91 = arith.constant 640 : i32
    %mul3A_92 = arith.muli %arg1, %mul3A_91 : i32
    "tpu.region"() ({
      %run_scoped3A = tpu.sem_alloc : memref<!tpu.dma_semaphore, #tpu.memory_space<semaphore_mem>>
      %dma_start3A_700 = tpu.memref_slice %arg9[%mul3A_92] : memref<10240xf32, #tpu.memory_space<vmem_shared>> -> memref<640xf32, #tpu.memory_space<vmem_shared>>
      %dma_start3A_701 = tpu.memref_slice %arg9[%mul3A_92] : memref<10240xf32, #tpu.memory_space<vmem_shared>> -> memref<640xf32, #tpu.memory_space<vmem_shared>>
      tpu.enqueue_dma source(%arg12 : memref<640xf32, #tpu.memory_space<vmem>>) target(%dma_start3A_701 : memref<640xf32, #tpu.memory_space<vmem_shared>>) target_semaphore(%run_scoped3A : memref<!tpu.dma_semaphore, #tpu.memory_space<semaphore_mem>>)
      %dma_wait3A_702 = tpu.memref_slice %arg9[%mul3A_92] : memref<10240xf32, #tpu.memory_space<vmem_shared>> -> memref<640xf32, #tpu.memory_space<vmem_shared>>
      %dma_wait3A_703 = tpu.memref_slice %arg9[%mul3A_92] : memref<10240xf32, #tpu.memory_space<vmem_shared>> -> memref<640xf32, #tpu.memory_space<vmem_shared>>
      tpu.wait_dma2 semaphore(%run_scoped3A : memref<!tpu.dma_semaphore, #tpu.memory_space<semaphore_mem>>) src(%arg12 : memref<640xf32, #tpu.memory_space<vmem>>) dst(%dma_wait3A_703 : memref<640xf32, #tpu.memory_space<vmem_shared>>)
      tpu.yield
    }) : () -> ()
    %mul3A_93 = arith.constant 640 : i32
    %mul3A_94 = arith.muli %arg1, %mul3A_93 : i32
    %mul3A_95 = arith.constant 640 : i32
    %mul3A_96 = arith.muli %arg1, %mul3A_95 : i32
    "tpu.region"() ({
      %run_scoped3A = tpu.sem_alloc : memref<!tpu.dma_semaphore, #tpu.memory_space<semaphore_mem>>
      %dma_start3A_700 = tpu.memref_slice %arg10[%mul3A_96] : memref<10240xf32, #tpu.memory_space<vmem_shared>> -> memref<640xf32, #tpu.memory_space<vmem_shared>>
      %dma_start3A_701 = tpu.memref_slice %arg4[%mul3A_94] : memref<10240xf32, #tpu.memory_space<hbm>> -> memref<640xf32, #tpu.memory_space<hbm>>
      tpu.enqueue_dma source(%dma_start3A_701 : memref<640xf32, #tpu.memory_space<hbm>>) target(%dma_start3A_700 : memref<640xf32, #tpu.memory_space<vmem_shared>>) target_semaphore(%run_scoped3A : memref<!tpu.dma_semaphore, #tpu.memory_space<semaphore_mem>>)
      %dma_wait3A_702 = tpu.memref_slice %arg10[%mul3A_96] : memref<10240xf32, #tpu.memory_space<vmem_shared>> -> memref<640xf32, #tpu.memory_space<vmem_shared>>
      %dma_wait3A_703 = tpu.memref_slice %arg4[%mul3A_94] : memref<10240xf32, #tpu.memory_space<hbm>> -> memref<640xf32, #tpu.memory_space<hbm>>
      tpu.wait_dma2 semaphore(%run_scoped3A : memref<!tpu.dma_semaphore, #tpu.memory_space<semaphore_mem>>) src(%dma_wait3A_703 : memref<640xf32, #tpu.memory_space<hbm>>) dst(%dma_wait3A_702 : memref<640xf32, #tpu.memory_space<vmem_shared>>)
      tpu.yield
    }) : () -> ()
    %mul3A_97 = arith.constant 16 : i32
    %mul3A_98 = arith.muli %arg0, %mul3A_97 : i32
    %add3A_99 = arith.addi %mul3A_98, %arg1 : i32
    %mul3A_100 = arith.constant 79 : i32
    %mul3A_101 = arith.muli %add3A_99, %mul3A_100 : i32
    %add3A_102 = arith.constant 0 : i32
    %add3A_103 = arith.addi %mul3A_101, %add3A_102 : i32
    %dma_start3A = arith.constant 0 : i32
    %dma_start3A_104 = arith.constant 0 : i32
    %dma_start3A_105 = arith.constant 0 : i32
    %dma_start3A_106 = tpu.memref_slice %arg2[%dma_start3A, %add3A_103, %dma_start3A_104, %dma_start3A_105] : memref<2x2528x1x128xi32, #tpu.memory_space<hbm>> -> memref<2x1x1x128xi32, #tpu.memory_space<hbm>>
    %dma_start3A_107 = tpu.memref_squeeze %dma_start3A_106 : memref<2x1x1x128xi32, #tpu.memory_space<hbm>> -> memref<2x1x128xi32, #tpu.memory_space<hbm>>
    %dma_start3A_108 = arith.constant 0 : i32
    %dma_start3A_109 = arith.constant 0 : i32
    %dma_start3A_110 = arith.constant 0 : i32
    %dma_start3A_111 = tpu.memref_slice %arg2[%dma_start3A_108, %add3A_103, %dma_start3A_109, %dma_start3A_110] : memref<2x2528x1x128xi32, #tpu.memory_space<hbm>> -> memref<2x1x1x128xi32, #tpu.memory_space<hbm>>
    %dma_start3A_112 = tpu.memref_squeeze %dma_start3A_111 : memref<2x1x1x128xi32, #tpu.memory_space<hbm>> -> memref<2x1x128xi32, #tpu.memory_space<hbm>>
    tpu.enqueue_dma source(%dma_start3A_112 : memref<2x1x128xi32, #tpu.memory_space<hbm>>) target(%arg13 : memref<2x1x128xi32, #tpu.memory_space<vmem>>) target_semaphore(%arg20 : memref<!tpu.dma_semaphore, #tpu.memory_space<semaphore_mem>>)
    %add3A_113 = arith.constant 1 : i32
    %add3A_114 = arith.addi %mul3A_101, %add3A_113 : i32
    %dma_start3A_115 = arith.constant 0 : i32
    %dma_start3A_116 = arith.constant 0 : i32
    %dma_start3A_117 = arith.constant 0 : i32
    %dma_start3A_118 = tpu.memref_slice %arg2[%dma_start3A_115, %add3A_114, %dma_start3A_116, %dma_start3A_117] : memref<2x2528x1x128xi32, #tpu.memory_space<hbm>> -> memref<2x1x1x128xi32, #tpu.memory_space<hbm>>
    %dma_start3A_119 = tpu.memref_squeeze %dma_start3A_118 : memref<2x1x1x128xi32, #tpu.memory_space<hbm>> -> memref<2x1x128xi32, #tpu.memory_space<hbm>>
    %dma_start3A_120 = arith.constant 0 : i32
    %dma_start3A_121 = arith.constant 0 : i32
    %dma_start3A_122 = arith.constant 0 : i32
    %dma_start3A_123 = tpu.memref_slice %arg2[%dma_start3A_120, %add3A_114, %dma_start3A_121, %dma_start3A_122] : memref<2x2528x1x128xi32, #tpu.memory_space<hbm>> -> memref<2x1x1x128xi32, #tpu.memory_space<hbm>>
    %dma_start3A_124 = tpu.memref_squeeze %dma_start3A_123 : memref<2x1x1x128xi32, #tpu.memory_space<hbm>> -> memref<2x1x128xi32, #tpu.memory_space<hbm>>
    tpu.enqueue_dma source(%dma_start3A_124 : memref<2x1x128xi32, #tpu.memory_space<hbm>>) target(%arg14 : memref<2x1x128xi32, #tpu.memory_space<vmem>>) target_semaphore(%arg21 : memref<!tpu.dma_semaphore, #tpu.memory_space<semaphore_mem>>)
    %dma_wait3A = arith.constant 0 : i32
    %dma_wait3A_125 = arith.constant 0 : i32
    %dma_wait3A_126 = arith.constant 0 : i32
    %dma_wait3A_127 = arith.constant 0 : i32
    %dma_wait3A_128 = tpu.memref_slice %arg2[%dma_wait3A_125, %dma_wait3A, %dma_wait3A_126, %dma_wait3A_127] : memref<2x2528x1x128xi32, #tpu.memory_space<hbm>> -> memref<2x1x1x128xi32, #tpu.memory_space<hbm>>
    %dma_wait3A_129 = tpu.memref_squeeze %dma_wait3A_128 : memref<2x1x1x128xi32, #tpu.memory_space<hbm>> -> memref<2x1x128xi32, #tpu.memory_space<hbm>>
    %dma_wait3A_130 = arith.constant 0 : i32
    %dma_wait3A_131 = arith.constant 0 : i32
    %dma_wait3A_132 = arith.constant 0 : i32
    %dma_wait3A_133 = tpu.memref_slice %arg2[%dma_wait3A_130, %dma_wait3A, %dma_wait3A_131, %dma_wait3A_132] : memref<2x2528x1x128xi32, #tpu.memory_space<hbm>> -> memref<2x1x1x128xi32, #tpu.memory_space<hbm>>
    %dma_wait3A_134 = tpu.memref_squeeze %dma_wait3A_133 : memref<2x1x1x128xi32, #tpu.memory_space<hbm>> -> memref<2x1x128xi32, #tpu.memory_space<hbm>>
    tpu.wait_dma2 semaphore(%arg20 : memref<!tpu.dma_semaphore, #tpu.memory_space<semaphore_mem>>) src(%dma_wait3A_134 : memref<2x1x128xi32, #tpu.memory_space<hbm>>) dst(%arg13 : memref<2x1x128xi32, #tpu.memory_space<vmem>>)
    %barrier3A = arith.constant 0 : index
    tpu.barrier barrier_id(%barrier3A)
    %dma_start3A_135 = arith.constant 0 : i32
    %dma_start3A_136 = arith.constant 0 : i32
    %dma_start3A_137 = arith.constant 0 : i32
    %dma_start3A_138 = tpu.memref_slice %arg13[%dma_start3A_135, %dma_start3A_136, %dma_start3A_137] : memref<2x1x128xi32, #tpu.memory_space<vmem>> -> memref<1x1x128xi32, #tpu.memory_space<vmem>>
    %dma_start3A_139 = tpu.memref_squeeze %dma_start3A_138 : memref<1x1x128xi32, #tpu.memory_space<vmem>> -> memref<128xi32, #tpu.memory_space<vmem>>
    %dma_start3A_140 = arith.constant 0 : i32
    %dma_start3A_141 = arith.constant 0 : i32
    %dma_start3A_142 = tpu.memref_slice %arg3[%dma_start3A_140, %dma_start3A_141] : memref<10240x128xf32, #tpu.memory_space<hbm>> -> memref<10240x128xf32, #tpu.memory_space<hbm>>
    tpu.enqueue_indirect_dma source(%dma_start3A_142 : memref<10240x128xf32, #tpu.memory_space<hbm>>) target(%arg16 : memref<128x128xf32, #tpu.memory_space<vmem>>) offsets(%dma_start3A_139 : memref<128xi32, #tpu.memory_space<vmem>>) semaphore(%arg23 : memref<!tpu.dma_semaphore, #tpu.memory_space<semaphore_mem>>)
    %dma_start3A_143 = arith.constant 1 : i32
    %dma_start3A_144 = arith.constant 0 : i32
    %dma_start3A_145 = arith.constant 0 : i32
    %dma_start3A_146 = tpu.memref_slice %arg13[%dma_start3A_143, %dma_start3A_144, %dma_start3A_145] : memref<2x1x128xi32, #tpu.memory_space<vmem>> -> memref<1x1x128xi32, #tpu.memory_space<vmem>>
    %dma_start3A_147 = tpu.memref_squeeze %dma_start3A_146 : memref<1x1x128xi32, #tpu.memory_space<vmem>> -> memref<128xi32, #tpu.memory_space<vmem>>
    %dma_start3A_148 = arith.constant 0 : i32
    %dma_start3A_149 = tpu.memref_slice %arg10[%dma_start3A_148] : memref<10240xf32, #tpu.memory_space<vmem_shared>> -> memref<10240xf32, #tpu.memory_space<vmem_shared>>
    tpu.enqueue_indirect_dma source(%dma_start3A_149 : memref<10240xf32, #tpu.memory_space<vmem_shared>>) target(%arg18 : memref<128xf32, #tpu.memory_space<vmem>>) offsets(%dma_start3A_147 : memref<128xi32, #tpu.memory_space<vmem>>) semaphore(%arg25 : memref<!tpu.dma_semaphore, #tpu.memory_space<semaphore_mem>>)
    %add3A_150 = arith.constant 2 : i32
    %add3A_151 = arith.addi %mul3A_101, %add3A_150 : i32
    %dma_start3A_152 = arith.constant 0 : i32
    %dma_start3A_153 = arith.constant 0 : i32
    %dma_start3A_154 = arith.constant 0 : i32
    %dma_start3A_155 = tpu.memref_slice %arg2[%dma_start3A_152, %add3A_151, %dma_start3A_153, %dma_start3A_154] : memref<2x2528x1x128xi32, #tpu.memory_space<hbm>> -> memref<2x1x1x128xi32, #tpu.memory_space<hbm>>
    %dma_start3A_156 = tpu.memref_squeeze %dma_start3A_155 : memref<2x1x1x128xi32, #tpu.memory_space<hbm>> -> memref<2x1x128xi32, #tpu.memory_space<hbm>>
    %dma_start3A_157 = arith.constant 0 : i32
    %dma_start3A_158 = arith.constant 0 : i32
    %dma_start3A_159 = arith.constant 0 : i32
    %dma_start3A_160 = tpu.memref_slice %arg2[%dma_start3A_157, %add3A_151, %dma_start3A_158, %dma_start3A_159] : memref<2x2528x1x128xi32, #tpu.memory_space<hbm>> -> memref<2x1x1x128xi32, #tpu.memory_space<hbm>>
    %dma_start3A_161 = tpu.memref_squeeze %dma_start3A_160 : memref<2x1x1x128xi32, #tpu.memory_space<hbm>> -> memref<2x1x128xi32, #tpu.memory_space<hbm>>
    tpu.enqueue_dma source(%dma_start3A_161 : memref<2x1x128xi32, #tpu.memory_space<hbm>>) target(%arg15 : memref<2x1x128xi32, #tpu.memory_space<vmem>>) target_semaphore(%arg22 : memref<!tpu.dma_semaphore, #tpu.memory_space<semaphore_mem>>)
    %dma_wait3A_162 = arith.constant 0 : i32
    %dma_wait3A_163 = arith.constant 0 : i32
    %dma_wait3A_164 = arith.constant 0 : i32
    %dma_wait3A_165 = arith.constant 0 : i32
    %dma_wait3A_166 = tpu.memref_slice %arg2[%dma_wait3A_163, %dma_wait3A_162, %dma_wait3A_164, %dma_wait3A_165] : memref<2x2528x1x128xi32, #tpu.memory_space<hbm>> -> memref<2x1x1x128xi32, #tpu.memory_space<hbm>>
    %dma_wait3A_167 = tpu.memref_squeeze %dma_wait3A_166 : memref<2x1x1x128xi32, #tpu.memory_space<hbm>> -> memref<2x1x128xi32, #tpu.memory_space<hbm>>
    %dma_wait3A_168 = arith.constant 0 : i32
    %dma_wait3A_169 = arith.constant 0 : i32
    %dma_wait3A_170 = arith.constant 0 : i32
    %dma_wait3A_171 = tpu.memref_slice %arg2[%dma_wait3A_168, %dma_wait3A_162, %dma_wait3A_169, %dma_wait3A_170] : memref<2x2528x1x128xi32, #tpu.memory_space<hbm>> -> memref<2x1x1x128xi32, #tpu.memory_space<hbm>>
    %dma_wait3A_172 = tpu.memref_squeeze %dma_wait3A_171 : memref<2x1x1x128xi32, #tpu.memory_space<hbm>> -> memref<2x1x128xi32, #tpu.memory_space<hbm>>
    tpu.wait_dma2 semaphore(%arg21 : memref<!tpu.dma_semaphore, #tpu.memory_space<semaphore_mem>>) src(%dma_wait3A_172 : memref<2x1x128xi32, #tpu.memory_space<hbm>>) dst(%arg14 : memref<2x1x128xi32, #tpu.memory_space<vmem>>)
    %dma_start3A_173 = arith.constant 0 : i32
    %dma_start3A_174 = arith.constant 0 : i32
    %dma_start3A_175 = arith.constant 0 : i32
    %dma_start3A_176 = tpu.memref_slice %arg14[%dma_start3A_173, %dma_start3A_174, %dma_start3A_175] : memref<2x1x128xi32, #tpu.memory_space<vmem>> -> memref<1x1x128xi32, #tpu.memory_space<vmem>>
    %dma_start3A_177 = tpu.memref_squeeze %dma_start3A_176 : memref<1x1x128xi32, #tpu.memory_space<vmem>> -> memref<128xi32, #tpu.memory_space<vmem>>
    %dma_start3A_178 = arith.constant 0 : i32
    %dma_start3A_179 = arith.constant 0 : i32
    %dma_start3A_180 = tpu.memref_slice %arg3[%dma_start3A_178, %dma_start3A_179] : memref<10240x128xf32, #tpu.memory_space<hbm>> -> memref<10240x128xf32, #tpu.memory_space<hbm>>
    tpu.enqueue_indirect_dma source(%dma_start3A_180 : memref<10240x128xf32, #tpu.memory_space<hbm>>) target(%arg17 : memref<128x128xf32, #tpu.memory_space<vmem>>) offsets(%dma_start3A_177 : memref<128xi32, #tpu.memory_space<vmem>>) semaphore(%arg24 : memref<!tpu.dma_semaphore, #tpu.memory_space<semaphore_mem>>)
    %dma_start3A_181 = arith.constant 1 : i32
    %dma_start3A_182 = arith.constant 0 : i32
    %dma_start3A_183 = arith.constant 0 : i32
    %dma_start3A_184 = tpu.memref_slice %arg14[%dma_start3A_181, %dma_start3A_182, %dma_start3A_183] : memref<2x1x128xi32, #tpu.memory_space<vmem>> -> memref<1x1x128xi32, #tpu.memory_space<vmem>>
    %dma_start3A_185 = tpu.memref_squeeze %dma_start3A_184 : memref<1x1x128xi32, #tpu.memory_space<vmem>> -> memref<128xi32, #tpu.memory_space<vmem>>
    %dma_start3A_186 = arith.constant 0 : i32
    %dma_start3A_187 = tpu.memref_slice %arg10[%dma_start3A_186] : memref<10240xf32, #tpu.memory_space<vmem_shared>> -> memref<10240xf32, #tpu.memory_space<vmem_shared>>
    tpu.enqueue_indirect_dma source(%dma_start3A_187 : memref<10240xf32, #tpu.memory_space<vmem_shared>>) target(%arg19 : memref<128xf32, #tpu.memory_space<vmem>>) offsets(%dma_start3A_185 : memref<128xi32, #tpu.memory_space<vmem>>) semaphore(%arg26 : memref<!tpu.dma_semaphore, #tpu.memory_space<semaphore_mem>>)
    %dma_wait3A_188 = arith.constant 0 : i32
    %dma_wait3A_189 = arith.constant 0 : i32
    %dma_wait3A_190 = arith.constant 0 : i32
    %dma_wait3A_191 = tpu.memref_slice %arg13[%dma_wait3A_188, %dma_wait3A_189, %dma_wait3A_190] : memref<2x1x128xi32, #tpu.memory_space<vmem>> -> memref<1x1x128xi32, #tpu.memory_space<vmem>>
    %dma_wait3A_192 = tpu.memref_squeeze %dma_wait3A_191 : memref<1x1x128xi32, #tpu.memory_space<vmem>> -> memref<128xi32, #tpu.memory_space<vmem>>
    %dma_wait3A_193 = arith.constant 0 : i32
    %dma_wait3A_194 = arith.constant 0 : i32
    %dma_wait3A_195 = tpu.memref_slice %arg3[%dma_wait3A_193, %dma_wait3A_194] : memref<10240x128xf32, #tpu.memory_space<hbm>> -> memref<10240x128xf32, #tpu.memory_space<hbm>>
    tpu.wait_indirect_dma semaphore(%arg23 : memref<!tpu.dma_semaphore, #tpu.memory_space<semaphore_mem>>) src(%dma_wait3A_195 : memref<10240x128xf32, #tpu.memory_space<hbm>>) dst(%arg16 : memref<128x128xf32, #tpu.memory_space<vmem>>)
    %dma_wait3A_196 = arith.constant 1 : i32
    %dma_wait3A_197 = arith.constant 0 : i32
    %dma_wait3A_198 = arith.constant 0 : i32
    %dma_wait3A_199 = tpu.memref_slice %arg13[%dma_wait3A_196, %dma_wait3A_197, %dma_wait3A_198] : memref<2x1x128xi32, #tpu.memory_space<vmem>> -> memref<1x1x128xi32, #tpu.memory_space<vmem>>
    %dma_wait3A_200 = tpu.memref_squeeze %dma_wait3A_199 : memref<1x1x128xi32, #tpu.memory_space<vmem>> -> memref<128xi32, #tpu.memory_space<vmem>>
    %dma_wait3A_201 = arith.constant 0 : i32
    %dma_wait3A_202 = tpu.memref_slice %arg10[%dma_wait3A_201] : memref<10240xf32, #tpu.memory_space<vmem_shared>> -> memref<10240xf32, #tpu.memory_space<vmem_shared>>
    tpu.wait_indirect_dma semaphore(%arg25 : memref<!tpu.dma_semaphore, #tpu.memory_space<semaphore_mem>>) src(%dma_wait3A_202 : memref<10240xf32, #tpu.memory_space<vmem_shared>>) dst(%arg18 : memref<128xf32, #tpu.memory_space<vmem>>)
    %dma_start3A_203 = arith.constant 1 : i32
    %dma_start3A_204 = arith.constant 0 : i32
    %dma_start3A_205 = arith.constant 0 : i32
    %dma_start3A_206 = tpu.memref_slice %arg13[%dma_start3A_203, %dma_start3A_204, %dma_start3A_205] : memref<2x1x128xi32, #tpu.memory_space<vmem>> -> memref<1x1x128xi32, #tpu.memory_space<vmem>>
    %dma_start3A_207 = tpu.memref_squeeze %dma_start3A_206 : memref<1x1x128xi32, #tpu.memory_space<vmem>> -> memref<128xi32, #tpu.memory_space<vmem>>
    %dma_start3A_208 = arith.constant 0 : i32
    %dma_start3A_209 = arith.constant 0 : i32
    %dma_start3A_210 = tpu.memref_slice %arg8[%dma_start3A_208, %dma_start3A_209] : memref<10240x128xf32, #tpu.memory_space<vmem_shared>> -> memref<10240x128xf32, #tpu.memory_space<vmem_shared>>
    tpu.enqueue_indirect_dma source(%arg16 : memref<128x128xf32, #tpu.memory_space<vmem>>) target(%dma_start3A_210 : memref<10240x128xf32, #tpu.memory_space<vmem_shared>>) offsets(%dma_start3A_207 : memref<128xi32, #tpu.memory_space<vmem>>) semaphore(%arg27 : memref<!tpu.dma_semaphore, #tpu.memory_space<semaphore_mem>>) {add = true}
    %dma_start3A_211 = arith.constant 0 : i32
    %dma_start3A_212 = arith.constant 0 : i32
    %dma_start3A_213 = arith.constant 0 : i32
    %dma_start3A_214 = tpu.memref_slice %arg13[%dma_start3A_211, %dma_start3A_212, %dma_start3A_213] : memref<2x1x128xi32, #tpu.memory_space<vmem>> -> memref<1x1x128xi32, #tpu.memory_space<vmem>>
    %dma_start3A_215 = tpu.memref_squeeze %dma_start3A_214 : memref<1x1x128xi32, #tpu.memory_space<vmem>> -> memref<128xi32, #tpu.memory_space<vmem>>
    %dma_start3A_216 = arith.constant 0 : i32
    %dma_start3A_217 = tpu.memref_slice %arg9[%dma_start3A_216] : memref<10240xf32, #tpu.memory_space<vmem_shared>> -> memref<10240xf32, #tpu.memory_space<vmem_shared>>
    tpu.enqueue_indirect_dma source(%arg18 : memref<128xf32, #tpu.memory_space<vmem>>) target(%dma_start3A_217 : memref<10240xf32, #tpu.memory_space<vmem_shared>>) offsets(%dma_start3A_215 : memref<128xi32, #tpu.memory_space<vmem>>) semaphore(%arg29 : memref<!tpu.dma_semaphore, #tpu.memory_space<semaphore_mem>>) {add = true}
    %scan3A_218 = arith.constant 0 : i32
    %scan3A_219 = arith.constant 0 : i32
    %scan3A_220 = arith.constant 12 : i32
    %scan3A_221 = arith.addi %scan3A_219, %scan3A_220 : i32
    %scan3A_222 = arith.constant 1 : i32
    %scan3A_223 = scf.for %scan3A_700 = %scan3A_219 to %scan3A_221 step %scan3A_222 iter_args(%scan3A_701 = %scan3A_218) -> (i32)  : i32 {
      %mul3A_702 = arith.constant 6 : i32
      %mul3A_703 = arith.muli %mul3A_702, %scan3A_700 : i32
      %add3A_704 = arith.constant 1 : i32
      %add3A_705 = arith.addi %mul3A_703, %add3A_704 : i32
      %add3A_706 = arith.constant 0 : i32
      %add3A_707 = arith.addi %add3A_705, %add3A_706 : i32
      %dma_wait3A_708 = arith.constant 1 : i32
      %dma_wait3A_709 = arith.constant 0 : i32
      %dma_wait3A_710 = arith.constant 0 : i32
      %dma_wait3A_711 = tpu.memref_slice %arg13[%dma_wait3A_708, %dma_wait3A_709, %dma_wait3A_710] : memref<2x1x128xi32, #tpu.memory_space<vmem>> -> memref<1x1x128xi32, #tpu.memory_space<vmem>>
      %dma_wait3A_712 = tpu.memref_squeeze %dma_wait3A_711 : memref<1x1x128xi32, #tpu.memory_space<vmem>> -> memref<128xi32, #tpu.memory_space<vmem>>
      %dma_wait3A_713 = arith.constant 0 : i32
      %dma_wait3A_714 = arith.constant 0 : i32
      %dma_wait3A_715 = tpu.memref_slice %arg8[%dma_wait3A_713, %dma_wait3A_714] : memref<10240x128xf32, #tpu.memory_space<vmem_shared>> -> memref<10240x128xf32, #tpu.memory_space<vmem_shared>>
      tpu.wait_indirect_dma semaphore(%arg27 : memref<!tpu.dma_semaphore, #tpu.memory_space<semaphore_mem>>) src(%arg16 : memref<128x128xf32, #tpu.memory_space<vmem>>) dst(%dma_wait3A_715 : memref<10240x128xf32, #tpu.memory_space<vmem_shared>>)
      %dma_wait3A_716 = arith.constant 0 : i32
      %dma_wait3A_717 = arith.constant 0 : i32
      %dma_wait3A_718 = arith.constant 0 : i32
      %dma_wait3A_719 = tpu.memref_slice %arg13[%dma_wait3A_716, %dma_wait3A_717, %dma_wait3A_718] : memref<2x1x128xi32, #tpu.memory_space<vmem>> -> memref<1x1x128xi32, #tpu.memory_space<vmem>>
      %dma_wait3A_720 = tpu.memref_squeeze %dma_wait3A_719 : memref<1x1x128xi32, #tpu.memory_space<vmem>> -> memref<128xi32, #tpu.memory_space<vmem>>
      %dma_wait3A_721 = arith.constant 0 : i32
      %dma_wait3A_722 = tpu.memref_slice %arg9[%dma_wait3A_721] : memref<10240xf32, #tpu.memory_space<vmem_shared>> -> memref<10240xf32, #tpu.memory_space<vmem_shared>>
      tpu.wait_indirect_dma semaphore(%arg29 : memref<!tpu.dma_semaphore, #tpu.memory_space<semaphore_mem>>) src(%arg18 : memref<128xf32, #tpu.memory_space<vmem>>) dst(%dma_wait3A_722 : memref<10240xf32, #tpu.memory_space<vmem_shared>>)
      %add3A_723 = arith.constant 2 : i32
      %add3A_724 = arith.addi %add3A_707, %add3A_723 : i32
      %add3A_725 = arith.addi %mul3A_101, %add3A_724 : i32
      %dma_start3A_726 = arith.constant 0 : i32
      %dma_start3A_727 = arith.constant 0 : i32
      %dma_start3A_728 = arith.constant 0 : i32
      %dma_start3A_729 = tpu.memref_slice %arg2[%dma_start3A_726, %add3A_725, %dma_start3A_727, %dma_start3A_728] : memref<2x2528x1x128xi32, #tpu.memory_space<hbm>> -> memref<2x1x1x128xi32, #tpu.memory_space<hbm>>
      %dma_start3A_730 = tpu.memref_squeeze %dma_start3A_729 : memref<2x1x1x128xi32, #tpu.memory_space<hbm>> -> memref<2x1x128xi32, #tpu.memory_space<hbm>>
      %dma_start3A_731 = arith.constant 0 : i32
      %dma_start3A_732 = arith.constant 0 : i32
      %dma_start3A_733 = arith.constant 0 : i32
      %dma_start3A_734 = tpu.memref_slice %arg2[%dma_start3A_731, %add3A_725, %dma_start3A_732, %dma_start3A_733] : memref<2x2528x1x128xi32, #tpu.memory_space<hbm>> -> memref<2x1x1x128xi32, #tpu.memory_space<hbm>>
      %dma_start3A_735 = tpu.memref_squeeze %dma_start3A_734 : memref<2x1x1x128xi32, #tpu.memory_space<hbm>> -> memref<2x1x128xi32, #tpu.memory_space<hbm>>
      tpu.enqueue_dma source(%dma_start3A_735 : memref<2x1x128xi32, #tpu.memory_space<hbm>>) target(%arg13 : memref<2x1x128xi32, #tpu.memory_space<vmem>>) target_semaphore(%arg20 : memref<!tpu.dma_semaphore, #tpu.memory_space<semaphore_mem>>)
      %dma_wait3A_736 = arith.constant 0 : i32
      %dma_wait3A_737 = arith.constant 0 : i32
      %dma_wait3A_738 = arith.constant 0 : i32
      %dma_wait3A_739 = arith.constant 0 : i32
      %dma_wait3A_740 = tpu.memref_slice %arg2[%dma_wait3A_737, %dma_wait3A_736, %dma_wait3A_738, %dma_wait3A_739] : memref<2x2528x1x128xi32, #tpu.memory_space<hbm>> -> memref<2x1x1x128xi32, #tpu.memory_space<hbm>>
      %dma_wait3A_741 = tpu.memref_squeeze %dma_wait3A_740 : memref<2x1x1x128xi32, #tpu.memory_space<hbm>> -> memref<2x1x128xi32, #tpu.memory_space<hbm>>
      %dma_wait3A_742 = arith.constant 0 : i32
      %dma_wait3A_743 = arith.constant 0 : i32
      %dma_wait3A_744 = arith.constant 0 : i32
      %dma_wait3A_745 = tpu.memref_slice %arg2[%dma_wait3A_742, %dma_wait3A_736, %dma_wait3A_743, %dma_wait3A_744] : memref<2x2528x1x128xi32, #tpu.memory_space<hbm>> -> memref<2x1x1x128xi32, #tpu.memory_space<hbm>>
      %dma_wait3A_746 = tpu.memref_squeeze %dma_wait3A_745 : memref<2x1x1x128xi32, #tpu.memory_space<hbm>> -> memref<2x1x128xi32, #tpu.memory_space<hbm>>
      tpu.wait_dma2 semaphore(%arg22 : memref<!tpu.dma_semaphore, #tpu.memory_space<semaphore_mem>>) src(%dma_wait3A_746 : memref<2x1x128xi32, #tpu.memory_space<hbm>>) dst(%arg15 : memref<2x1x128xi32, #tpu.memory_space<vmem>>)
      %dma_start3A_747 = arith.constant 0 : i32
      %dma_start3A_748 = arith.constant 0 : i32
      %dma_start3A_749 = arith.constant 0 : i32
      %dma_start3A_750 = tpu.memref_slice %arg15[%dma_start3A_747, %dma_start3A_748, %dma_start3A_749] : memref<2x1x128xi32, #tpu.memory_space<vmem>> -> memref<1x1x128xi32, #tpu.memory_space<vmem>>
      %dma_start3A_751 = tpu.memref_squeeze %dma_start3A_750 : memref<1x1x128xi32, #tpu.memory_space<vmem>> -> memref<128xi32, #tpu.memory_space<vmem>>
      %dma_start3A_752 = arith.constant 0 : i32
      %dma_start3A_753 = arith.constant 0 : i32
      %dma_start3A_754 = tpu.memref_slice %arg3[%dma_start3A_752, %dma_start3A_753] : memref<10240x128xf32, #tpu.memory_space<hbm>> -> memref<10240x128xf32, #tpu.memory_space<hbm>>
      tpu.enqueue_indirect_dma source(%dma_start3A_754 : memref<10240x128xf32, #tpu.memory_space<hbm>>) target(%arg16 : memref<128x128xf32, #tpu.memory_space<vmem>>) offsets(%dma_start3A_751 : memref<128xi32, #tpu.memory_space<vmem>>) semaphore(%arg23 : memref<!tpu.dma_semaphore, #tpu.memory_space<semaphore_mem>>)
      %dma_start3A_755 = arith.constant 1 : i32
      %dma_start3A_756 = arith.constant 0 : i32
      %dma_start3A_757 = arith.constant 0 : i32
      %dma_start3A_758 = tpu.memref_slice %arg15[%dma_start3A_755, %dma_start3A_756, %dma_start3A_757] : memref<2x1x128xi32, #tpu.memory_space<vmem>> -> memref<1x1x128xi32, #tpu.memory_space<vmem>>
      %dma_start3A_759 = tpu.memref_squeeze %dma_start3A_758 : memref<1x1x128xi32, #tpu.memory_space<vmem>> -> memref<128xi32, #tpu.memory_space<vmem>>
      %dma_start3A_760 = arith.constant 0 : i32
      %dma_start3A_761 = tpu.memref_slice %arg10[%dma_start3A_760] : memref<10240xf32, #tpu.memory_space<vmem_shared>> -> memref<10240xf32, #tpu.memory_space<vmem_shared>>
      tpu.enqueue_indirect_dma source(%dma_start3A_761 : memref<10240xf32, #tpu.memory_space<vmem_shared>>) target(%arg18 : memref<128xf32, #tpu.memory_space<vmem>>) offsets(%dma_start3A_759 : memref<128xi32, #tpu.memory_space<vmem>>) semaphore(%arg25 : memref<!tpu.dma_semaphore, #tpu.memory_space<semaphore_mem>>)
      %dma_wait3A_762 = arith.constant 0 : i32
      %dma_wait3A_763 = arith.constant 0 : i32
      %dma_wait3A_764 = arith.constant 0 : i32
      %dma_wait3A_765 = tpu.memref_slice %arg14[%dma_wait3A_762, %dma_wait3A_763, %dma_wait3A_764] : memref<2x1x128xi32, #tpu.memory_space<vmem>> -> memref<1x1x128xi32, #tpu.memory_space<vmem>>
      %dma_wait3A_766 = tpu.memref_squeeze %dma_wait3A_765 : memref<1x1x128xi32, #tpu.memory_space<vmem>> -> memref<128xi32, #tpu.memory_space<vmem>>
      %dma_wait3A_767 = arith.constant 0 : i32
      %dma_wait3A_768 = arith.constant 0 : i32
      %dma_wait3A_769 = tpu.memref_slice %arg3[%dma_wait3A_767, %dma_wait3A_768] : memref<10240x128xf32, #tpu.memory_space<hbm>> -> memref<10240x128xf32, #tpu.memory_space<hbm>>
      tpu.wait_indirect_dma semaphore(%arg24 : memref<!tpu.dma_semaphore, #tpu.memory_space<semaphore_mem>>) src(%dma_wait3A_769 : memref<10240x128xf32, #tpu.memory_space<hbm>>) dst(%arg17 : memref<128x128xf32, #tpu.memory_space<vmem>>)
      %dma_wait3A_770 = arith.constant 1 : i32
      %dma_wait3A_771 = arith.constant 0 : i32
      %dma_wait3A_772 = arith.constant 0 : i32
      %dma_wait3A_773 = tpu.memref_slice %arg14[%dma_wait3A_770, %dma_wait3A_771, %dma_wait3A_772] : memref<2x1x128xi32, #tpu.memory_space<vmem>> -> memref<1x1x128xi32, #tpu.memory_space<vmem>>
      %dma_wait3A_774 = tpu.memref_squeeze %dma_wait3A_773 : memref<1x1x128xi32, #tpu.memory_space<vmem>> -> memref<128xi32, #tpu.memory_space<vmem>>
      %dma_wait3A_775 = arith.constant 0 : i32
      %dma_wait3A_776 = tpu.memref_slice %arg10[%dma_wait3A_775] : memref<10240xf32, #tpu.memory_space<vmem_shared>> -> memref<10240xf32, #tpu.memory_space<vmem_shared>>
      tpu.wait_indirect_dma semaphore(%arg26 : memref<!tpu.dma_semaphore, #tpu.memory_space<semaphore_mem>>) src(%dma_wait3A_776 : memref<10240xf32, #tpu.memory_space<vmem_shared>>) dst(%arg19 : memref<128xf32, #tpu.memory_space<vmem>>)
      %dma_start3A_777 = arith.constant 1 : i32
      %dma_start3A_778 = arith.constant 0 : i32
      %dma_start3A_779 = arith.constant 0 : i32
      %dma_start3A_780 = tpu.memref_slice %arg14[%dma_start3A_777, %dma_start3A_778, %dma_start3A_779] : memref<2x1x128xi32, #tpu.memory_space<vmem>> -> memref<1x1x128xi32, #tpu.memory_space<vmem>>
      %dma_start3A_781 = tpu.memref_squeeze %dma_start3A_780 : memref<1x1x128xi32, #tpu.memory_space<vmem>> -> memref<128xi32, #tpu.memory_space<vmem>>
      %dma_start3A_782 = arith.constant 0 : i32
      %dma_start3A_783 = arith.constant 0 : i32
      %dma_start3A_784 = tpu.memref_slice %arg8[%dma_start3A_782, %dma_start3A_783] : memref<10240x128xf32, #tpu.memory_space<vmem_shared>> -> memref<10240x128xf32, #tpu.memory_space<vmem_shared>>
      tpu.enqueue_indirect_dma source(%arg17 : memref<128x128xf32, #tpu.memory_space<vmem>>) target(%dma_start3A_784 : memref<10240x128xf32, #tpu.memory_space<vmem_shared>>) offsets(%dma_start3A_781 : memref<128xi32, #tpu.memory_space<vmem>>) semaphore(%arg28 : memref<!tpu.dma_semaphore, #tpu.memory_space<semaphore_mem>>) {add = true}
      %dma_start3A_785 = arith.constant 0 : i32
      %dma_start3A_786 = arith.constant 0 : i32
      %dma_start3A_787 = arith.constant 0 : i32
      %dma_start3A_788 = tpu.memref_slice %arg14[%dma_start3A_785, %dma_start3A_786, %dma_start3A_787] : memref<2x1x128xi32, #tpu.memory_space<vmem>> -> memref<1x1x128xi32, #tpu.memory_space<vmem>>
      %dma_start3A_789 = tpu.memref_squeeze %dma_start3A_788 : memref<1x1x128xi32, #tpu.memory_space<vmem>> -> memref<128xi32, #tpu.memory_space<vmem>>
      %dma_start3A_790 = arith.constant 0 : i32
      %dma_start3A_791 = tpu.memref_slice %arg9[%dma_start3A_790] : memref<10240xf32, #tpu.memory_space<vmem_shared>> -> memref<10240xf32, #tpu.memory_space<vmem_shared>>
      tpu.enqueue_indirect_dma source(%arg19 : memref<128xf32, #tpu.memory_space<vmem>>) target(%dma_start3A_791 : memref<10240xf32, #tpu.memory_space<vmem_shared>>) offsets(%dma_start3A_789 : memref<128xi32, #tpu.memory_space<vmem>>) semaphore(%arg30 : memref<!tpu.dma_semaphore, #tpu.memory_space<semaphore_mem>>) {add = true}
      %add3A_792 = arith.constant 1 : i32
      %add3A_793 = arith.addi %add3A_705, %add3A_792 : i32
      %dma_wait3A_794 = arith.constant 1 : i32
      %dma_wait3A_795 = arith.constant 0 : i32
      %dma_wait3A_796 = arith.constant 0 : i32
      %dma_wait3A_797 = tpu.memref_slice %arg13[%dma_wait3A_794, %dma_wait3A_795, %dma_wait3A_796] : memref<2x1x128xi32, #tpu.memory_space<vmem>> -> memref<1x1x128xi32, #tpu.memory_space<vmem>>
      %dma_wait3A_798 = tpu.memref_squeeze %dma_wait3A_797 : memref<1x1x128xi32, #tpu.memory_space<vmem>> -> memref<128xi32, #tpu.memory_space<vmem>>
      %dma_wait3A_799 = arith.constant 0 : i32
      %dma_wait3A_800 = arith.constant 0 : i32
      %dma_wait3A_801 = tpu.memref_slice %arg8[%dma_wait3A_799, %dma_wait3A_800] : memref<10240x128xf32, #tpu.memory_space<vmem_shared>> -> memref<10240x128xf32, #tpu.memory_space<vmem_shared>>
      tpu.wait_indirect_dma semaphore(%arg28 : memref<!tpu.dma_semaphore, #tpu.memory_space<semaphore_mem>>) src(%arg17 : memref<128x128xf32, #tpu.memory_space<vmem>>) dst(%dma_wait3A_801 : memref<10240x128xf32, #tpu.memory_space<vmem_shared>>)
      %dma_wait3A_802 = arith.constant 0 : i32
      %dma_wait3A_803 = arith.constant 0 : i32
      %dma_wait3A_804 = arith.constant 0 : i32
      %dma_wait3A_805 = tpu.memref_slice %arg13[%dma_wait3A_802, %dma_wait3A_803, %dma_wait3A_804] : memref<2x1x128xi32, #tpu.memory_space<vmem>> -> memref<1x1x128xi32, #tpu.memory_space<vmem>>
      %dma_wait3A_806 = tpu.memref_squeeze %dma_wait3A_805 : memref<1x1x128xi32, #tpu.memory_space<vmem>> -> memref<128xi32, #tpu.memory_space<vmem>>
      %dma_wait3A_807 = arith.constant 0 : i32
      %dma_wait3A_808 = tpu.memref_slice %arg9[%dma_wait3A_807] : memref<10240xf32, #tpu.memory_space<vmem_shared>> -> memref<10240xf32, #tpu.memory_space<vmem_shared>>
      tpu.wait_indirect_dma semaphore(%arg30 : memref<!tpu.dma_semaphore, #tpu.memory_space<semaphore_mem>>) src(%arg19 : memref<128xf32, #tpu.memory_space<vmem>>) dst(%dma_wait3A_808 : memref<10240xf32, #tpu.memory_space<vmem_shared>>)
      %add3A_809 = arith.constant 2 : i32
      %add3A_810 = arith.addi %add3A_793, %add3A_809 : i32
      %add3A_811 = arith.addi %mul3A_101, %add3A_810 : i32
      %dma_start3A_812 = arith.constant 0 : i32
      %dma_start3A_813 = arith.constant 0 : i32
      %dma_start3A_814 = arith.constant 0 : i32
      %dma_start3A_815 = tpu.memref_slice %arg2[%dma_start3A_812, %add3A_811, %dma_start3A_813, %dma_start3A_814] : memref<2x2528x1x128xi32, #tpu.memory_space<hbm>> -> memref<2x1x1x128xi32, #tpu.memory_space<hbm>>
      %dma_start3A_816 = tpu.memref_squeeze %dma_start3A_815 : memref<2x1x1x128xi32, #tpu.memory_space<hbm>> -> memref<2x1x128xi32, #tpu.memory_space<hbm>>
      %dma_start3A_817 = arith.constant 0 : i32
      %dma_start3A_818 = arith.constant 0 : i32
      %dma_start3A_819 = arith.constant 0 : i32
      %dma_start3A_820 = tpu.memref_slice %arg2[%dma_start3A_817, %add3A_811, %dma_start3A_818, %dma_start3A_819] : memref<2x2528x1x128xi32, #tpu.memory_space<hbm>> -> memref<2x1x1x128xi32, #tpu.memory_space<hbm>>
      %dma_start3A_821 = tpu.memref_squeeze %dma_start3A_820 : memref<2x1x1x128xi32, #tpu.memory_space<hbm>> -> memref<2x1x128xi32, #tpu.memory_space<hbm>>
      tpu.enqueue_dma source(%dma_start3A_821 : memref<2x1x128xi32, #tpu.memory_space<hbm>>) target(%arg14 : memref<2x1x128xi32, #tpu.memory_space<vmem>>) target_semaphore(%arg21 : memref<!tpu.dma_semaphore, #tpu.memory_space<semaphore_mem>>)
      %dma_wait3A_822 = arith.constant 0 : i32
      %dma_wait3A_823 = arith.constant 0 : i32
      %dma_wait3A_824 = arith.constant 0 : i32
      %dma_wait3A_825 = arith.constant 0 : i32
      %dma_wait3A_826 = tpu.memref_slice %arg2[%dma_wait3A_823, %dma_wait3A_822, %dma_wait3A_824, %dma_wait3A_825] : memref<2x2528x1x128xi32, #tpu.memory_space<hbm>> -> memref<2x1x1x128xi32, #tpu.memory_space<hbm>>
      %dma_wait3A_827 = tpu.memref_squeeze %dma_wait3A_826 : memref<2x1x1x128xi32, #tpu.memory_space<hbm>> -> memref<2x1x128xi32, #tpu.memory_space<hbm>>
      %dma_wait3A_828 = arith.constant 0 : i32
      %dma_wait3A_829 = arith.constant 0 : i32
      %dma_wait3A_830 = arith.constant 0 : i32
      %dma_wait3A_831 = tpu.memref_slice %arg2[%dma_wait3A_828, %dma_wait3A_822, %dma_wait3A_829, %dma_wait3A_830] : memref<2x2528x1x128xi32, #tpu.memory_space<hbm>> -> memref<2x1x1x128xi32, #tpu.memory_space<hbm>>
      %dma_wait3A_832 = tpu.memref_squeeze %dma_wait3A_831 : memref<2x1x1x128xi32, #tpu.memory_space<hbm>> -> memref<2x1x128xi32, #tpu.memory_space<hbm>>
      tpu.wait_dma2 semaphore(%arg20 : memref<!tpu.dma_semaphore, #tpu.memory_space<semaphore_mem>>) src(%dma_wait3A_832 : memref<2x1x128xi32, #tpu.memory_space<hbm>>) dst(%arg13 : memref<2x1x128xi32, #tpu.memory_space<vmem>>)
      %dma_start3A_833 = arith.constant 0 : i32
      %dma_start3A_834 = arith.constant 0 : i32
      %dma_start3A_835 = arith.constant 0 : i32
      %dma_start3A_836 = tpu.memref_slice %arg13[%dma_start3A_833, %dma_start3A_834, %dma_start3A_835] : memref<2x1x128xi32, #tpu.memory_space<vmem>> -> memref<1x1x128xi32, #tpu.memory_space<vmem>>
      %dma_start3A_837 = tpu.memref_squeeze %dma_start3A_836 : memref<1x1x128xi32, #tpu.memory_space<vmem>> -> memref<128xi32, #tpu.memory_space<vmem>>
      %dma_start3A_838 = arith.constant 0 : i32
      %dma_start3A_839 = arith.constant 0 : i32
      %dma_start3A_840 = tpu.memref_slice %arg3[%dma_start3A_838, %dma_start3A_839] : memref<10240x128xf32, #tpu.memory_space<hbm>> -> memref<10240x128xf32, #tpu.memory_space<hbm>>
      tpu.enqueue_indirect_dma source(%dma_start3A_840 : memref<10240x128xf32, #tpu.memory_space<hbm>>) target(%arg17 : memref<128x128xf32, #tpu.memory_space<vmem>>) offsets(%dma_start3A_837 : memref<128xi32, #tpu.memory_space<vmem>>) semaphore(%arg24 : memref<!tpu.dma_semaphore, #tpu.memory_space<semaphore_mem>>)
      %dma_start3A_841 = arith.constant 1 : i32
      %dma_start3A_842 = arith.constant 0 : i32
      %dma_start3A_843 = arith.constant 0 : i32
      %dma_start3A_844 = tpu.memref_slice %arg13[%dma_start3A_841, %dma_start3A_842, %dma_start3A_843] : memref<2x1x128xi32, #tpu.memory_space<vmem>> -> memref<1x1x128xi32, #tpu.memory_space<vmem>>
      %dma_start3A_845 = tpu.memref_squeeze %dma_start3A_844 : memref<1x1x128xi32, #tpu.memory_space<vmem>> -> memref<128xi32, #tpu.memory_space<vmem>>
      %dma_start3A_846 = arith.constant 0 : i32
      %dma_start3A_847 = tpu.memref_slice %arg10[%dma_start3A_846] : memref<10240xf32, #tpu.memory_space<vmem_shared>> -> memref<10240xf32, #tpu.memory_space<vmem_shared>>
      tpu.enqueue_indirect_dma source(%dma_start3A_847 : memref<10240xf32, #tpu.memory_space<vmem_shared>>) target(%arg19 : memref<128xf32, #tpu.memory_space<vmem>>) offsets(%dma_start3A_845 : memref<128xi32, #tpu.memory_space<vmem>>) semaphore(%arg26 : memref<!tpu.dma_semaphore, #tpu.memory_space<semaphore_mem>>)
      %dma_wait3A_848 = arith.constant 0 : i32
      %dma_wait3A_849 = arith.constant 0 : i32
      %dma_wait3A_850 = arith.constant 0 : i32
      %dma_wait3A_851 = tpu.memref_slice %arg15[%dma_wait3A_848, %dma_wait3A_849, %dma_wait3A_850] : memref<2x1x128xi32, #tpu.memory_space<vmem>> -> memref<1x1x128xi32, #tpu.memory_space<vmem>>
      %dma_wait3A_852 = tpu.memref_squeeze %dma_wait3A_851 : memref<1x1x128xi32, #tpu.memory_space<vmem>> -> memref<128xi32, #tpu.memory_space<vmem>>
      %dma_wait3A_853 = arith.constant 0 : i32
      %dma_wait3A_854 = arith.constant 0 : i32
      %dma_wait3A_855 = tpu.memref_slice %arg3[%dma_wait3A_853, %dma_wait3A_854] : memref<10240x128xf32, #tpu.memory_space<hbm>> -> memref<10240x128xf32, #tpu.memory_space<hbm>>
      tpu.wait_indirect_dma semaphore(%arg23 : memref<!tpu.dma_semaphore, #tpu.memory_space<semaphore_mem>>) src(%dma_wait3A_855 : memref<10240x128xf32, #tpu.memory_space<hbm>>) dst(%arg16 : memref<128x128xf32, #tpu.memory_space<vmem>>)
      %dma_wait3A_856 = arith.constant 1 : i32
      %dma_wait3A_857 = arith.constant 0 : i32
      %dma_wait3A_858 = arith.constant 0 : i32
      %dma_wait3A_859 = tpu.memref_slice %arg15[%dma_wait3A_856, %dma_wait3A_857, %dma_wait3A_858] : memref<2x1x128xi32, #tpu.memory_space<vmem>> -> memref<1x1x128xi32, #tpu.memory_space<vmem>>
      %dma_wait3A_860 = tpu.memref_squeeze %dma_wait3A_859 : memref<1x1x128xi32, #tpu.memory_space<vmem>> -> memref<128xi32, #tpu.memory_space<vmem>>
      %dma_wait3A_861 = arith.constant 0 : i32
      %dma_wait3A_862 = tpu.memref_slice %arg10[%dma_wait3A_861] : memref<10240xf32, #tpu.memory_space<vmem_shared>> -> memref<10240xf32, #tpu.memory_space<vmem_shared>>
      tpu.wait_indirect_dma semaphore(%arg25 : memref<!tpu.dma_semaphore, #tpu.memory_space<semaphore_mem>>) src(%dma_wait3A_862 : memref<10240xf32, #tpu.memory_space<vmem_shared>>) dst(%arg18 : memref<128xf32, #tpu.memory_space<vmem>>)
      %dma_start3A_863 = arith.constant 1 : i32
      %dma_start3A_864 = arith.constant 0 : i32
      %dma_start3A_865 = arith.constant 0 : i32
      %dma_start3A_866 = tpu.memref_slice %arg15[%dma_start3A_863, %dma_start3A_864, %dma_start3A_865] : memref<2x1x128xi32, #tpu.memory_space<vmem>> -> memref<1x1x128xi32, #tpu.memory_space<vmem>>
      %dma_start3A_867 = tpu.memref_squeeze %dma_start3A_866 : memref<1x1x128xi32, #tpu.memory_space<vmem>> -> memref<128xi32, #tpu.memory_space<vmem>>
      %dma_start3A_868 = arith.constant 0 : i32
      %dma_start3A_869 = arith.constant 0 : i32
      %dma_start3A_870 = tpu.memref_slice %arg8[%dma_start3A_868, %dma_start3A_869] : memref<10240x128xf32, #tpu.memory_space<vmem_shared>> -> memref<10240x128xf32, #tpu.memory_space<vmem_shared>>
      tpu.enqueue_indirect_dma source(%arg16 : memref<128x128xf32, #tpu.memory_space<vmem>>) target(%dma_start3A_870 : memref<10240x128xf32, #tpu.memory_space<vmem_shared>>) offsets(%dma_start3A_867 : memref<128xi32, #tpu.memory_space<vmem>>) semaphore(%arg27 : memref<!tpu.dma_semaphore, #tpu.memory_space<semaphore_mem>>) {add = true}
      %dma_start3A_871 = arith.constant 0 : i32
      %dma_start3A_872 = arith.constant 0 : i32
      %dma_start3A_873 = arith.constant 0 : i32
      %dma_start3A_874 = tpu.memref_slice %arg15[%dma_start3A_871, %dma_start3A_872, %dma_start3A_873] : memref<2x1x128xi32, #tpu.memory_space<vmem>> -> memref<1x1x128xi32, #tpu.memory_space<vmem>>
      %dma_start3A_875 = tpu.memref_squeeze %dma_start3A_874 : memref<1x1x128xi32, #tpu.memory_space<vmem>> -> memref<128xi32, #tpu.memory_space<vmem>>
      %dma_start3A_876 = arith.constant 0 : i32
      %dma_start3A_877 = tpu.memref_slice %arg9[%dma_start3A_876] : memref<10240xf32, #tpu.memory_space<vmem_shared>> -> memref<10240xf32, #tpu.memory_space<vmem_shared>>
      tpu.enqueue_indirect_dma source(%arg18 : memref<128xf32, #tpu.memory_space<vmem>>) target(%dma_start3A_877 : memref<10240xf32, #tpu.memory_space<vmem_shared>>) offsets(%dma_start3A_875 : memref<128xi32, #tpu.memory_space<vmem>>) semaphore(%arg29 : memref<!tpu.dma_semaphore, #tpu.memory_space<semaphore_mem>>) {add = true}
      %add3A_878 = arith.constant 2 : i32
      %add3A_879 = arith.addi %add3A_705, %add3A_878 : i32
      %dma_wait3A_880 = arith.constant 1 : i32
      %dma_wait3A_881 = arith.constant 0 : i32
      %dma_wait3A_882 = arith.constant 0 : i32
      %dma_wait3A_883 = tpu.memref_slice %arg13[%dma_wait3A_880, %dma_wait3A_881, %dma_wait3A_882] : memref<2x1x128xi32, #tpu.memory_space<vmem>> -> memref<1x1x128xi32, #tpu.memory_space<vmem>>
      %dma_wait3A_884 = tpu.memref_squeeze %dma_wait3A_883 : memref<1x1x128xi32, #tpu.memory_space<vmem>> -> memref<128xi32, #tpu.memory_space<vmem>>
      %dma_wait3A_885 = arith.constant 0 : i32
      %dma_wait3A_886 = arith.constant 0 : i32
      %dma_wait3A_887 = tpu.memref_slice %arg8[%dma_wait3A_885, %dma_wait3A_886] : memref<10240x128xf32, #tpu.memory_space<vmem_shared>> -> memref<10240x128xf32, #tpu.memory_space<vmem_shared>>
      tpu.wait_indirect_dma semaphore(%arg27 : memref<!tpu.dma_semaphore, #tpu.memory_space<semaphore_mem>>) src(%arg16 : memref<128x128xf32, #tpu.memory_space<vmem>>) dst(%dma_wait3A_887 : memref<10240x128xf32, #tpu.memory_space<vmem_shared>>)
      %dma_wait3A_888 = arith.constant 0 : i32
      %dma_wait3A_889 = arith.constant 0 : i32
      %dma_wait3A_890 = arith.constant 0 : i32
      %dma_wait3A_891 = tpu.memref_slice %arg13[%dma_wait3A_888, %dma_wait3A_889, %dma_wait3A_890] : memref<2x1x128xi32, #tpu.memory_space<vmem>> -> memref<1x1x128xi32, #tpu.memory_space<vmem>>
      %dma_wait3A_892 = tpu.memref_squeeze %dma_wait3A_891 : memref<1x1x128xi32, #tpu.memory_space<vmem>> -> memref<128xi32, #tpu.memory_space<vmem>>
      %dma_wait3A_893 = arith.constant 0 : i32
      %dma_wait3A_894 = tpu.memref_slice %arg9[%dma_wait3A_893] : memref<10240xf32, #tpu.memory_space<vmem_shared>> -> memref<10240xf32, #tpu.memory_space<vmem_shared>>
      tpu.wait_indirect_dma semaphore(%arg29 : memref<!tpu.dma_semaphore, #tpu.memory_space<semaphore_mem>>) src(%arg18 : memref<128xf32, #tpu.memory_space<vmem>>) dst(%dma_wait3A_894 : memref<10240xf32, #tpu.memory_space<vmem_shared>>)
      %add3A_895 = arith.constant 2 : i32
      %add3A_896 = arith.addi %add3A_879, %add3A_895 : i32
      %add3A_897 = arith.addi %mul3A_101, %add3A_896 : i32
      %dma_start3A_898 = arith.constant 0 : i32
      %dma_start3A_899 = arith.constant 0 : i32
      %dma_start3A_900 = arith.constant 0 : i32
      %dma_start3A_901 = tpu.memref_slice %arg2[%dma_start3A_898, %add3A_897, %dma_start3A_899, %dma_start3A_900] : memref<2x2528x1x128xi32, #tpu.memory_space<hbm>> -> memref<2x1x1x128xi32, #tpu.memory_space<hbm>>
      %dma_start3A_902 = tpu.memref_squeeze %dma_start3A_901 : memref<2x1x1x128xi32, #tpu.memory_space<hbm>> -> memref<2x1x128xi32, #tpu.memory_space<hbm>>
      %dma_start3A_903 = arith.constant 0 : i32
      %dma_start3A_904 = arith.constant 0 : i32
      %dma_start3A_905 = arith.constant 0 : i32
      %dma_start3A_906 = tpu.memref_slice %arg2[%dma_start3A_903, %add3A_897, %dma_start3A_904, %dma_start3A_905] : memref<2x2528x1x128xi32, #tpu.memory_space<hbm>> -> memref<2x1x1x128xi32, #tpu.memory_space<hbm>>
      %dma_start3A_907 = tpu.memref_squeeze %dma_start3A_906 : memref<2x1x1x128xi32, #tpu.memory_space<hbm>> -> memref<2x1x128xi32, #tpu.memory_space<hbm>>
      tpu.enqueue_dma source(%dma_start3A_907 : memref<2x1x128xi32, #tpu.memory_space<hbm>>) target(%arg15 : memref<2x1x128xi32, #tpu.memory_space<vmem>>) target_semaphore(%arg22 : memref<!tpu.dma_semaphore, #tpu.memory_space<semaphore_mem>>)
      %dma_wait3A_908 = arith.constant 0 : i32
      %dma_wait3A_909 = arith.constant 0 : i32
      %dma_wait3A_910 = arith.constant 0 : i32
      %dma_wait3A_911 = arith.constant 0 : i32
      %dma_wait3A_912 = tpu.memref_slice %arg2[%dma_wait3A_909, %dma_wait3A_908, %dma_wait3A_910, %dma_wait3A_911] : memref<2x2528x1x128xi32, #tpu.memory_space<hbm>> -> memref<2x1x1x128xi32, #tpu.memory_space<hbm>>
      %dma_wait3A_913 = tpu.memref_squeeze %dma_wait3A_912 : memref<2x1x1x128xi32, #tpu.memory_space<hbm>> -> memref<2x1x128xi32, #tpu.memory_space<hbm>>
      %dma_wait3A_914 = arith.constant 0 : i32
      %dma_wait3A_915 = arith.constant 0 : i32
      %dma_wait3A_916 = arith.constant 0 : i32
      %dma_wait3A_917 = tpu.memref_slice %arg2[%dma_wait3A_914, %dma_wait3A_908, %dma_wait3A_915, %dma_wait3A_916] : memref<2x2528x1x128xi32, #tpu.memory_space<hbm>> -> memref<2x1x1x128xi32, #tpu.memory_space<hbm>>
      %dma_wait3A_918 = tpu.memref_squeeze %dma_wait3A_917 : memref<2x1x1x128xi32, #tpu.memory_space<hbm>> -> memref<2x1x128xi32, #tpu.memory_space<hbm>>
      tpu.wait_dma2 semaphore(%arg21 : memref<!tpu.dma_semaphore, #tpu.memory_space<semaphore_mem>>) src(%dma_wait3A_918 : memref<2x1x128xi32, #tpu.memory_space<hbm>>) dst(%arg14 : memref<2x1x128xi32, #tpu.memory_space<vmem>>)
      %dma_start3A_919 = arith.constant 0 : i32
      %dma_start3A_920 = arith.constant 0 : i32
      %dma_start3A_921 = arith.constant 0 : i32
      %dma_start3A_922 = tpu.memref_slice %arg14[%dma_start3A_919, %dma_start3A_920, %dma_start3A_921] : memref<2x1x128xi32, #tpu.memory_space<vmem>> -> memref<1x1x128xi32, #tpu.memory_space<vmem>>
      %dma_start3A_923 = tpu.memref_squeeze %dma_start3A_922 : memref<1x1x128xi32, #tpu.memory_space<vmem>> -> memref<128xi32, #tpu.memory_space<vmem>>
      %dma_start3A_924 = arith.constant 0 : i32
      %dma_start3A_925 = arith.constant 0 : i32
      %dma_start3A_926 = tpu.memref_slice %arg3[%dma_start3A_924, %dma_start3A_925] : memref<10240x128xf32, #tpu.memory_space<hbm>> -> memref<10240x128xf32, #tpu.memory_space<hbm>>
      tpu.enqueue_indirect_dma source(%dma_start3A_926 : memref<10240x128xf32, #tpu.memory_space<hbm>>) target(%arg16 : memref<128x128xf32, #tpu.memory_space<vmem>>) offsets(%dma_start3A_923 : memref<128xi32, #tpu.memory_space<vmem>>) semaphore(%arg23 : memref<!tpu.dma_semaphore, #tpu.memory_space<semaphore_mem>>)
      %dma_start3A_927 = arith.constant 1 : i32
      %dma_start3A_928 = arith.constant 0 : i32
      %dma_start3A_929 = arith.constant 0 : i32
      %dma_start3A_930 = tpu.memref_slice %arg14[%dma_start3A_927, %dma_start3A_928, %dma_start3A_929] : memref<2x1x128xi32, #tpu.memory_space<vmem>> -> memref<1x1x128xi32, #tpu.memory_space<vmem>>
      %dma_start3A_931 = tpu.memref_squeeze %dma_start3A_930 : memref<1x1x128xi32, #tpu.memory_space<vmem>> -> memref<128xi32, #tpu.memory_space<vmem>>
      %dma_start3A_932 = arith.constant 0 : i32
      %dma_start3A_933 = tpu.memref_slice %arg10[%dma_start3A_932] : memref<10240xf32, #tpu.memory_space<vmem_shared>> -> memref<10240xf32, #tpu.memory_space<vmem_shared>>
      tpu.enqueue_indirect_dma source(%dma_start3A_933 : memref<10240xf32, #tpu.memory_space<vmem_shared>>) target(%arg18 : memref<128xf32, #tpu.memory_space<vmem>>) offsets(%dma_start3A_931 : memref<128xi32, #tpu.memory_space<vmem>>) semaphore(%arg25 : memref<!tpu.dma_semaphore, #tpu.memory_space<semaphore_mem>>)
      %dma_wait3A_934 = arith.constant 0 : i32
      %dma_wait3A_935 = arith.constant 0 : i32
      %dma_wait3A_936 = arith.constant 0 : i32
      %dma_wait3A_937 = tpu.memref_slice %arg13[%dma_wait3A_934, %dma_wait3A_935, %dma_wait3A_936] : memref<2x1x128xi32, #tpu.memory_space<vmem>> -> memref<1x1x128xi32, #tpu.memory_space<vmem>>
      %dma_wait3A_938 = tpu.memref_squeeze %dma_wait3A_937 : memref<1x1x128xi32, #tpu.memory_space<vmem>> -> memref<128xi32, #tpu.memory_space<vmem>>
      %dma_wait3A_939 = arith.constant 0 : i32
      %dma_wait3A_940 = arith.constant 0 : i32
      %dma_wait3A_941 = tpu.memref_slice %arg3[%dma_wait3A_939, %dma_wait3A_940] : memref<10240x128xf32, #tpu.memory_space<hbm>> -> memref<10240x128xf32, #tpu.memory_space<hbm>>
      tpu.wait_indirect_dma semaphore(%arg24 : memref<!tpu.dma_semaphore, #tpu.memory_space<semaphore_mem>>) src(%dma_wait3A_941 : memref<10240x128xf32, #tpu.memory_space<hbm>>) dst(%arg17 : memref<128x128xf32, #tpu.memory_space<vmem>>)
      %dma_wait3A_942 = arith.constant 1 : i32
      %dma_wait3A_943 = arith.constant 0 : i32
      %dma_wait3A_944 = arith.constant 0 : i32
      %dma_wait3A_945 = tpu.memref_slice %arg13[%dma_wait3A_942, %dma_wait3A_943, %dma_wait3A_944] : memref<2x1x128xi32, #tpu.memory_space<vmem>> -> memref<1x1x128xi32, #tpu.memory_space<vmem>>
      %dma_wait3A_946 = tpu.memref_squeeze %dma_wait3A_945 : memref<1x1x128xi32, #tpu.memory_space<vmem>> -> memref<128xi32, #tpu.memory_space<vmem>>
      %dma_wait3A_947 = arith.constant 0 : i32
      %dma_wait3A_948 = tpu.memref_slice %arg10[%dma_wait3A_947] : memref<10240xf32, #tpu.memory_space<vmem_shared>> -> memref<10240xf32, #tpu.memory_space<vmem_shared>>
      tpu.wait_indirect_dma semaphore(%arg26 : memref<!tpu.dma_semaphore, #tpu.memory_space<semaphore_mem>>) src(%dma_wait3A_948 : memref<10240xf32, #tpu.memory_space<vmem_shared>>) dst(%arg19 : memref<128xf32, #tpu.memory_space<vmem>>)
      %dma_start3A_949 = arith.constant 1 : i32
      %dma_start3A_950 = arith.constant 0 : i32
      %dma_start3A_951 = arith.constant 0 : i32
      %dma_start3A_952 = tpu.memref_slice %arg13[%dma_start3A_949, %dma_start3A_950, %dma_start3A_951] : memref<2x1x128xi32, #tpu.memory_space<vmem>> -> memref<1x1x128xi32, #tpu.memory_space<vmem>>
      %dma_start3A_953 = tpu.memref_squeeze %dma_start3A_952 : memref<1x1x128xi32, #tpu.memory_space<vmem>> -> memref<128xi32, #tpu.memory_space<vmem>>
      %dma_start3A_954 = arith.constant 0 : i32
      %dma_start3A_955 = arith.constant 0 : i32
      %dma_start3A_956 = tpu.memref_slice %arg8[%dma_start3A_954, %dma_start3A_955] : memref<10240x128xf32, #tpu.memory_space<vmem_shared>> -> memref<10240x128xf32, #tpu.memory_space<vmem_shared>>
      tpu.enqueue_indirect_dma source(%arg17 : memref<128x128xf32, #tpu.memory_space<vmem>>) target(%dma_start3A_956 : memref<10240x128xf32, #tpu.memory_space<vmem_shared>>) offsets(%dma_start3A_953 : memref<128xi32, #tpu.memory_space<vmem>>) semaphore(%arg28 : memref<!tpu.dma_semaphore, #tpu.memory_space<semaphore_mem>>) {add = true}
      %dma_start3A_957 = arith.constant 0 : i32
      %dma_start3A_958 = arith.constant 0 : i32
      %dma_start3A_959 = arith.constant 0 : i32
      %dma_start3A_960 = tpu.memref_slice %arg13[%dma_start3A_957, %dma_start3A_958, %dma_start3A_959] : memref<2x1x128xi32, #tpu.memory_space<vmem>> -> memref<1x1x128xi32, #tpu.memory_space<vmem>>
      %dma_start3A_961 = tpu.memref_squeeze %dma_start3A_960 : memref<1x1x128xi32, #tpu.memory_space<vmem>> -> memref<128xi32, #tpu.memory_space<vmem>>
      %dma_start3A_962 = arith.constant 0 : i32
      %dma_start3A_963 = tpu.memref_slice %arg9[%dma_start3A_962] : memref<10240xf32, #tpu.memory_space<vmem_shared>> -> memref<10240xf32, #tpu.memory_space<vmem_shared>>
      tpu.enqueue_indirect_dma source(%arg19 : memref<128xf32, #tpu.memory_space<vmem>>) target(%dma_start3A_963 : memref<10240xf32, #tpu.memory_space<vmem_shared>>) offsets(%dma_start3A_961 : memref<128xi32, #tpu.memory_space<vmem>>) semaphore(%arg30 : memref<!tpu.dma_semaphore, #tpu.memory_space<semaphore_mem>>) {add = true}
      %add3A_964 = arith.constant 3 : i32
      %add3A_965 = arith.addi %add3A_705, %add3A_964 : i32
      %dma_wait3A_966 = arith.constant 1 : i32
      %dma_wait3A_967 = arith.constant 0 : i32
      %dma_wait3A_968 = arith.constant 0 : i32
      %dma_wait3A_969 = tpu.memref_slice %arg13[%dma_wait3A_966, %dma_wait3A_967, %dma_wait3A_968] : memref<2x1x128xi32, #tpu.memory_space<vmem>> -> memref<1x1x128xi32, #tpu.memory_space<vmem>>
      %dma_wait3A_970 = tpu.memref_squeeze %dma_wait3A_969 : memref<1x1x128xi32, #tpu.memory_space<vmem>> -> memref<128xi32, #tpu.memory_space<vmem>>
      %dma_wait3A_971 = arith.constant 0 : i32
      %dma_wait3A_972 = arith.constant 0 : i32
      %dma_wait3A_973 = tpu.memref_slice %arg8[%dma_wait3A_971, %dma_wait3A_972] : memref<10240x128xf32, #tpu.memory_space<vmem_shared>> -> memref<10240x128xf32, #tpu.memory_space<vmem_shared>>
      tpu.wait_indirect_dma semaphore(%arg28 : memref<!tpu.dma_semaphore, #tpu.memory_space<semaphore_mem>>) src(%arg17 : memref<128x128xf32, #tpu.memory_space<vmem>>) dst(%dma_wait3A_973 : memref<10240x128xf32, #tpu.memory_space<vmem_shared>>)
      %dma_wait3A_974 = arith.constant 0 : i32
      %dma_wait3A_975 = arith.constant 0 : i32
      %dma_wait3A_976 = arith.constant 0 : i32
      %dma_wait3A_977 = tpu.memref_slice %arg13[%dma_wait3A_974, %dma_wait3A_975, %dma_wait3A_976] : memref<2x1x128xi32, #tpu.memory_space<vmem>> -> memref<1x1x128xi32, #tpu.memory_space<vmem>>
      %dma_wait3A_978 = tpu.memref_squeeze %dma_wait3A_977 : memref<1x1x128xi32, #tpu.memory_space<vmem>> -> memref<128xi32, #tpu.memory_space<vmem>>
      %dma_wait3A_979 = arith.constant 0 : i32
      %dma_wait3A_980 = tpu.memref_slice %arg9[%dma_wait3A_979] : memref<10240xf32, #tpu.memory_space<vmem_shared>> -> memref<10240xf32, #tpu.memory_space<vmem_shared>>
      tpu.wait_indirect_dma semaphore(%arg30 : memref<!tpu.dma_semaphore, #tpu.memory_space<semaphore_mem>>) src(%arg19 : memref<128xf32, #tpu.memory_space<vmem>>) dst(%dma_wait3A_980 : memref<10240xf32, #tpu.memory_space<vmem_shared>>)
      %add3A_981 = arith.constant 2 : i32
      %add3A_982 = arith.addi %add3A_965, %add3A_981 : i32
      %add3A_983 = arith.addi %mul3A_101, %add3A_982 : i32
      %dma_start3A_984 = arith.constant 0 : i32
      %dma_start3A_985 = arith.constant 0 : i32
      %dma_start3A_986 = arith.constant 0 : i32
      %dma_start3A_987 = tpu.memref_slice %arg2[%dma_start3A_984, %add3A_983, %dma_start3A_985, %dma_start3A_986] : memref<2x2528x1x128xi32, #tpu.memory_space<hbm>> -> memref<2x1x1x128xi32, #tpu.memory_space<hbm>>
      %dma_start3A_988 = tpu.memref_squeeze %dma_start3A_987 : memref<2x1x1x128xi32, #tpu.memory_space<hbm>> -> memref<2x1x128xi32, #tpu.memory_space<hbm>>
      %dma_start3A_989 = arith.constant 0 : i32
      %dma_start3A_990 = arith.constant 0 : i32
      %dma_start3A_991 = arith.constant 0 : i32
      %dma_start3A_992 = tpu.memref_slice %arg2[%dma_start3A_989, %add3A_983, %dma_start3A_990, %dma_start3A_991] : memref<2x2528x1x128xi32, #tpu.memory_space<hbm>> -> memref<2x1x1x128xi32, #tpu.memory_space<hbm>>
      %dma_start3A_993 = tpu.memref_squeeze %dma_start3A_992 : memref<2x1x1x128xi32, #tpu.memory_space<hbm>> -> memref<2x1x128xi32, #tpu.memory_space<hbm>>
      tpu.enqueue_dma source(%dma_start3A_993 : memref<2x1x128xi32, #tpu.memory_space<hbm>>) target(%arg13 : memref<2x1x128xi32, #tpu.memory_space<vmem>>) target_semaphore(%arg20 : memref<!tpu.dma_semaphore, #tpu.memory_space<semaphore_mem>>)
      %dma_wait3A_994 = arith.constant 0 : i32
      %dma_wait3A_995 = arith.constant 0 : i32
      %dma_wait3A_996 = arith.constant 0 : i32
      %dma_wait3A_997 = arith.constant 0 : i32
      %dma_wait3A_998 = tpu.memref_slice %arg2[%dma_wait3A_995, %dma_wait3A_994, %dma_wait3A_996, %dma_wait3A_997] : memref<2x2528x1x128xi32, #tpu.memory_space<hbm>> -> memref<2x1x1x128xi32, #tpu.memory_space<hbm>>
      %dma_wait3A_999 = tpu.memref_squeeze %dma_wait3A_998 : memref<2x1x1x128xi32, #tpu.memory_space<hbm>> -> memref<2x1x128xi32, #tpu.memory_space<hbm>>
      %dma_wait3A_1000 = arith.constant 0 : i32
      %dma_wait3A_1001 = arith.constant 0 : i32
      %dma_wait3A_1002 = arith.constant 0 : i32
      %dma_wait3A_1003 = tpu.memref_slice %arg2[%dma_wait3A_1000, %dma_wait3A_994, %dma_wait3A_1001, %dma_wait3A_1002] : memref<2x2528x1x128xi32, #tpu.memory_space<hbm>> -> memref<2x1x1x128xi32, #tpu.memory_space<hbm>>
      %dma_wait3A_1004 = tpu.memref_squeeze %dma_wait3A_1003 : memref<2x1x1x128xi32, #tpu.memory_space<hbm>> -> memref<2x1x128xi32, #tpu.memory_space<hbm>>
      tpu.wait_dma2 semaphore(%arg22 : memref<!tpu.dma_semaphore, #tpu.memory_space<semaphore_mem>>) src(%dma_wait3A_1004 : memref<2x1x128xi32, #tpu.memory_space<hbm>>) dst(%arg15 : memref<2x1x128xi32, #tpu.memory_space<vmem>>)
      %dma_start3A_1005 = arith.constant 0 : i32
      %dma_start3A_1006 = arith.constant 0 : i32
      %dma_start3A_1007 = arith.constant 0 : i32
      %dma_start3A_1008 = tpu.memref_slice %arg15[%dma_start3A_1005, %dma_start3A_1006, %dma_start3A_1007] : memref<2x1x128xi32, #tpu.memory_space<vmem>> -> memref<1x1x128xi32, #tpu.memory_space<vmem>>
      %dma_start3A_1009 = tpu.memref_squeeze %dma_start3A_1008 : memref<1x1x128xi32, #tpu.memory_space<vmem>> -> memref<128xi32, #tpu.memory_space<vmem>>
      %dma_start3A_1010 = arith.constant 0 : i32
      %dma_start3A_1011 = arith.constant 0 : i32
      %dma_start3A_1012 = tpu.memref_slice %arg3[%dma_start3A_1010, %dma_start3A_1011] : memref<10240x128xf32, #tpu.memory_space<hbm>> -> memref<10240x128xf32, #tpu.memory_space<hbm>>
      tpu.enqueue_indirect_dma source(%dma_start3A_1012 : memref<10240x128xf32, #tpu.memory_space<hbm>>) target(%arg17 : memref<128x128xf32, #tpu.memory_space<vmem>>) offsets(%dma_start3A_1009 : memref<128xi32, #tpu.memory_space<vmem>>) semaphore(%arg24 : memref<!tpu.dma_semaphore, #tpu.memory_space<semaphore_mem>>)
      %dma_start3A_1013 = arith.constant 1 : i32
      %dma_start3A_1014 = arith.constant 0 : i32
      %dma_start3A_1015 = arith.constant 0 : i32
      %dma_start3A_1016 = tpu.memref_slice %arg15[%dma_start3A_1013, %dma_start3A_1014, %dma_start3A_1015] : memref<2x1x128xi32, #tpu.memory_space<vmem>> -> memref<1x1x128xi32, #tpu.memory_space<vmem>>
      %dma_start3A_1017 = tpu.memref_squeeze %dma_start3A_1016 : memref<1x1x128xi32, #tpu.memory_space<vmem>> -> memref<128xi32, #tpu.memory_space<vmem>>
      %dma_start3A_1018 = arith.constant 0 : i32
      %dma_start3A_1019 = tpu.memref_slice %arg10[%dma_start3A_1018] : memref<10240xf32, #tpu.memory_space<vmem_shared>> -> memref<10240xf32, #tpu.memory_space<vmem_shared>>
      tpu.enqueue_indirect_dma source(%dma_start3A_1019 : memref<10240xf32, #tpu.memory_space<vmem_shared>>) target(%arg19 : memref<128xf32, #tpu.memory_space<vmem>>) offsets(%dma_start3A_1017 : memref<128xi32, #tpu.memory_space<vmem>>) semaphore(%arg26 : memref<!tpu.dma_semaphore, #tpu.memory_space<semaphore_mem>>)
      %dma_wait3A_1020 = arith.constant 0 : i32
      %dma_wait3A_1021 = arith.constant 0 : i32
      %dma_wait3A_1022 = arith.constant 0 : i32
      %dma_wait3A_1023 = tpu.memref_slice %arg14[%dma_wait3A_1020, %dma_wait3A_1021, %dma_wait3A_1022] : memref<2x1x128xi32, #tpu.memory_space<vmem>> -> memref<1x1x128xi32, #tpu.memory_space<vmem>>
      %dma_wait3A_1024 = tpu.memref_squeeze %dma_wait3A_1023 : memref<1x1x128xi32, #tpu.memory_space<vmem>> -> memref<128xi32, #tpu.memory_space<vmem>>
      %dma_wait3A_1025 = arith.constant 0 : i32
      %dma_wait3A_1026 = arith.constant 0 : i32
      %dma_wait3A_1027 = tpu.memref_slice %arg3[%dma_wait3A_1025, %dma_wait3A_1026] : memref<10240x128xf32, #tpu.memory_space<hbm>> -> memref<10240x128xf32, #tpu.memory_space<hbm>>
      tpu.wait_indirect_dma semaphore(%arg23 : memref<!tpu.dma_semaphore, #tpu.memory_space<semaphore_mem>>) src(%dma_wait3A_1027 : memref<10240x128xf32, #tpu.memory_space<hbm>>) dst(%arg16 : memref<128x128xf32, #tpu.memory_space<vmem>>)
      %dma_wait3A_1028 = arith.constant 1 : i32
      %dma_wait3A_1029 = arith.constant 0 : i32
      %dma_wait3A_1030 = arith.constant 0 : i32
      %dma_wait3A_1031 = tpu.memref_slice %arg14[%dma_wait3A_1028, %dma_wait3A_1029, %dma_wait3A_1030] : memref<2x1x128xi32, #tpu.memory_space<vmem>> -> memref<1x1x128xi32, #tpu.memory_space<vmem>>
      %dma_wait3A_1032 = tpu.memref_squeeze %dma_wait3A_1031 : memref<1x1x128xi32, #tpu.memory_space<vmem>> -> memref<128xi32, #tpu.memory_space<vmem>>
      %dma_wait3A_1033 = arith.constant 0 : i32
      %dma_wait3A_1034 = tpu.memref_slice %arg10[%dma_wait3A_1033] : memref<10240xf32, #tpu.memory_space<vmem_shared>> -> memref<10240xf32, #tpu.memory_space<vmem_shared>>
      tpu.wait_indirect_dma semaphore(%arg25 : memref<!tpu.dma_semaphore, #tpu.memory_space<semaphore_mem>>) src(%dma_wait3A_1034 : memref<10240xf32, #tpu.memory_space<vmem_shared>>) dst(%arg18 : memref<128xf32, #tpu.memory_space<vmem>>)
      %dma_start3A_1035 = arith.constant 1 : i32
      %dma_start3A_1036 = arith.constant 0 : i32
      %dma_start3A_1037 = arith.constant 0 : i32
      %dma_start3A_1038 = tpu.memref_slice %arg14[%dma_start3A_1035, %dma_start3A_1036, %dma_start3A_1037] : memref<2x1x128xi32, #tpu.memory_space<vmem>> -> memref<1x1x128xi32, #tpu.memory_space<vmem>>
      %dma_start3A_1039 = tpu.memref_squeeze %dma_start3A_1038 : memref<1x1x128xi32, #tpu.memory_space<vmem>> -> memref<128xi32, #tpu.memory_space<vmem>>
      %dma_start3A_1040 = arith.constant 0 : i32
      %dma_start3A_1041 = arith.constant 0 : i32
      %dma_start3A_1042 = tpu.memref_slice %arg8[%dma_start3A_1040, %dma_start3A_1041] : memref<10240x128xf32, #tpu.memory_space<vmem_shared>> -> memref<10240x128xf32, #tpu.memory_space<vmem_shared>>
      tpu.enqueue_indirect_dma source(%arg16 : memref<128x128xf32, #tpu.memory_space<vmem>>) target(%dma_start3A_1042 : memref<10240x128xf32, #tpu.memory_space<vmem_shared>>) offsets(%dma_start3A_1039 : memref<128xi32, #tpu.memory_space<vmem>>) semaphore(%arg27 : memref<!tpu.dma_semaphore, #tpu.memory_space<semaphore_mem>>) {add = true}
      %dma_start3A_1043 = arith.constant 0 : i32
      %dma_start3A_1044 = arith.constant 0 : i32
      %dma_start3A_1045 = arith.constant 0 : i32
      %dma_start3A_1046 = tpu.memref_slice %arg14[%dma_start3A_1043, %dma_start3A_1044, %dma_start3A_1045] : memref<2x1x128xi32, #tpu.memory_space<vmem>> -> memref<1x1x128xi32, #tpu.memory_space<vmem>>
      %dma_start3A_1047 = tpu.memref_squeeze %dma_start3A_1046 : memref<1x1x128xi32, #tpu.memory_space<vmem>> -> memref<128xi32, #tpu.memory_space<vmem>>
      %dma_start3A_1048 = arith.constant 0 : i32
      %dma_start3A_1049 = tpu.memref_slice %arg9[%dma_start3A_1048] : memref<10240xf32, #tpu.memory_space<vmem_shared>> -> memref<10240xf32, #tpu.memory_space<vmem_shared>>
      tpu.enqueue_indirect_dma source(%arg18 : memref<128xf32, #tpu.memory_space<vmem>>) target(%dma_start3A_1049 : memref<10240xf32, #tpu.memory_space<vmem_shared>>) offsets(%dma_start3A_1047 : memref<128xi32, #tpu.memory_space<vmem>>) semaphore(%arg29 : memref<!tpu.dma_semaphore, #tpu.memory_space<semaphore_mem>>) {add = true}
      %add3A_1050 = arith.constant 4 : i32
      %add3A_1051 = arith.addi %add3A_705, %add3A_1050 : i32
      %dma_wait3A_1052 = arith.constant 1 : i32
      %dma_wait3A_1053 = arith.constant 0 : i32
      %dma_wait3A_1054 = arith.constant 0 : i32
      %dma_wait3A_1055 = tpu.memref_slice %arg13[%dma_wait3A_1052, %dma_wait3A_1053, %dma_wait3A_1054] : memref<2x1x128xi32, #tpu.memory_space<vmem>> -> memref<1x1x128xi32, #tpu.memory_space<vmem>>
      %dma_wait3A_1056 = tpu.memref_squeeze %dma_wait3A_1055 : memref<1x1x128xi32, #tpu.memory_space<vmem>> -> memref<128xi32, #tpu.memory_space<vmem>>
      %dma_wait3A_1057 = arith.constant 0 : i32
      %dma_wait3A_1058 = arith.constant 0 : i32
      %dma_wait3A_1059 = tpu.memref_slice %arg8[%dma_wait3A_1057, %dma_wait3A_1058] : memref<10240x128xf32, #tpu.memory_space<vmem_shared>> -> memref<10240x128xf32, #tpu.memory_space<vmem_shared>>
      tpu.wait_indirect_dma semaphore(%arg27 : memref<!tpu.dma_semaphore, #tpu.memory_space<semaphore_mem>>) src(%arg16 : memref<128x128xf32, #tpu.memory_space<vmem>>) dst(%dma_wait3A_1059 : memref<10240x128xf32, #tpu.memory_space<vmem_shared>>)
      %dma_wait3A_1060 = arith.constant 0 : i32
      %dma_wait3A_1061 = arith.constant 0 : i32
      %dma_wait3A_1062 = arith.constant 0 : i32
      %dma_wait3A_1063 = tpu.memref_slice %arg13[%dma_wait3A_1060, %dma_wait3A_1061, %dma_wait3A_1062] : memref<2x1x128xi32, #tpu.memory_space<vmem>> -> memref<1x1x128xi32, #tpu.memory_space<vmem>>
      %dma_wait3A_1064 = tpu.memref_squeeze %dma_wait3A_1063 : memref<1x1x128xi32, #tpu.memory_space<vmem>> -> memref<128xi32, #tpu.memory_space<vmem>>
      %dma_wait3A_1065 = arith.constant 0 : i32
      %dma_wait3A_1066 = tpu.memref_slice %arg9[%dma_wait3A_1065] : memref<10240xf32, #tpu.memory_space<vmem_shared>> -> memref<10240xf32, #tpu.memory_space<vmem_shared>>
      tpu.wait_indirect_dma semaphore(%arg29 : memref<!tpu.dma_semaphore, #tpu.memory_space<semaphore_mem>>) src(%arg18 : memref<128xf32, #tpu.memory_space<vmem>>) dst(%dma_wait3A_1066 : memref<10240xf32, #tpu.memory_space<vmem_shared>>)
      %add3A_1067 = arith.constant 2 : i32
      %add3A_1068 = arith.addi %add3A_1051, %add3A_1067 : i32
      %add3A_1069 = arith.addi %mul3A_101, %add3A_1068 : i32
      %dma_start3A_1070 = arith.constant 0 : i32
      %dma_start3A_1071 = arith.constant 0 : i32
      %dma_start3A_1072 = arith.constant 0 : i32
      %dma_start3A_1073 = tpu.memref_slice %arg2[%dma_start3A_1070, %add3A_1069, %dma_start3A_1071, %dma_start3A_1072] : memref<2x2528x1x128xi32, #tpu.memory_space<hbm>> -> memref<2x1x1x128xi32, #tpu.memory_space<hbm>>
      %dma_start3A_1074 = tpu.memref_squeeze %dma_start3A_1073 : memref<2x1x1x128xi32, #tpu.memory_space<hbm>> -> memref<2x1x128xi32, #tpu.memory_space<hbm>>
      %dma_start3A_1075 = arith.constant 0 : i32
      %dma_start3A_1076 = arith.constant 0 : i32
      %dma_start3A_1077 = arith.constant 0 : i32
      %dma_start3A_1078 = tpu.memref_slice %arg2[%dma_start3A_1075, %add3A_1069, %dma_start3A_1076, %dma_start3A_1077] : memref<2x2528x1x128xi32, #tpu.memory_space<hbm>> -> memref<2x1x1x128xi32, #tpu.memory_space<hbm>>
      %dma_start3A_1079 = tpu.memref_squeeze %dma_start3A_1078 : memref<2x1x1x128xi32, #tpu.memory_space<hbm>> -> memref<2x1x128xi32, #tpu.memory_space<hbm>>
      tpu.enqueue_dma source(%dma_start3A_1079 : memref<2x1x128xi32, #tpu.memory_space<hbm>>) target(%arg14 : memref<2x1x128xi32, #tpu.memory_space<vmem>>) target_semaphore(%arg21 : memref<!tpu.dma_semaphore, #tpu.memory_space<semaphore_mem>>)
      %dma_wait3A_1080 = arith.constant 0 : i32
      %dma_wait3A_1081 = arith.constant 0 : i32
      %dma_wait3A_1082 = arith.constant 0 : i32
      %dma_wait3A_1083 = arith.constant 0 : i32
      %dma_wait3A_1084 = tpu.memref_slice %arg2[%dma_wait3A_1081, %dma_wait3A_1080, %dma_wait3A_1082, %dma_wait3A_1083] : memref<2x2528x1x128xi32, #tpu.memory_space<hbm>> -> memref<2x1x1x128xi32, #tpu.memory_space<hbm>>
      %dma_wait3A_1085 = tpu.memref_squeeze %dma_wait3A_1084 : memref<2x1x1x128xi32, #tpu.memory_space<hbm>> -> memref<2x1x128xi32, #tpu.memory_space<hbm>>
      %dma_wait3A_1086 = arith.constant 0 : i32
      %dma_wait3A_1087 = arith.constant 0 : i32
      %dma_wait3A_1088 = arith.constant 0 : i32
      %dma_wait3A_1089 = tpu.memref_slice %arg2[%dma_wait3A_1086, %dma_wait3A_1080, %dma_wait3A_1087, %dma_wait3A_1088] : memref<2x2528x1x128xi32, #tpu.memory_space<hbm>> -> memref<2x1x1x128xi32, #tpu.memory_space<hbm>>
      %dma_wait3A_1090 = tpu.memref_squeeze %dma_wait3A_1089 : memref<2x1x1x128xi32, #tpu.memory_space<hbm>> -> memref<2x1x128xi32, #tpu.memory_space<hbm>>
      tpu.wait_dma2 semaphore(%arg20 : memref<!tpu.dma_semaphore, #tpu.memory_space<semaphore_mem>>) src(%dma_wait3A_1090 : memref<2x1x128xi32, #tpu.memory_space<hbm>>) dst(%arg13 : memref<2x1x128xi32, #tpu.memory_space<vmem>>)
      %dma_start3A_1091 = arith.constant 0 : i32
      %dma_start3A_1092 = arith.constant 0 : i32
      %dma_start3A_1093 = arith.constant 0 : i32
      %dma_start3A_1094 = tpu.memref_slice %arg13[%dma_start3A_1091, %dma_start3A_1092, %dma_start3A_1093] : memref<2x1x128xi32, #tpu.memory_space<vmem>> -> memref<1x1x128xi32, #tpu.memory_space<vmem>>
      %dma_start3A_1095 = tpu.memref_squeeze %dma_start3A_1094 : memref<1x1x128xi32, #tpu.memory_space<vmem>> -> memref<128xi32, #tpu.memory_space<vmem>>
      %dma_start3A_1096 = arith.constant 0 : i32
      %dma_start3A_1097 = arith.constant 0 : i32
      %dma_start3A_1098 = tpu.memref_slice %arg3[%dma_start3A_1096, %dma_start3A_1097] : memref<10240x128xf32, #tpu.memory_space<hbm>> -> memref<10240x128xf32, #tpu.memory_space<hbm>>
      tpu.enqueue_indirect_dma source(%dma_start3A_1098 : memref<10240x128xf32, #tpu.memory_space<hbm>>) target(%arg16 : memref<128x128xf32, #tpu.memory_space<vmem>>) offsets(%dma_start3A_1095 : memref<128xi32, #tpu.memory_space<vmem>>) semaphore(%arg23 : memref<!tpu.dma_semaphore, #tpu.memory_space<semaphore_mem>>)
      %dma_start3A_1099 = arith.constant 1 : i32
      %dma_start3A_1100 = arith.constant 0 : i32
      %dma_start3A_1101 = arith.constant 0 : i32
      %dma_start3A_1102 = tpu.memref_slice %arg13[%dma_start3A_1099, %dma_start3A_1100, %dma_start3A_1101] : memref<2x1x128xi32, #tpu.memory_space<vmem>> -> memref<1x1x128xi32, #tpu.memory_space<vmem>>
      %dma_start3A_1103 = tpu.memref_squeeze %dma_start3A_1102 : memref<1x1x128xi32, #tpu.memory_space<vmem>> -> memref<128xi32, #tpu.memory_space<vmem>>
      %dma_start3A_1104 = arith.constant 0 : i32
      %dma_start3A_1105 = tpu.memref_slice %arg10[%dma_start3A_1104] : memref<10240xf32, #tpu.memory_space<vmem_shared>> -> memref<10240xf32, #tpu.memory_space<vmem_shared>>
      tpu.enqueue_indirect_dma source(%dma_start3A_1105 : memref<10240xf32, #tpu.memory_space<vmem_shared>>) target(%arg18 : memref<128xf32, #tpu.memory_space<vmem>>) offsets(%dma_start3A_1103 : memref<128xi32, #tpu.memory_space<vmem>>) semaphore(%arg25 : memref<!tpu.dma_semaphore, #tpu.memory_space<semaphore_mem>>)
      %dma_wait3A_1106 = arith.constant 0 : i32
      %dma_wait3A_1107 = arith.constant 0 : i32
      %dma_wait3A_1108 = arith.constant 0 : i32
      %dma_wait3A_1109 = tpu.memref_slice %arg15[%dma_wait3A_1106, %dma_wait3A_1107, %dma_wait3A_1108] : memref<2x1x128xi32, #tpu.memory_space<vmem>> -> memref<1x1x128xi32, #tpu.memory_space<vmem>>
      %dma_wait3A_1110 = tpu.memref_squeeze %dma_wait3A_1109 : memref<1x1x128xi32, #tpu.memory_space<vmem>> -> memref<128xi32, #tpu.memory_space<vmem>>
      %dma_wait3A_1111 = arith.constant 0 : i32
      %dma_wait3A_1112 = arith.constant 0 : i32
      %dma_wait3A_1113 = tpu.memref_slice %arg3[%dma_wait3A_1111, %dma_wait3A_1112] : memref<10240x128xf32, #tpu.memory_space<hbm>> -> memref<10240x128xf32, #tpu.memory_space<hbm>>
      tpu.wait_indirect_dma semaphore(%arg24 : memref<!tpu.dma_semaphore, #tpu.memory_space<semaphore_mem>>) src(%dma_wait3A_1113 : memref<10240x128xf32, #tpu.memory_space<hbm>>) dst(%arg17 : memref<128x128xf32, #tpu.memory_space<vmem>>)
      %dma_wait3A_1114 = arith.constant 1 : i32
      %dma_wait3A_1115 = arith.constant 0 : i32
      %dma_wait3A_1116 = arith.constant 0 : i32
      %dma_wait3A_1117 = tpu.memref_slice %arg15[%dma_wait3A_1114, %dma_wait3A_1115, %dma_wait3A_1116] : memref<2x1x128xi32, #tpu.memory_space<vmem>> -> memref<1x1x128xi32, #tpu.memory_space<vmem>>
      %dma_wait3A_1118 = tpu.memref_squeeze %dma_wait3A_1117 : memref<1x1x128xi32, #tpu.memory_space<vmem>> -> memref<128xi32, #tpu.memory_space<vmem>>
      %dma_wait3A_1119 = arith.constant 0 : i32
      %dma_wait3A_1120 = tpu.memref_slice %arg10[%dma_wait3A_1119] : memref<10240xf32, #tpu.memory_space<vmem_shared>> -> memref<10240xf32, #tpu.memory_space<vmem_shared>>
      tpu.wait_indirect_dma semaphore(%arg26 : memref<!tpu.dma_semaphore, #tpu.memory_space<semaphore_mem>>) src(%dma_wait3A_1120 : memref<10240xf32, #tpu.memory_space<vmem_shared>>) dst(%arg19 : memref<128xf32, #tpu.memory_space<vmem>>)
      %dma_start3A_1121 = arith.constant 1 : i32
      %dma_start3A_1122 = arith.constant 0 : i32
      %dma_start3A_1123 = arith.constant 0 : i32
      %dma_start3A_1124 = tpu.memref_slice %arg15[%dma_start3A_1121, %dma_start3A_1122, %dma_start3A_1123] : memref<2x1x128xi32, #tpu.memory_space<vmem>> -> memref<1x1x128xi32, #tpu.memory_space<vmem>>
      %dma_start3A_1125 = tpu.memref_squeeze %dma_start3A_1124 : memref<1x1x128xi32, #tpu.memory_space<vmem>> -> memref<128xi32, #tpu.memory_space<vmem>>
      %dma_start3A_1126 = arith.constant 0 : i32
      %dma_start3A_1127 = arith.constant 0 : i32
      %dma_start3A_1128 = tpu.memref_slice %arg8[%dma_start3A_1126, %dma_start3A_1127] : memref<10240x128xf32, #tpu.memory_space<vmem_shared>> -> memref<10240x128xf32, #tpu.memory_space<vmem_shared>>
      tpu.enqueue_indirect_dma source(%arg17 : memref<128x128xf32, #tpu.memory_space<vmem>>) target(%dma_start3A_1128 : memref<10240x128xf32, #tpu.memory_space<vmem_shared>>) offsets(%dma_start3A_1125 : memref<128xi32, #tpu.memory_space<vmem>>) semaphore(%arg28 : memref<!tpu.dma_semaphore, #tpu.memory_space<semaphore_mem>>) {add = true}
      %dma_start3A_1129 = arith.constant 0 : i32
      %dma_start3A_1130 = arith.constant 0 : i32
      %dma_start3A_1131 = arith.constant 0 : i32
      %dma_start3A_1132 = tpu.memref_slice %arg15[%dma_start3A_1129, %dma_start3A_1130, %dma_start3A_1131] : memref<2x1x128xi32, #tpu.memory_space<vmem>> -> memref<1x1x128xi32, #tpu.memory_space<vmem>>
      %dma_start3A_1133 = tpu.memref_squeeze %dma_start3A_1132 : memref<1x1x128xi32, #tpu.memory_space<vmem>> -> memref<128xi32, #tpu.memory_space<vmem>>
      %dma_start3A_1134 = arith.constant 0 : i32
      %dma_start3A_1135 = tpu.memref_slice %arg9[%dma_start3A_1134] : memref<10240xf32, #tpu.memory_space<vmem_shared>> -> memref<10240xf32, #tpu.memory_space<vmem_shared>>
      tpu.enqueue_indirect_dma source(%arg19 : memref<128xf32, #tpu.memory_space<vmem>>) target(%dma_start3A_1135 : memref<10240xf32, #tpu.memory_space<vmem_shared>>) offsets(%dma_start3A_1133 : memref<128xi32, #tpu.memory_space<vmem>>) semaphore(%arg30 : memref<!tpu.dma_semaphore, #tpu.memory_space<semaphore_mem>>) {add = true}
      %add3A_1136 = arith.constant 5 : i32
      %add3A_1137 = arith.addi %add3A_705, %add3A_1136 : i32
      %dma_wait3A_1138 = arith.constant 1 : i32
      %dma_wait3A_1139 = arith.constant 0 : i32
      %dma_wait3A_1140 = arith.constant 0 : i32
      %dma_wait3A_1141 = tpu.memref_slice %arg13[%dma_wait3A_1138, %dma_wait3A_1139, %dma_wait3A_1140] : memref<2x1x128xi32, #tpu.memory_space<vmem>> -> memref<1x1x128xi32, #tpu.memory_space<vmem>>
      %dma_wait3A_1142 = tpu.memref_squeeze %dma_wait3A_1141 : memref<1x1x128xi32, #tpu.memory_space<vmem>> -> memref<128xi32, #tpu.memory_space<vmem>>
      %dma_wait3A_1143 = arith.constant 0 : i32
      %dma_wait3A_1144 = arith.constant 0 : i32
      %dma_wait3A_1145 = tpu.memref_slice %arg8[%dma_wait3A_1143, %dma_wait3A_1144] : memref<10240x128xf32, #tpu.memory_space<vmem_shared>> -> memref<10240x128xf32, #tpu.memory_space<vmem_shared>>
      tpu.wait_indirect_dma semaphore(%arg28 : memref<!tpu.dma_semaphore, #tpu.memory_space<semaphore_mem>>) src(%arg17 : memref<128x128xf32, #tpu.memory_space<vmem>>) dst(%dma_wait3A_1145 : memref<10240x128xf32, #tpu.memory_space<vmem_shared>>)
      %dma_wait3A_1146 = arith.constant 0 : i32
      %dma_wait3A_1147 = arith.constant 0 : i32
      %dma_wait3A_1148 = arith.constant 0 : i32
      %dma_wait3A_1149 = tpu.memref_slice %arg13[%dma_wait3A_1146, %dma_wait3A_1147, %dma_wait3A_1148] : memref<2x1x128xi32, #tpu.memory_space<vmem>> -> memref<1x1x128xi32, #tpu.memory_space<vmem>>
      %dma_wait3A_1150 = tpu.memref_squeeze %dma_wait3A_1149 : memref<1x1x128xi32, #tpu.memory_space<vmem>> -> memref<128xi32, #tpu.memory_space<vmem>>
      %dma_wait3A_1151 = arith.constant 0 : i32
      %dma_wait3A_1152 = tpu.memref_slice %arg9[%dma_wait3A_1151] : memref<10240xf32, #tpu.memory_space<vmem_shared>> -> memref<10240xf32, #tpu.memory_space<vmem_shared>>
      tpu.wait_indirect_dma semaphore(%arg30 : memref<!tpu.dma_semaphore, #tpu.memory_space<semaphore_mem>>) src(%arg19 : memref<128xf32, #tpu.memory_space<vmem>>) dst(%dma_wait3A_1152 : memref<10240xf32, #tpu.memory_space<vmem_shared>>)
      %add3A_1153 = arith.constant 2 : i32
      %add3A_1154 = arith.addi %add3A_1137, %add3A_1153 : i32
      %add3A_1155 = arith.addi %mul3A_101, %add3A_1154 : i32
      %dma_start3A_1156 = arith.constant 0 : i32
      %dma_start3A_1157 = arith.constant 0 : i32
      %dma_start3A_1158 = arith.constant 0 : i32
      %dma_start3A_1159 = tpu.memref_slice %arg2[%dma_start3A_1156, %add3A_1155, %dma_start3A_1157, %dma_start3A_1158] : memref<2x2528x1x128xi32, #tpu.memory_space<hbm>> -> memref<2x1x1x128xi32, #tpu.memory_space<hbm>>
      %dma_start3A_1160 = tpu.memref_squeeze %dma_start3A_1159 : memref<2x1x1x128xi32, #tpu.memory_space<hbm>> -> memref<2x1x128xi32, #tpu.memory_space<hbm>>
      %dma_start3A_1161 = arith.constant 0 : i32
      %dma_start3A_1162 = arith.constant 0 : i32
      %dma_start3A_1163 = arith.constant 0 : i32
      %dma_start3A_1164 = tpu.memref_slice %arg2[%dma_start3A_1161, %add3A_1155, %dma_start3A_1162, %dma_start3A_1163] : memref<2x2528x1x128xi32, #tpu.memory_space<hbm>> -> memref<2x1x1x128xi32, #tpu.memory_space<hbm>>
      %dma_start3A_1165 = tpu.memref_squeeze %dma_start3A_1164 : memref<2x1x1x128xi32, #tpu.memory_space<hbm>> -> memref<2x1x128xi32, #tpu.memory_space<hbm>>
      tpu.enqueue_dma source(%dma_start3A_1165 : memref<2x1x128xi32, #tpu.memory_space<hbm>>) target(%arg15 : memref<2x1x128xi32, #tpu.memory_space<vmem>>) target_semaphore(%arg22 : memref<!tpu.dma_semaphore, #tpu.memory_space<semaphore_mem>>)
      %dma_wait3A_1166 = arith.constant 0 : i32
      %dma_wait3A_1167 = arith.constant 0 : i32
      %dma_wait3A_1168 = arith.constant 0 : i32
      %dma_wait3A_1169 = arith.constant 0 : i32
      %dma_wait3A_1170 = tpu.memref_slice %arg2[%dma_wait3A_1167, %dma_wait3A_1166, %dma_wait3A_1168, %dma_wait3A_1169] : memref<2x2528x1x128xi32, #tpu.memory_space<hbm>> -> memref<2x1x1x128xi32, #tpu.memory_space<hbm>>
      %dma_wait3A_1171 = tpu.memref_squeeze %dma_wait3A_1170 : memref<2x1x1x128xi32, #tpu.memory_space<hbm>> -> memref<2x1x128xi32, #tpu.memory_space<hbm>>
      %dma_wait3A_1172 = arith.constant 0 : i32
      %dma_wait3A_1173 = arith.constant 0 : i32
      %dma_wait3A_1174 = arith.constant 0 : i32
      %dma_wait3A_1175 = tpu.memref_slice %arg2[%dma_wait3A_1172, %dma_wait3A_1166, %dma_wait3A_1173, %dma_wait3A_1174] : memref<2x2528x1x128xi32, #tpu.memory_space<hbm>> -> memref<2x1x1x128xi32, #tpu.memory_space<hbm>>
      %dma_wait3A_1176 = tpu.memref_squeeze %dma_wait3A_1175 : memref<2x1x1x128xi32, #tpu.memory_space<hbm>> -> memref<2x1x128xi32, #tpu.memory_space<hbm>>
      tpu.wait_dma2 semaphore(%arg21 : memref<!tpu.dma_semaphore, #tpu.memory_space<semaphore_mem>>) src(%dma_wait3A_1176 : memref<2x1x128xi32, #tpu.memory_space<hbm>>) dst(%arg14 : memref<2x1x128xi32, #tpu.memory_space<vmem>>)
      %dma_start3A_1177 = arith.constant 0 : i32
      %dma_start3A_1178 = arith.constant 0 : i32
      %dma_start3A_1179 = arith.constant 0 : i32
      %dma_start3A_1180 = tpu.memref_slice %arg14[%dma_start3A_1177, %dma_start3A_1178, %dma_start3A_1179] : memref<2x1x128xi32, #tpu.memory_space<vmem>> -> memref<1x1x128xi32, #tpu.memory_space<vmem>>
      %dma_start3A_1181 = tpu.memref_squeeze %dma_start3A_1180 : memref<1x1x128xi32, #tpu.memory_space<vmem>> -> memref<128xi32, #tpu.memory_space<vmem>>
      %dma_start3A_1182 = arith.constant 0 : i32
      %dma_start3A_1183 = arith.constant 0 : i32
      %dma_start3A_1184 = tpu.memref_slice %arg3[%dma_start3A_1182, %dma_start3A_1183] : memref<10240x128xf32, #tpu.memory_space<hbm>> -> memref<10240x128xf32, #tpu.memory_space<hbm>>
      tpu.enqueue_indirect_dma source(%dma_start3A_1184 : memref<10240x128xf32, #tpu.memory_space<hbm>>) target(%arg17 : memref<128x128xf32, #tpu.memory_space<vmem>>) offsets(%dma_start3A_1181 : memref<128xi32, #tpu.memory_space<vmem>>) semaphore(%arg24 : memref<!tpu.dma_semaphore, #tpu.memory_space<semaphore_mem>>)
      %dma_start3A_1185 = arith.constant 1 : i32
      %dma_start3A_1186 = arith.constant 0 : i32
      %dma_start3A_1187 = arith.constant 0 : i32
      %dma_start3A_1188 = tpu.memref_slice %arg14[%dma_start3A_1185, %dma_start3A_1186, %dma_start3A_1187] : memref<2x1x128xi32, #tpu.memory_space<vmem>> -> memref<1x1x128xi32, #tpu.memory_space<vmem>>
      %dma_start3A_1189 = tpu.memref_squeeze %dma_start3A_1188 : memref<1x1x128xi32, #tpu.memory_space<vmem>> -> memref<128xi32, #tpu.memory_space<vmem>>
      %dma_start3A_1190 = arith.constant 0 : i32
      %dma_start3A_1191 = tpu.memref_slice %arg10[%dma_start3A_1190] : memref<10240xf32, #tpu.memory_space<vmem_shared>> -> memref<10240xf32, #tpu.memory_space<vmem_shared>>
      tpu.enqueue_indirect_dma source(%dma_start3A_1191 : memref<10240xf32, #tpu.memory_space<vmem_shared>>) target(%arg19 : memref<128xf32, #tpu.memory_space<vmem>>) offsets(%dma_start3A_1189 : memref<128xi32, #tpu.memory_space<vmem>>) semaphore(%arg26 : memref<!tpu.dma_semaphore, #tpu.memory_space<semaphore_mem>>)
      %dma_wait3A_1192 = arith.constant 0 : i32
      %dma_wait3A_1193 = arith.constant 0 : i32
      %dma_wait3A_1194 = arith.constant 0 : i32
      %dma_wait3A_1195 = tpu.memref_slice %arg13[%dma_wait3A_1192, %dma_wait3A_1193, %dma_wait3A_1194] : memref<2x1x128xi32, #tpu.memory_space<vmem>> -> memref<1x1x128xi32, #tpu.memory_space<vmem>>
      %dma_wait3A_1196 = tpu.memref_squeeze %dma_wait3A_1195 : memref<1x1x128xi32, #tpu.memory_space<vmem>> -> memref<128xi32, #tpu.memory_space<vmem>>
      %dma_wait3A_1197 = arith.constant 0 : i32
      %dma_wait3A_1198 = arith.constant 0 : i32
      %dma_wait3A_1199 = tpu.memref_slice %arg3[%dma_wait3A_1197, %dma_wait3A_1198] : memref<10240x128xf32, #tpu.memory_space<hbm>> -> memref<10240x128xf32, #tpu.memory_space<hbm>>
      tpu.wait_indirect_dma semaphore(%arg23 : memref<!tpu.dma_semaphore, #tpu.memory_space<semaphore_mem>>) src(%dma_wait3A_1199 : memref<10240x128xf32, #tpu.memory_space<hbm>>) dst(%arg16 : memref<128x128xf32, #tpu.memory_space<vmem>>)
      %dma_wait3A_1200 = arith.constant 1 : i32
      %dma_wait3A_1201 = arith.constant 0 : i32
      %dma_wait3A_1202 = arith.constant 0 : i32
      %dma_wait3A_1203 = tpu.memref_slice %arg13[%dma_wait3A_1200, %dma_wait3A_1201, %dma_wait3A_1202] : memref<2x1x128xi32, #tpu.memory_space<vmem>> -> memref<1x1x128xi32, #tpu.memory_space<vmem>>
      %dma_wait3A_1204 = tpu.memref_squeeze %dma_wait3A_1203 : memref<1x1x128xi32, #tpu.memory_space<vmem>> -> memref<128xi32, #tpu.memory_space<vmem>>
      %dma_wait3A_1205 = arith.constant 0 : i32
      %dma_wait3A_1206 = tpu.memref_slice %arg10[%dma_wait3A_1205] : memref<10240xf32, #tpu.memory_space<vmem_shared>> -> memref<10240xf32, #tpu.memory_space<vmem_shared>>
      tpu.wait_indirect_dma semaphore(%arg25 : memref<!tpu.dma_semaphore, #tpu.memory_space<semaphore_mem>>) src(%dma_wait3A_1206 : memref<10240xf32, #tpu.memory_space<vmem_shared>>) dst(%arg18 : memref<128xf32, #tpu.memory_space<vmem>>)
      %dma_start3A_1207 = arith.constant 1 : i32
      %dma_start3A_1208 = arith.constant 0 : i32
      %dma_start3A_1209 = arith.constant 0 : i32
      %dma_start3A_1210 = tpu.memref_slice %arg13[%dma_start3A_1207, %dma_start3A_1208, %dma_start3A_1209] : memref<2x1x128xi32, #tpu.memory_space<vmem>> -> memref<1x1x128xi32, #tpu.memory_space<vmem>>
      %dma_start3A_1211 = tpu.memref_squeeze %dma_start3A_1210 : memref<1x1x128xi32, #tpu.memory_space<vmem>> -> memref<128xi32, #tpu.memory_space<vmem>>
      %dma_start3A_1212 = arith.constant 0 : i32
      %dma_start3A_1213 = arith.constant 0 : i32
      %dma_start3A_1214 = tpu.memref_slice %arg8[%dma_start3A_1212, %dma_start3A_1213] : memref<10240x128xf32, #tpu.memory_space<vmem_shared>> -> memref<10240x128xf32, #tpu.memory_space<vmem_shared>>
      tpu.enqueue_indirect_dma source(%arg16 : memref<128x128xf32, #tpu.memory_space<vmem>>) target(%dma_start3A_1214 : memref<10240x128xf32, #tpu.memory_space<vmem_shared>>) offsets(%dma_start3A_1211 : memref<128xi32, #tpu.memory_space<vmem>>) semaphore(%arg27 : memref<!tpu.dma_semaphore, #tpu.memory_space<semaphore_mem>>) {add = true}
      %dma_start3A_1215 = arith.constant 0 : i32
      %dma_start3A_1216 = arith.constant 0 : i32
      %dma_start3A_1217 = arith.constant 0 : i32
      %dma_start3A_1218 = tpu.memref_slice %arg13[%dma_start3A_1215, %dma_start3A_1216, %dma_start3A_1217] : memref<2x1x128xi32, #tpu.memory_space<vmem>> -> memref<1x1x128xi32, #tpu.memory_space<vmem>>
      %dma_start3A_1219 = tpu.memref_squeeze %dma_start3A_1218 : memref<1x1x128xi32, #tpu.memory_space<vmem>> -> memref<128xi32, #tpu.memory_space<vmem>>
      %dma_start3A_1220 = arith.constant 0 : i32
      %dma_start3A_1221 = tpu.memref_slice %arg9[%dma_start3A_1220] : memref<10240xf32, #tpu.memory_space<vmem_shared>> -> memref<10240xf32, #tpu.memory_space<vmem_shared>>
      tpu.enqueue_indirect_dma source(%arg18 : memref<128xf32, #tpu.memory_space<vmem>>) target(%dma_start3A_1221 : memref<10240xf32, #tpu.memory_space<vmem_shared>>) offsets(%dma_start3A_1219 : memref<128xi32, #tpu.memory_space<vmem>>) semaphore(%arg29 : memref<!tpu.dma_semaphore, #tpu.memory_space<semaphore_mem>>) {add = true}
      %scan3A_1222 = arith.constant 0 : i32
      scf.yield %scan3A_1222 : i32
    }
    %scan3A_224 = arith.constant 12 : i32
    %dma_wait3A_225 = arith.constant 1 : i32
    %dma_wait3A_226 = arith.constant 0 : i32
    %dma_wait3A_227 = arith.constant 0 : i32
    %dma_wait3A_228 = tpu.memref_slice %arg13[%dma_wait3A_225, %dma_wait3A_226, %dma_wait3A_227] : memref<2x1x128xi32, #tpu.memory_space<vmem>> -> memref<1x1x128xi32, #tpu.memory_space<vmem>>
    %dma_wait3A_229 = tpu.memref_squeeze %dma_wait3A_228 : memref<1x1x128xi32, #tpu.memory_space<vmem>> -> memref<128xi32, #tpu.memory_space<vmem>>
    %dma_wait3A_230 = arith.constant 0 : i32
    %dma_wait3A_231 = arith.constant 0 : i32
    %dma_wait3A_232 = tpu.memref_slice %arg8[%dma_wait3A_230, %dma_wait3A_231] : memref<10240x128xf32, #tpu.memory_space<vmem_shared>> -> memref<10240x128xf32, #tpu.memory_space<vmem_shared>>
    tpu.wait_indirect_dma semaphore(%arg27 : memref<!tpu.dma_semaphore, #tpu.memory_space<semaphore_mem>>) src(%arg16 : memref<128x128xf32, #tpu.memory_space<vmem>>) dst(%dma_wait3A_232 : memref<10240x128xf32, #tpu.memory_space<vmem_shared>>)
    %dma_wait3A_233 = arith.constant 0 : i32
    %dma_wait3A_234 = arith.constant 0 : i32
    %dma_wait3A_235 = arith.constant 0 : i32
    %dma_wait3A_236 = tpu.memref_slice %arg13[%dma_wait3A_233, %dma_wait3A_234, %dma_wait3A_235] : memref<2x1x128xi32, #tpu.memory_space<vmem>> -> memref<1x1x128xi32, #tpu.memory_space<vmem>>
    %dma_wait3A_237 = tpu.memref_squeeze %dma_wait3A_236 : memref<1x1x128xi32, #tpu.memory_space<vmem>> -> memref<128xi32, #tpu.memory_space<vmem>>
    %dma_wait3A_238 = arith.constant 0 : i32
    %dma_wait3A_239 = tpu.memref_slice %arg9[%dma_wait3A_238] : memref<10240xf32, #tpu.memory_space<vmem_shared>> -> memref<10240xf32, #tpu.memory_space<vmem_shared>>
    tpu.wait_indirect_dma semaphore(%arg29 : memref<!tpu.dma_semaphore, #tpu.memory_space<semaphore_mem>>) src(%arg18 : memref<128xf32, #tpu.memory_space<vmem>>) dst(%dma_wait3A_239 : memref<10240xf32, #tpu.memory_space<vmem_shared>>)
    %add3A_240 = arith.constant 75 : i32
    %add3A_241 = arith.addi %mul3A_101, %add3A_240 : i32
    %dma_start3A_242 = arith.constant 0 : i32
    %dma_start3A_243 = arith.constant 0 : i32
    %dma_start3A_244 = arith.constant 0 : i32
    %dma_start3A_245 = tpu.memref_slice %arg2[%dma_start3A_242, %add3A_241, %dma_start3A_243, %dma_start3A_244] : memref<2x2528x1x128xi32, #tpu.memory_space<hbm>> -> memref<2x1x1x128xi32, #tpu.memory_space<hbm>>
    %dma_start3A_246 = tpu.memref_squeeze %dma_start3A_245 : memref<2x1x1x128xi32, #tpu.memory_space<hbm>> -> memref<2x1x128xi32, #tpu.memory_space<hbm>>
    %dma_start3A_247 = arith.constant 0 : i32
    %dma_start3A_248 = arith.constant 0 : i32
    %dma_start3A_249 = arith.constant 0 : i32
    %dma_start3A_250 = tpu.memref_slice %arg2[%dma_start3A_247, %add3A_241, %dma_start3A_248, %dma_start3A_249] : memref<2x2528x1x128xi32, #tpu.memory_space<hbm>> -> memref<2x1x1x128xi32, #tpu.memory_space<hbm>>
    %dma_start3A_251 = tpu.memref_squeeze %dma_start3A_250 : memref<2x1x1x128xi32, #tpu.memory_space<hbm>> -> memref<2x1x128xi32, #tpu.memory_space<hbm>>
    tpu.enqueue_dma source(%dma_start3A_251 : memref<2x1x128xi32, #tpu.memory_space<hbm>>) target(%arg13 : memref<2x1x128xi32, #tpu.memory_space<vmem>>) target_semaphore(%arg20 : memref<!tpu.dma_semaphore, #tpu.memory_space<semaphore_mem>>)
    %dma_wait3A_252 = arith.constant 0 : i32
    %dma_wait3A_253 = arith.constant 0 : i32
    %dma_wait3A_254 = arith.constant 0 : i32
    %dma_wait3A_255 = arith.constant 0 : i32
    %dma_wait3A_256 = tpu.memref_slice %arg2[%dma_wait3A_253, %dma_wait3A_252, %dma_wait3A_254, %dma_wait3A_255] : memref<2x2528x1x128xi32, #tpu.memory_space<hbm>> -> memref<2x1x1x128xi32, #tpu.memory_space<hbm>>
    %dma_wait3A_257 = tpu.memref_squeeze %dma_wait3A_256 : memref<2x1x1x128xi32, #tpu.memory_space<hbm>> -> memref<2x1x128xi32, #tpu.memory_space<hbm>>
    %dma_wait3A_258 = arith.constant 0 : i32
    %dma_wait3A_259 = arith.constant 0 : i32
    %dma_wait3A_260 = arith.constant 0 : i32
    %dma_wait3A_261 = tpu.memref_slice %arg2[%dma_wait3A_258, %dma_wait3A_252, %dma_wait3A_259, %dma_wait3A_260] : memref<2x2528x1x128xi32, #tpu.memory_space<hbm>> -> memref<2x1x1x128xi32, #tpu.memory_space<hbm>>
    %dma_wait3A_262 = tpu.memref_squeeze %dma_wait3A_261 : memref<2x1x1x128xi32, #tpu.memory_space<hbm>> -> memref<2x1x128xi32, #tpu.memory_space<hbm>>
    tpu.wait_dma2 semaphore(%arg22 : memref<!tpu.dma_semaphore, #tpu.memory_space<semaphore_mem>>) src(%dma_wait3A_262 : memref<2x1x128xi32, #tpu.memory_space<hbm>>) dst(%arg15 : memref<2x1x128xi32, #tpu.memory_space<vmem>>)
    %dma_start3A_263 = arith.constant 0 : i32
    %dma_start3A_264 = arith.constant 0 : i32
    %dma_start3A_265 = arith.constant 0 : i32
    %dma_start3A_266 = tpu.memref_slice %arg15[%dma_start3A_263, %dma_start3A_264, %dma_start3A_265] : memref<2x1x128xi32, #tpu.memory_space<vmem>> -> memref<1x1x128xi32, #tpu.memory_space<vmem>>
    %dma_start3A_267 = tpu.memref_squeeze %dma_start3A_266 : memref<1x1x128xi32, #tpu.memory_space<vmem>> -> memref<128xi32, #tpu.memory_space<vmem>>
    %dma_start3A_268 = arith.constant 0 : i32
    %dma_start3A_269 = arith.constant 0 : i32
    %dma_start3A_270 = tpu.memref_slice %arg3[%dma_start3A_268, %dma_start3A_269] : memref<10240x128xf32, #tpu.memory_space<hbm>> -> memref<10240x128xf32, #tpu.memory_space<hbm>>
    tpu.enqueue_indirect_dma source(%dma_start3A_270 : memref<10240x128xf32, #tpu.memory_space<hbm>>) target(%arg16 : memref<128x128xf32, #tpu.memory_space<vmem>>) offsets(%dma_start3A_267 : memref<128xi32, #tpu.memory_space<vmem>>) semaphore(%arg23 : memref<!tpu.dma_semaphore, #tpu.memory_space<semaphore_mem>>)
    %dma_start3A_271 = arith.constant 1 : i32
    %dma_start3A_272 = arith.constant 0 : i32
    %dma_start3A_273 = arith.constant 0 : i32
    %dma_start3A_274 = tpu.memref_slice %arg15[%dma_start3A_271, %dma_start3A_272, %dma_start3A_273] : memref<2x1x128xi32, #tpu.memory_space<vmem>> -> memref<1x1x128xi32, #tpu.memory_space<vmem>>
    %dma_start3A_275 = tpu.memref_squeeze %dma_start3A_274 : memref<1x1x128xi32, #tpu.memory_space<vmem>> -> memref<128xi32, #tpu.memory_space<vmem>>
    %dma_start3A_276 = arith.constant 0 : i32
    %dma_start3A_277 = tpu.memref_slice %arg10[%dma_start3A_276] : memref<10240xf32, #tpu.memory_space<vmem_shared>> -> memref<10240xf32, #tpu.memory_space<vmem_shared>>
    tpu.enqueue_indirect_dma source(%dma_start3A_277 : memref<10240xf32, #tpu.memory_space<vmem_shared>>) target(%arg18 : memref<128xf32, #tpu.memory_space<vmem>>) offsets(%dma_start3A_275 : memref<128xi32, #tpu.memory_space<vmem>>) semaphore(%arg25 : memref<!tpu.dma_semaphore, #tpu.memory_space<semaphore_mem>>)
    %dma_wait3A_278 = arith.constant 0 : i32
    %dma_wait3A_279 = arith.constant 0 : i32
    %dma_wait3A_280 = arith.constant 0 : i32
    %dma_wait3A_281 = tpu.memref_slice %arg14[%dma_wait3A_278, %dma_wait3A_279, %dma_wait3A_280] : memref<2x1x128xi32, #tpu.memory_space<vmem>> -> memref<1x1x128xi32, #tpu.memory_space<vmem>>
    %dma_wait3A_282 = tpu.memref_squeeze %dma_wait3A_281 : memref<1x1x128xi32, #tpu.memory_space<vmem>> -> memref<128xi32, #tpu.memory_space<vmem>>
    %dma_wait3A_283 = arith.constant 0 : i32
    %dma_wait3A_284 = arith.constant 0 : i32
    %dma_wait3A_285 = tpu.memref_slice %arg3[%dma_wait3A_283, %dma_wait3A_284] : memref<10240x128xf32, #tpu.memory_space<hbm>> -> memref<10240x128xf32, #tpu.memory_space<hbm>>
    tpu.wait_indirect_dma semaphore(%arg24 : memref<!tpu.dma_semaphore, #tpu.memory_space<semaphore_mem>>) src(%dma_wait3A_285 : memref<10240x128xf32, #tpu.memory_space<hbm>>) dst(%arg17 : memref<128x128xf32, #tpu.memory_space<vmem>>)
    %dma_wait3A_286 = arith.constant 1 : i32
    %dma_wait3A_287 = arith.constant 0 : i32
    %dma_wait3A_288 = arith.constant 0 : i32
    %dma_wait3A_289 = tpu.memref_slice %arg14[%dma_wait3A_286, %dma_wait3A_287, %dma_wait3A_288] : memref<2x1x128xi32, #tpu.memory_space<vmem>> -> memref<1x1x128xi32, #tpu.memory_space<vmem>>
    %dma_wait3A_290 = tpu.memref_squeeze %dma_wait3A_289 : memref<1x1x128xi32, #tpu.memory_space<vmem>> -> memref<128xi32, #tpu.memory_space<vmem>>
    %dma_wait3A_291 = arith.constant 0 : i32
    %dma_wait3A_292 = tpu.memref_slice %arg10[%dma_wait3A_291] : memref<10240xf32, #tpu.memory_space<vmem_shared>> -> memref<10240xf32, #tpu.memory_space<vmem_shared>>
    tpu.wait_indirect_dma semaphore(%arg26 : memref<!tpu.dma_semaphore, #tpu.memory_space<semaphore_mem>>) src(%dma_wait3A_292 : memref<10240xf32, #tpu.memory_space<vmem_shared>>) dst(%arg19 : memref<128xf32, #tpu.memory_space<vmem>>)
    %dma_start3A_293 = arith.constant 1 : i32
    %dma_start3A_294 = arith.constant 0 : i32
    %dma_start3A_295 = arith.constant 0 : i32
    %dma_start3A_296 = tpu.memref_slice %arg14[%dma_start3A_293, %dma_start3A_294, %dma_start3A_295] : memref<2x1x128xi32, #tpu.memory_space<vmem>> -> memref<1x1x128xi32, #tpu.memory_space<vmem>>
    %dma_start3A_297 = tpu.memref_squeeze %dma_start3A_296 : memref<1x1x128xi32, #tpu.memory_space<vmem>> -> memref<128xi32, #tpu.memory_space<vmem>>
    %dma_start3A_298 = arith.constant 0 : i32
    %dma_start3A_299 = arith.constant 0 : i32
    %dma_start3A_300 = tpu.memref_slice %arg8[%dma_start3A_298, %dma_start3A_299] : memref<10240x128xf32, #tpu.memory_space<vmem_shared>> -> memref<10240x128xf32, #tpu.memory_space<vmem_shared>>
    tpu.enqueue_indirect_dma source(%arg17 : memref<128x128xf32, #tpu.memory_space<vmem>>) target(%dma_start3A_300 : memref<10240x128xf32, #tpu.memory_space<vmem_shared>>) offsets(%dma_start3A_297 : memref<128xi32, #tpu.memory_space<vmem>>) semaphore(%arg28 : memref<!tpu.dma_semaphore, #tpu.memory_space<semaphore_mem>>) {add = true}
    %dma_start3A_301 = arith.constant 0 : i32
    %dma_start3A_302 = arith.constant 0 : i32
    %dma_start3A_303 = arith.constant 0 : i32
    %dma_start3A_304 = tpu.memref_slice %arg14[%dma_start3A_301, %dma_start3A_302, %dma_start3A_303] : memref<2x1x128xi32, #tpu.memory_space<vmem>> -> memref<1x1x128xi32, #tpu.memory_space<vmem>>
    %dma_start3A_305 = tpu.memref_squeeze %dma_start3A_304 : memref<1x1x128xi32, #tpu.memory_space<vmem>> -> memref<128xi32, #tpu.memory_space<vmem>>
    %dma_start3A_306 = arith.constant 0 : i32
    %dma_start3A_307 = tpu.memref_slice %arg9[%dma_start3A_306] : memref<10240xf32, #tpu.memory_space<vmem_shared>> -> memref<10240xf32, #tpu.memory_space<vmem_shared>>
    tpu.enqueue_indirect_dma source(%arg19 : memref<128xf32, #tpu.memory_space<vmem>>) target(%dma_start3A_307 : memref<10240xf32, #tpu.memory_space<vmem_shared>>) offsets(%dma_start3A_305 : memref<128xi32, #tpu.memory_space<vmem>>) semaphore(%arg30 : memref<!tpu.dma_semaphore, #tpu.memory_space<semaphore_mem>>) {add = true}
    %dma_wait3A_308 = arith.constant 1 : i32
    %dma_wait3A_309 = arith.constant 0 : i32
    %dma_wait3A_310 = arith.constant 0 : i32
    %dma_wait3A_311 = tpu.memref_slice %arg13[%dma_wait3A_308, %dma_wait3A_309, %dma_wait3A_310] : memref<2x1x128xi32, #tpu.memory_space<vmem>> -> memref<1x1x128xi32, #tpu.memory_space<vmem>>
    %dma_wait3A_312 = tpu.memref_squeeze %dma_wait3A_311 : memref<1x1x128xi32, #tpu.memory_space<vmem>> -> memref<128xi32, #tpu.memory_space<vmem>>
    %dma_wait3A_313 = arith.constant 0 : i32
    %dma_wait3A_314 = arith.constant 0 : i32
    %dma_wait3A_315 = tpu.memref_slice %arg8[%dma_wait3A_313, %dma_wait3A_314] : memref<10240x128xf32, #tpu.memory_space<vmem_shared>> -> memref<10240x128xf32, #tpu.memory_space<vmem_shared>>
    tpu.wait_indirect_dma semaphore(%arg28 : memref<!tpu.dma_semaphore, #tpu.memory_space<semaphore_mem>>) src(%arg17 : memref<128x128xf32, #tpu.memory_space<vmem>>) dst(%dma_wait3A_315 : memref<10240x128xf32, #tpu.memory_space<vmem_shared>>)
    %dma_wait3A_316 = arith.constant 0 : i32
    %dma_wait3A_317 = arith.constant 0 : i32
    %dma_wait3A_318 = arith.constant 0 : i32
    %dma_wait3A_319 = tpu.memref_slice %arg13[%dma_wait3A_316, %dma_wait3A_317, %dma_wait3A_318] : memref<2x1x128xi32, #tpu.memory_space<vmem>> -> memref<1x1x128xi32, #tpu.memory_space<vmem>>
    %dma_wait3A_320 = tpu.memref_squeeze %dma_wait3A_319 : memref<1x1x128xi32, #tpu.memory_space<vmem>> -> memref<128xi32, #tpu.memory_space<vmem>>
    %dma_wait3A_321 = arith.constant 0 : i32
    %dma_wait3A_322 = tpu.memref_slice %arg9[%dma_wait3A_321] : memref<10240xf32, #tpu.memory_space<vmem_shared>> -> memref<10240xf32, #tpu.memory_space<vmem_shared>>
    tpu.wait_indirect_dma semaphore(%arg30 : memref<!tpu.dma_semaphore, #tpu.memory_space<semaphore_mem>>) src(%arg19 : memref<128xf32, #tpu.memory_space<vmem>>) dst(%dma_wait3A_322 : memref<10240xf32, #tpu.memory_space<vmem_shared>>)
    %add3A_323 = arith.constant 76 : i32
    %add3A_324 = arith.addi %mul3A_101, %add3A_323 : i32
    %dma_start3A_325 = arith.constant 0 : i32
    %dma_start3A_326 = arith.constant 0 : i32
    %dma_start3A_327 = arith.constant 0 : i32
    %dma_start3A_328 = tpu.memref_slice %arg2[%dma_start3A_325, %add3A_324, %dma_start3A_326, %dma_start3A_327] : memref<2x2528x1x128xi32, #tpu.memory_space<hbm>> -> memref<2x1x1x128xi32, #tpu.memory_space<hbm>>
    %dma_start3A_329 = tpu.memref_squeeze %dma_start3A_328 : memref<2x1x1x128xi32, #tpu.memory_space<hbm>> -> memref<2x1x128xi32, #tpu.memory_space<hbm>>
    %dma_start3A_330 = arith.constant 0 : i32
    %dma_start3A_331 = arith.constant 0 : i32
    %dma_start3A_332 = arith.constant 0 : i32
    %dma_start3A_333 = tpu.memref_slice %arg2[%dma_start3A_330, %add3A_324, %dma_start3A_331, %dma_start3A_332] : memref<2x2528x1x128xi32, #tpu.memory_space<hbm>> -> memref<2x1x1x128xi32, #tpu.memory_space<hbm>>
    %dma_start3A_334 = tpu.memref_squeeze %dma_start3A_333 : memref<2x1x1x128xi32, #tpu.memory_space<hbm>> -> memref<2x1x128xi32, #tpu.memory_space<hbm>>
    tpu.enqueue_dma source(%dma_start3A_334 : memref<2x1x128xi32, #tpu.memory_space<hbm>>) target(%arg14 : memref<2x1x128xi32, #tpu.memory_space<vmem>>) target_semaphore(%arg21 : memref<!tpu.dma_semaphore, #tpu.memory_space<semaphore_mem>>)
    %dma_wait3A_335 = arith.constant 0 : i32
    %dma_wait3A_336 = arith.constant 0 : i32
    %dma_wait3A_337 = arith.constant 0 : i32
    %dma_wait3A_338 = arith.constant 0 : i32
    %dma_wait3A_339 = tpu.memref_slice %arg2[%dma_wait3A_336, %dma_wait3A_335, %dma_wait3A_337, %dma_wait3A_338] : memref<2x2528x1x128xi32, #tpu.memory_space<hbm>> -> memref<2x1x1x128xi32, #tpu.memory_space<hbm>>
    %dma_wait3A_340 = tpu.memref_squeeze %dma_wait3A_339 : memref<2x1x1x128xi32, #tpu.memory_space<hbm>> -> memref<2x1x128xi32, #tpu.memory_space<hbm>>
    %dma_wait3A_341 = arith.constant 0 : i32
    %dma_wait3A_342 = arith.constant 0 : i32
    %dma_wait3A_343 = arith.constant 0 : i32
    %dma_wait3A_344 = tpu.memref_slice %arg2[%dma_wait3A_341, %dma_wait3A_335, %dma_wait3A_342, %dma_wait3A_343] : memref<2x2528x1x128xi32, #tpu.memory_space<hbm>> -> memref<2x1x1x128xi32, #tpu.memory_space<hbm>>
    %dma_wait3A_345 = tpu.memref_squeeze %dma_wait3A_344 : memref<2x1x1x128xi32, #tpu.memory_space<hbm>> -> memref<2x1x128xi32, #tpu.memory_space<hbm>>
    tpu.wait_dma2 semaphore(%arg20 : memref<!tpu.dma_semaphore, #tpu.memory_space<semaphore_mem>>) src(%dma_wait3A_345 : memref<2x1x128xi32, #tpu.memory_space<hbm>>) dst(%arg13 : memref<2x1x128xi32, #tpu.memory_space<vmem>>)
    %dma_start3A_346 = arith.constant 0 : i32
    %dma_start3A_347 = arith.constant 0 : i32
    %dma_start3A_348 = arith.constant 0 : i32
    %dma_start3A_349 = tpu.memref_slice %arg13[%dma_start3A_346, %dma_start3A_347, %dma_start3A_348] : memref<2x1x128xi32, #tpu.memory_space<vmem>> -> memref<1x1x128xi32, #tpu.memory_space<vmem>>
    %dma_start3A_350 = tpu.memref_squeeze %dma_start3A_349 : memref<1x1x128xi32, #tpu.memory_space<vmem>> -> memref<128xi32, #tpu.memory_space<vmem>>
    %dma_start3A_351 = arith.constant 0 : i32
    %dma_start3A_352 = arith.constant 0 : i32
    %dma_start3A_353 = tpu.memref_slice %arg3[%dma_start3A_351, %dma_start3A_352] : memref<10240x128xf32, #tpu.memory_space<hbm>> -> memref<10240x128xf32, #tpu.memory_space<hbm>>
    tpu.enqueue_indirect_dma source(%dma_start3A_353 : memref<10240x128xf32, #tpu.memory_space<hbm>>) target(%arg17 : memref<128x128xf32, #tpu.memory_space<vmem>>) offsets(%dma_start3A_350 : memref<128xi32, #tpu.memory_space<vmem>>) semaphore(%arg24 : memref<!tpu.dma_semaphore, #tpu.memory_space<semaphore_mem>>)
    %dma_start3A_354 = arith.constant 1 : i32
    %dma_start3A_355 = arith.constant 0 : i32
    %dma_start3A_356 = arith.constant 0 : i32
    %dma_start3A_357 = tpu.memref_slice %arg13[%dma_start3A_354, %dma_start3A_355, %dma_start3A_356] : memref<2x1x128xi32, #tpu.memory_space<vmem>> -> memref<1x1x128xi32, #tpu.memory_space<vmem>>
    %dma_start3A_358 = tpu.memref_squeeze %dma_start3A_357 : memref<1x1x128xi32, #tpu.memory_space<vmem>> -> memref<128xi32, #tpu.memory_space<vmem>>
    %dma_start3A_359 = arith.constant 0 : i32
    %dma_start3A_360 = tpu.memref_slice %arg10[%dma_start3A_359] : memref<10240xf32, #tpu.memory_space<vmem_shared>> -> memref<10240xf32, #tpu.memory_space<vmem_shared>>
    tpu.enqueue_indirect_dma source(%dma_start3A_360 : memref<10240xf32, #tpu.memory_space<vmem_shared>>) target(%arg19 : memref<128xf32, #tpu.memory_space<vmem>>) offsets(%dma_start3A_358 : memref<128xi32, #tpu.memory_space<vmem>>) semaphore(%arg26 : memref<!tpu.dma_semaphore, #tpu.memory_space<semaphore_mem>>)
    %dma_wait3A_361 = arith.constant 0 : i32
    %dma_wait3A_362 = arith.constant 0 : i32
    %dma_wait3A_363 = arith.constant 0 : i32
    %dma_wait3A_364 = tpu.memref_slice %arg15[%dma_wait3A_361, %dma_wait3A_362, %dma_wait3A_363] : memref<2x1x128xi32, #tpu.memory_space<vmem>> -> memref<1x1x128xi32, #tpu.memory_space<vmem>>
    %dma_wait3A_365 = tpu.memref_squeeze %dma_wait3A_364 : memref<1x1x128xi32, #tpu.memory_space<vmem>> -> memref<128xi32, #tpu.memory_space<vmem>>
    %dma_wait3A_366 = arith.constant 0 : i32
    %dma_wait3A_367 = arith.constant 0 : i32
    %dma_wait3A_368 = tpu.memref_slice %arg3[%dma_wait3A_366, %dma_wait3A_367] : memref<10240x128xf32, #tpu.memory_space<hbm>> -> memref<10240x128xf32, #tpu.memory_space<hbm>>
    tpu.wait_indirect_dma semaphore(%arg23 : memref<!tpu.dma_semaphore, #tpu.memory_space<semaphore_mem>>) src(%dma_wait3A_368 : memref<10240x128xf32, #tpu.memory_space<hbm>>) dst(%arg16 : memref<128x128xf32, #tpu.memory_space<vmem>>)
    %dma_wait3A_369 = arith.constant 1 : i32
    %dma_wait3A_370 = arith.constant 0 : i32
    %dma_wait3A_371 = arith.constant 0 : i32
    %dma_wait3A_372 = tpu.memref_slice %arg15[%dma_wait3A_369, %dma_wait3A_370, %dma_wait3A_371] : memref<2x1x128xi32, #tpu.memory_space<vmem>> -> memref<1x1x128xi32, #tpu.memory_space<vmem>>
    %dma_wait3A_373 = tpu.memref_squeeze %dma_wait3A_372 : memref<1x1x128xi32, #tpu.memory_space<vmem>> -> memref<128xi32, #tpu.memory_space<vmem>>
    %dma_wait3A_374 = arith.constant 0 : i32
    %dma_wait3A_375 = tpu.memref_slice %arg10[%dma_wait3A_374] : memref<10240xf32, #tpu.memory_space<vmem_shared>> -> memref<10240xf32, #tpu.memory_space<vmem_shared>>
    tpu.wait_indirect_dma semaphore(%arg25 : memref<!tpu.dma_semaphore, #tpu.memory_space<semaphore_mem>>) src(%dma_wait3A_375 : memref<10240xf32, #tpu.memory_space<vmem_shared>>) dst(%arg18 : memref<128xf32, #tpu.memory_space<vmem>>)
    %dma_start3A_376 = arith.constant 1 : i32
    %dma_start3A_377 = arith.constant 0 : i32
    %dma_start3A_378 = arith.constant 0 : i32
    %dma_start3A_379 = tpu.memref_slice %arg15[%dma_start3A_376, %dma_start3A_377, %dma_start3A_378] : memref<2x1x128xi32, #tpu.memory_space<vmem>> -> memref<1x1x128xi32, #tpu.memory_space<vmem>>
    %dma_start3A_380 = tpu.memref_squeeze %dma_start3A_379 : memref<1x1x128xi32, #tpu.memory_space<vmem>> -> memref<128xi32, #tpu.memory_space<vmem>>
    %dma_start3A_381 = arith.constant 0 : i32
    %dma_start3A_382 = arith.constant 0 : i32
    %dma_start3A_383 = tpu.memref_slice %arg8[%dma_start3A_381, %dma_start3A_382] : memref<10240x128xf32, #tpu.memory_space<vmem_shared>> -> memref<10240x128xf32, #tpu.memory_space<vmem_shared>>
    tpu.enqueue_indirect_dma source(%arg16 : memref<128x128xf32, #tpu.memory_space<vmem>>) target(%dma_start3A_383 : memref<10240x128xf32, #tpu.memory_space<vmem_shared>>) offsets(%dma_start3A_380 : memref<128xi32, #tpu.memory_space<vmem>>) semaphore(%arg27 : memref<!tpu.dma_semaphore, #tpu.memory_space<semaphore_mem>>) {add = true}
    %dma_start3A_384 = arith.constant 0 : i32
    %dma_start3A_385 = arith.constant 0 : i32
    %dma_start3A_386 = arith.constant 0 : i32
    %dma_start3A_387 = tpu.memref_slice %arg15[%dma_start3A_384, %dma_start3A_385, %dma_start3A_386] : memref<2x1x128xi32, #tpu.memory_space<vmem>> -> memref<1x1x128xi32, #tpu.memory_space<vmem>>
    %dma_start3A_388 = tpu.memref_squeeze %dma_start3A_387 : memref<1x1x128xi32, #tpu.memory_space<vmem>> -> memref<128xi32, #tpu.memory_space<vmem>>
    %dma_start3A_389 = arith.constant 0 : i32
    %dma_start3A_390 = tpu.memref_slice %arg9[%dma_start3A_389] : memref<10240xf32, #tpu.memory_space<vmem_shared>> -> memref<10240xf32, #tpu.memory_space<vmem_shared>>
    tpu.enqueue_indirect_dma source(%arg18 : memref<128xf32, #tpu.memory_space<vmem>>) target(%dma_start3A_390 : memref<10240xf32, #tpu.memory_space<vmem_shared>>) offsets(%dma_start3A_388 : memref<128xi32, #tpu.memory_space<vmem>>) semaphore(%arg29 : memref<!tpu.dma_semaphore, #tpu.memory_space<semaphore_mem>>) {add = true}
    %dma_wait3A_391 = arith.constant 1 : i32
    %dma_wait3A_392 = arith.constant 0 : i32
    %dma_wait3A_393 = arith.constant 0 : i32
    %dma_wait3A_394 = tpu.memref_slice %arg13[%dma_wait3A_391, %dma_wait3A_392, %dma_wait3A_393] : memref<2x1x128xi32, #tpu.memory_space<vmem>> -> memref<1x1x128xi32, #tpu.memory_space<vmem>>
    %dma_wait3A_395 = tpu.memref_squeeze %dma_wait3A_394 : memref<1x1x128xi32, #tpu.memory_space<vmem>> -> memref<128xi32, #tpu.memory_space<vmem>>
    %dma_wait3A_396 = arith.constant 0 : i32
    %dma_wait3A_397 = arith.constant 0 : i32
    %dma_wait3A_398 = tpu.memref_slice %arg8[%dma_wait3A_396, %dma_wait3A_397] : memref<10240x128xf32, #tpu.memory_space<vmem_shared>> -> memref<10240x128xf32, #tpu.memory_space<vmem_shared>>
    tpu.wait_indirect_dma semaphore(%arg27 : memref<!tpu.dma_semaphore, #tpu.memory_space<semaphore_mem>>) src(%arg16 : memref<128x128xf32, #tpu.memory_space<vmem>>) dst(%dma_wait3A_398 : memref<10240x128xf32, #tpu.memory_space<vmem_shared>>)
    %dma_wait3A_399 = arith.constant 0 : i32
    %dma_wait3A_400 = arith.constant 0 : i32
    %dma_wait3A_401 = arith.constant 0 : i32
    %dma_wait3A_402 = tpu.memref_slice %arg13[%dma_wait3A_399, %dma_wait3A_400, %dma_wait3A_401] : memref<2x1x128xi32, #tpu.memory_space<vmem>> -> memref<1x1x128xi32, #tpu.memory_space<vmem>>
    %dma_wait3A_403 = tpu.memref_squeeze %dma_wait3A_402 : memref<1x1x128xi32, #tpu.memory_space<vmem>> -> memref<128xi32, #tpu.memory_space<vmem>>
    %dma_wait3A_404 = arith.constant 0 : i32
    %dma_wait3A_405 = tpu.memref_slice %arg9[%dma_wait3A_404] : memref<10240xf32, #tpu.memory_space<vmem_shared>> -> memref<10240xf32, #tpu.memory_space<vmem_shared>>
    tpu.wait_indirect_dma semaphore(%arg29 : memref<!tpu.dma_semaphore, #tpu.memory_space<semaphore_mem>>) src(%arg18 : memref<128xf32, #tpu.memory_space<vmem>>) dst(%dma_wait3A_405 : memref<10240xf32, #tpu.memory_space<vmem_shared>>)
    %add3A_406 = arith.constant 77 : i32
    %add3A_407 = arith.addi %mul3A_101, %add3A_406 : i32
    %dma_start3A_408 = arith.constant 0 : i32
    %dma_start3A_409 = arith.constant 0 : i32
    %dma_start3A_410 = arith.constant 0 : i32
    %dma_start3A_411 = tpu.memref_slice %arg2[%dma_start3A_408, %add3A_407, %dma_start3A_409, %dma_start3A_410] : memref<2x2528x1x128xi32, #tpu.memory_space<hbm>> -> memref<2x1x1x128xi32, #tpu.memory_space<hbm>>
    %dma_start3A_412 = tpu.memref_squeeze %dma_start3A_411 : memref<2x1x1x128xi32, #tpu.memory_space<hbm>> -> memref<2x1x128xi32, #tpu.memory_space<hbm>>
    %dma_start3A_413 = arith.constant 0 : i32
    %dma_start3A_414 = arith.constant 0 : i32
    %dma_start3A_415 = arith.constant 0 : i32
    %dma_start3A_416 = tpu.memref_slice %arg2[%dma_start3A_413, %add3A_407, %dma_start3A_414, %dma_start3A_415] : memref<2x2528x1x128xi32, #tpu.memory_space<hbm>> -> memref<2x1x1x128xi32, #tpu.memory_space<hbm>>
    %dma_start3A_417 = tpu.memref_squeeze %dma_start3A_416 : memref<2x1x1x128xi32, #tpu.memory_space<hbm>> -> memref<2x1x128xi32, #tpu.memory_space<hbm>>
    tpu.enqueue_dma source(%dma_start3A_417 : memref<2x1x128xi32, #tpu.memory_space<hbm>>) target(%arg15 : memref<2x1x128xi32, #tpu.memory_space<vmem>>) target_semaphore(%arg22 : memref<!tpu.dma_semaphore, #tpu.memory_space<semaphore_mem>>)
    %dma_wait3A_418 = arith.constant 0 : i32
    %dma_wait3A_419 = arith.constant 0 : i32
    %dma_wait3A_420 = arith.constant 0 : i32
    %dma_wait3A_421 = arith.constant 0 : i32
    %dma_wait3A_422 = tpu.memref_slice %arg2[%dma_wait3A_419, %dma_wait3A_418, %dma_wait3A_420, %dma_wait3A_421] : memref<2x2528x1x128xi32, #tpu.memory_space<hbm>> -> memref<2x1x1x128xi32, #tpu.memory_space<hbm>>
    %dma_wait3A_423 = tpu.memref_squeeze %dma_wait3A_422 : memref<2x1x1x128xi32, #tpu.memory_space<hbm>> -> memref<2x1x128xi32, #tpu.memory_space<hbm>>
    %dma_wait3A_424 = arith.constant 0 : i32
    %dma_wait3A_425 = arith.constant 0 : i32
    %dma_wait3A_426 = arith.constant 0 : i32
    %dma_wait3A_427 = tpu.memref_slice %arg2[%dma_wait3A_424, %dma_wait3A_418, %dma_wait3A_425, %dma_wait3A_426] : memref<2x2528x1x128xi32, #tpu.memory_space<hbm>> -> memref<2x1x1x128xi32, #tpu.memory_space<hbm>>
    %dma_wait3A_428 = tpu.memref_squeeze %dma_wait3A_427 : memref<2x1x1x128xi32, #tpu.memory_space<hbm>> -> memref<2x1x128xi32, #tpu.memory_space<hbm>>
    tpu.wait_dma2 semaphore(%arg21 : memref<!tpu.dma_semaphore, #tpu.memory_space<semaphore_mem>>) src(%dma_wait3A_428 : memref<2x1x128xi32, #tpu.memory_space<hbm>>) dst(%arg14 : memref<2x1x128xi32, #tpu.memory_space<vmem>>)
    %dma_start3A_429 = arith.constant 0 : i32
    %dma_start3A_430 = arith.constant 0 : i32
    %dma_start3A_431 = arith.constant 0 : i32
    %dma_start3A_432 = tpu.memref_slice %arg14[%dma_start3A_429, %dma_start3A_430, %dma_start3A_431] : memref<2x1x128xi32, #tpu.memory_space<vmem>> -> memref<1x1x128xi32, #tpu.memory_space<vmem>>
    %dma_start3A_433 = tpu.memref_squeeze %dma_start3A_432 : memref<1x1x128xi32, #tpu.memory_space<vmem>> -> memref<128xi32, #tpu.memory_space<vmem>>
    %dma_start3A_434 = arith.constant 0 : i32
    %dma_start3A_435 = arith.constant 0 : i32
    %dma_start3A_436 = tpu.memref_slice %arg3[%dma_start3A_434, %dma_start3A_435] : memref<10240x128xf32, #tpu.memory_space<hbm>> -> memref<10240x128xf32, #tpu.memory_space<hbm>>
    tpu.enqueue_indirect_dma source(%dma_start3A_436 : memref<10240x128xf32, #tpu.memory_space<hbm>>) target(%arg16 : memref<128x128xf32, #tpu.memory_space<vmem>>) offsets(%dma_start3A_433 : memref<128xi32, #tpu.memory_space<vmem>>) semaphore(%arg23 : memref<!tpu.dma_semaphore, #tpu.memory_space<semaphore_mem>>)
    %dma_start3A_437 = arith.constant 1 : i32
    %dma_start3A_438 = arith.constant 0 : i32
    %dma_start3A_439 = arith.constant 0 : i32
    %dma_start3A_440 = tpu.memref_slice %arg14[%dma_start3A_437, %dma_start3A_438, %dma_start3A_439] : memref<2x1x128xi32, #tpu.memory_space<vmem>> -> memref<1x1x128xi32, #tpu.memory_space<vmem>>
    %dma_start3A_441 = tpu.memref_squeeze %dma_start3A_440 : memref<1x1x128xi32, #tpu.memory_space<vmem>> -> memref<128xi32, #tpu.memory_space<vmem>>
    %dma_start3A_442 = arith.constant 0 : i32
    %dma_start3A_443 = tpu.memref_slice %arg10[%dma_start3A_442] : memref<10240xf32, #tpu.memory_space<vmem_shared>> -> memref<10240xf32, #tpu.memory_space<vmem_shared>>
    tpu.enqueue_indirect_dma source(%dma_start3A_443 : memref<10240xf32, #tpu.memory_space<vmem_shared>>) target(%arg18 : memref<128xf32, #tpu.memory_space<vmem>>) offsets(%dma_start3A_441 : memref<128xi32, #tpu.memory_space<vmem>>) semaphore(%arg25 : memref<!tpu.dma_semaphore, #tpu.memory_space<semaphore_mem>>)
    %dma_wait3A_444 = arith.constant 0 : i32
    %dma_wait3A_445 = arith.constant 0 : i32
    %dma_wait3A_446 = arith.constant 0 : i32
    %dma_wait3A_447 = tpu.memref_slice %arg13[%dma_wait3A_444, %dma_wait3A_445, %dma_wait3A_446] : memref<2x1x128xi32, #tpu.memory_space<vmem>> -> memref<1x1x128xi32, #tpu.memory_space<vmem>>
    %dma_wait3A_448 = tpu.memref_squeeze %dma_wait3A_447 : memref<1x1x128xi32, #tpu.memory_space<vmem>> -> memref<128xi32, #tpu.memory_space<vmem>>
    %dma_wait3A_449 = arith.constant 0 : i32
    %dma_wait3A_450 = arith.constant 0 : i32
    %dma_wait3A_451 = tpu.memref_slice %arg3[%dma_wait3A_449, %dma_wait3A_450] : memref<10240x128xf32, #tpu.memory_space<hbm>> -> memref<10240x128xf32, #tpu.memory_space<hbm>>
    tpu.wait_indirect_dma semaphore(%arg24 : memref<!tpu.dma_semaphore, #tpu.memory_space<semaphore_mem>>) src(%dma_wait3A_451 : memref<10240x128xf32, #tpu.memory_space<hbm>>) dst(%arg17 : memref<128x128xf32, #tpu.memory_space<vmem>>)
    %dma_wait3A_452 = arith.constant 1 : i32
    %dma_wait3A_453 = arith.constant 0 : i32
    %dma_wait3A_454 = arith.constant 0 : i32
    %dma_wait3A_455 = tpu.memref_slice %arg13[%dma_wait3A_452, %dma_wait3A_453, %dma_wait3A_454] : memref<2x1x128xi32, #tpu.memory_space<vmem>> -> memref<1x1x128xi32, #tpu.memory_space<vmem>>
    %dma_wait3A_456 = tpu.memref_squeeze %dma_wait3A_455 : memref<1x1x128xi32, #tpu.memory_space<vmem>> -> memref<128xi32, #tpu.memory_space<vmem>>
    %dma_wait3A_457 = arith.constant 0 : i32
    %dma_wait3A_458 = tpu.memref_slice %arg10[%dma_wait3A_457] : memref<10240xf32, #tpu.memory_space<vmem_shared>> -> memref<10240xf32, #tpu.memory_space<vmem_shared>>
    tpu.wait_indirect_dma semaphore(%arg26 : memref<!tpu.dma_semaphore, #tpu.memory_space<semaphore_mem>>) src(%dma_wait3A_458 : memref<10240xf32, #tpu.memory_space<vmem_shared>>) dst(%arg19 : memref<128xf32, #tpu.memory_space<vmem>>)
    %dma_start3A_459 = arith.constant 1 : i32
    %dma_start3A_460 = arith.constant 0 : i32
    %dma_start3A_461 = arith.constant 0 : i32
    %dma_start3A_462 = tpu.memref_slice %arg13[%dma_start3A_459, %dma_start3A_460, %dma_start3A_461] : memref<2x1x128xi32, #tpu.memory_space<vmem>> -> memref<1x1x128xi32, #tpu.memory_space<vmem>>
    %dma_start3A_463 = tpu.memref_squeeze %dma_start3A_462 : memref<1x1x128xi32, #tpu.memory_space<vmem>> -> memref<128xi32, #tpu.memory_space<vmem>>
    %dma_start3A_464 = arith.constant 0 : i32
    %dma_start3A_465 = arith.constant 0 : i32
    %dma_start3A_466 = tpu.memref_slice %arg8[%dma_start3A_464, %dma_start3A_465] : memref<10240x128xf32, #tpu.memory_space<vmem_shared>> -> memref<10240x128xf32, #tpu.memory_space<vmem_shared>>
    tpu.enqueue_indirect_dma source(%arg17 : memref<128x128xf32, #tpu.memory_space<vmem>>) target(%dma_start3A_466 : memref<10240x128xf32, #tpu.memory_space<vmem_shared>>) offsets(%dma_start3A_463 : memref<128xi32, #tpu.memory_space<vmem>>) semaphore(%arg28 : memref<!tpu.dma_semaphore, #tpu.memory_space<semaphore_mem>>) {add = true}
    %dma_start3A_467 = arith.constant 0 : i32
    %dma_start3A_468 = arith.constant 0 : i32
    %dma_start3A_469 = arith.constant 0 : i32
    %dma_start3A_470 = tpu.memref_slice %arg13[%dma_start3A_467, %dma_start3A_468, %dma_start3A_469] : memref<2x1x128xi32, #tpu.memory_space<vmem>> -> memref<1x1x128xi32, #tpu.memory_space<vmem>>
    %dma_start3A_471 = tpu.memref_squeeze %dma_start3A_470 : memref<1x1x128xi32, #tpu.memory_space<vmem>> -> memref<128xi32, #tpu.memory_space<vmem>>
    %dma_start3A_472 = arith.constant 0 : i32
    %dma_start3A_473 = tpu.memref_slice %arg9[%dma_start3A_472] : memref<10240xf32, #tpu.memory_space<vmem_shared>> -> memref<10240xf32, #tpu.memory_space<vmem_shared>>
    tpu.enqueue_indirect_dma source(%arg19 : memref<128xf32, #tpu.memory_space<vmem>>) target(%dma_start3A_473 : memref<10240xf32, #tpu.memory_space<vmem_shared>>) offsets(%dma_start3A_471 : memref<128xi32, #tpu.memory_space<vmem>>) semaphore(%arg30 : memref<!tpu.dma_semaphore, #tpu.memory_space<semaphore_mem>>) {add = true}
    %dma_wait3A_474 = arith.constant 1 : i32
    %dma_wait3A_475 = arith.constant 0 : i32
    %dma_wait3A_476 = arith.constant 0 : i32
    %dma_wait3A_477 = tpu.memref_slice %arg13[%dma_wait3A_474, %dma_wait3A_475, %dma_wait3A_476] : memref<2x1x128xi32, #tpu.memory_space<vmem>> -> memref<1x1x128xi32, #tpu.memory_space<vmem>>
    %dma_wait3A_478 = tpu.memref_squeeze %dma_wait3A_477 : memref<1x1x128xi32, #tpu.memory_space<vmem>> -> memref<128xi32, #tpu.memory_space<vmem>>
    %dma_wait3A_479 = arith.constant 0 : i32
    %dma_wait3A_480 = arith.constant 0 : i32
    %dma_wait3A_481 = tpu.memref_slice %arg8[%dma_wait3A_479, %dma_wait3A_480] : memref<10240x128xf32, #tpu.memory_space<vmem_shared>> -> memref<10240x128xf32, #tpu.memory_space<vmem_shared>>
    tpu.wait_indirect_dma semaphore(%arg28 : memref<!tpu.dma_semaphore, #tpu.memory_space<semaphore_mem>>) src(%arg17 : memref<128x128xf32, #tpu.memory_space<vmem>>) dst(%dma_wait3A_481 : memref<10240x128xf32, #tpu.memory_space<vmem_shared>>)
    %dma_wait3A_482 = arith.constant 0 : i32
    %dma_wait3A_483 = arith.constant 0 : i32
    %dma_wait3A_484 = arith.constant 0 : i32
    %dma_wait3A_485 = tpu.memref_slice %arg13[%dma_wait3A_482, %dma_wait3A_483, %dma_wait3A_484] : memref<2x1x128xi32, #tpu.memory_space<vmem>> -> memref<1x1x128xi32, #tpu.memory_space<vmem>>
    %dma_wait3A_486 = tpu.memref_squeeze %dma_wait3A_485 : memref<1x1x128xi32, #tpu.memory_space<vmem>> -> memref<128xi32, #tpu.memory_space<vmem>>
    %dma_wait3A_487 = arith.constant 0 : i32
    %dma_wait3A_488 = tpu.memref_slice %arg9[%dma_wait3A_487] : memref<10240xf32, #tpu.memory_space<vmem_shared>> -> memref<10240xf32, #tpu.memory_space<vmem_shared>>
    tpu.wait_indirect_dma semaphore(%arg30 : memref<!tpu.dma_semaphore, #tpu.memory_space<semaphore_mem>>) src(%arg19 : memref<128xf32, #tpu.memory_space<vmem>>) dst(%dma_wait3A_488 : memref<10240xf32, #tpu.memory_space<vmem_shared>>)
    %add3A_489 = arith.constant 78 : i32
    %add3A_490 = arith.addi %mul3A_101, %add3A_489 : i32
    %dma_start3A_491 = arith.constant 0 : i32
    %dma_start3A_492 = arith.constant 0 : i32
    %dma_start3A_493 = arith.constant 0 : i32
    %dma_start3A_494 = tpu.memref_slice %arg2[%dma_start3A_491, %add3A_490, %dma_start3A_492, %dma_start3A_493] : memref<2x2528x1x128xi32, #tpu.memory_space<hbm>> -> memref<2x1x1x128xi32, #tpu.memory_space<hbm>>
    %dma_start3A_495 = tpu.memref_squeeze %dma_start3A_494 : memref<2x1x1x128xi32, #tpu.memory_space<hbm>> -> memref<2x1x128xi32, #tpu.memory_space<hbm>>
    %dma_start3A_496 = arith.constant 0 : i32
    %dma_start3A_497 = arith.constant 0 : i32
    %dma_start3A_498 = arith.constant 0 : i32
    %dma_start3A_499 = tpu.memref_slice %arg2[%dma_start3A_496, %add3A_490, %dma_start3A_497, %dma_start3A_498] : memref<2x2528x1x128xi32, #tpu.memory_space<hbm>> -> memref<2x1x1x128xi32, #tpu.memory_space<hbm>>
    %dma_start3A_500 = tpu.memref_squeeze %dma_start3A_499 : memref<2x1x1x128xi32, #tpu.memory_space<hbm>> -> memref<2x1x128xi32, #tpu.memory_space<hbm>>
    tpu.enqueue_dma source(%dma_start3A_500 : memref<2x1x128xi32, #tpu.memory_space<hbm>>) target(%arg13 : memref<2x1x128xi32, #tpu.memory_space<vmem>>) target_semaphore(%arg20 : memref<!tpu.dma_semaphore, #tpu.memory_space<semaphore_mem>>)
    %dma_wait3A_501 = arith.constant 0 : i32
    %dma_wait3A_502 = arith.constant 0 : i32
    %dma_wait3A_503 = arith.constant 0 : i32
    %dma_wait3A_504 = arith.constant 0 : i32
    %dma_wait3A_505 = tpu.memref_slice %arg2[%dma_wait3A_502, %dma_wait3A_501, %dma_wait3A_503, %dma_wait3A_504] : memref<2x2528x1x128xi32, #tpu.memory_space<hbm>> -> memref<2x1x1x128xi32, #tpu.memory_space<hbm>>
    %dma_wait3A_506 = tpu.memref_squeeze %dma_wait3A_505 : memref<2x1x1x128xi32, #tpu.memory_space<hbm>> -> memref<2x1x128xi32, #tpu.memory_space<hbm>>
    %dma_wait3A_507 = arith.constant 0 : i32
    %dma_wait3A_508 = arith.constant 0 : i32
    %dma_wait3A_509 = arith.constant 0 : i32
    %dma_wait3A_510 = tpu.memref_slice %arg2[%dma_wait3A_507, %dma_wait3A_501, %dma_wait3A_508, %dma_wait3A_509] : memref<2x2528x1x128xi32, #tpu.memory_space<hbm>> -> memref<2x1x1x128xi32, #tpu.memory_space<hbm>>
    %dma_wait3A_511 = tpu.memref_squeeze %dma_wait3A_510 : memref<2x1x1x128xi32, #tpu.memory_space<hbm>> -> memref<2x1x128xi32, #tpu.memory_space<hbm>>
    tpu.wait_dma2 semaphore(%arg22 : memref<!tpu.dma_semaphore, #tpu.memory_space<semaphore_mem>>) src(%dma_wait3A_511 : memref<2x1x128xi32, #tpu.memory_space<hbm>>) dst(%arg15 : memref<2x1x128xi32, #tpu.memory_space<vmem>>)
    %dma_start3A_512 = arith.constant 0 : i32
    %dma_start3A_513 = arith.constant 0 : i32
    %dma_start3A_514 = arith.constant 0 : i32
    %dma_start3A_515 = tpu.memref_slice %arg15[%dma_start3A_512, %dma_start3A_513, %dma_start3A_514] : memref<2x1x128xi32, #tpu.memory_space<vmem>> -> memref<1x1x128xi32, #tpu.memory_space<vmem>>
    %dma_start3A_516 = tpu.memref_squeeze %dma_start3A_515 : memref<1x1x128xi32, #tpu.memory_space<vmem>> -> memref<128xi32, #tpu.memory_space<vmem>>
    %dma_start3A_517 = arith.constant 0 : i32
    %dma_start3A_518 = arith.constant 0 : i32
    %dma_start3A_519 = tpu.memref_slice %arg3[%dma_start3A_517, %dma_start3A_518] : memref<10240x128xf32, #tpu.memory_space<hbm>> -> memref<10240x128xf32, #tpu.memory_space<hbm>>
    tpu.enqueue_indirect_dma source(%dma_start3A_519 : memref<10240x128xf32, #tpu.memory_space<hbm>>) target(%arg17 : memref<128x128xf32, #tpu.memory_space<vmem>>) offsets(%dma_start3A_516 : memref<128xi32, #tpu.memory_space<vmem>>) semaphore(%arg24 : memref<!tpu.dma_semaphore, #tpu.memory_space<semaphore_mem>>)
    %dma_start3A_520 = arith.constant 1 : i32
    %dma_start3A_521 = arith.constant 0 : i32
    %dma_start3A_522 = arith.constant 0 : i32
    %dma_start3A_523 = tpu.memref_slice %arg15[%dma_start3A_520, %dma_start3A_521, %dma_start3A_522] : memref<2x1x128xi32, #tpu.memory_space<vmem>> -> memref<1x1x128xi32, #tpu.memory_space<vmem>>
    %dma_start3A_524 = tpu.memref_squeeze %dma_start3A_523 : memref<1x1x128xi32, #tpu.memory_space<vmem>> -> memref<128xi32, #tpu.memory_space<vmem>>
    %dma_start3A_525 = arith.constant 0 : i32
    %dma_start3A_526 = tpu.memref_slice %arg10[%dma_start3A_525] : memref<10240xf32, #tpu.memory_space<vmem_shared>> -> memref<10240xf32, #tpu.memory_space<vmem_shared>>
    tpu.enqueue_indirect_dma source(%dma_start3A_526 : memref<10240xf32, #tpu.memory_space<vmem_shared>>) target(%arg19 : memref<128xf32, #tpu.memory_space<vmem>>) offsets(%dma_start3A_524 : memref<128xi32, #tpu.memory_space<vmem>>) semaphore(%arg26 : memref<!tpu.dma_semaphore, #tpu.memory_space<semaphore_mem>>)
    %dma_wait3A_527 = arith.constant 0 : i32
    %dma_wait3A_528 = arith.constant 0 : i32
    %dma_wait3A_529 = arith.constant 0 : i32
    %dma_wait3A_530 = tpu.memref_slice %arg14[%dma_wait3A_527, %dma_wait3A_528, %dma_wait3A_529] : memref<2x1x128xi32, #tpu.memory_space<vmem>> -> memref<1x1x128xi32, #tpu.memory_space<vmem>>
    %dma_wait3A_531 = tpu.memref_squeeze %dma_wait3A_530 : memref<1x1x128xi32, #tpu.memory_space<vmem>> -> memref<128xi32, #tpu.memory_space<vmem>>
    %dma_wait3A_532 = arith.constant 0 : i32
    %dma_wait3A_533 = arith.constant 0 : i32
    %dma_wait3A_534 = tpu.memref_slice %arg3[%dma_wait3A_532, %dma_wait3A_533] : memref<10240x128xf32, #tpu.memory_space<hbm>> -> memref<10240x128xf32, #tpu.memory_space<hbm>>
    tpu.wait_indirect_dma semaphore(%arg23 : memref<!tpu.dma_semaphore, #tpu.memory_space<semaphore_mem>>) src(%dma_wait3A_534 : memref<10240x128xf32, #tpu.memory_space<hbm>>) dst(%arg16 : memref<128x128xf32, #tpu.memory_space<vmem>>)
    %dma_wait3A_535 = arith.constant 1 : i32
    %dma_wait3A_536 = arith.constant 0 : i32
    %dma_wait3A_537 = arith.constant 0 : i32
    %dma_wait3A_538 = tpu.memref_slice %arg14[%dma_wait3A_535, %dma_wait3A_536, %dma_wait3A_537] : memref<2x1x128xi32, #tpu.memory_space<vmem>> -> memref<1x1x128xi32, #tpu.memory_space<vmem>>
    %dma_wait3A_539 = tpu.memref_squeeze %dma_wait3A_538 : memref<1x1x128xi32, #tpu.memory_space<vmem>> -> memref<128xi32, #tpu.memory_space<vmem>>
    %dma_wait3A_540 = arith.constant 0 : i32
    %dma_wait3A_541 = tpu.memref_slice %arg10[%dma_wait3A_540] : memref<10240xf32, #tpu.memory_space<vmem_shared>> -> memref<10240xf32, #tpu.memory_space<vmem_shared>>
    tpu.wait_indirect_dma semaphore(%arg25 : memref<!tpu.dma_semaphore, #tpu.memory_space<semaphore_mem>>) src(%dma_wait3A_541 : memref<10240xf32, #tpu.memory_space<vmem_shared>>) dst(%arg18 : memref<128xf32, #tpu.memory_space<vmem>>)
    %dma_start3A_542 = arith.constant 1 : i32
    %dma_start3A_543 = arith.constant 0 : i32
    %dma_start3A_544 = arith.constant 0 : i32
    %dma_start3A_545 = tpu.memref_slice %arg14[%dma_start3A_542, %dma_start3A_543, %dma_start3A_544] : memref<2x1x128xi32, #tpu.memory_space<vmem>> -> memref<1x1x128xi32, #tpu.memory_space<vmem>>
    %dma_start3A_546 = tpu.memref_squeeze %dma_start3A_545 : memref<1x1x128xi32, #tpu.memory_space<vmem>> -> memref<128xi32, #tpu.memory_space<vmem>>
    %dma_start3A_547 = arith.constant 0 : i32
    %dma_start3A_548 = arith.constant 0 : i32
    %dma_start3A_549 = tpu.memref_slice %arg8[%dma_start3A_547, %dma_start3A_548] : memref<10240x128xf32, #tpu.memory_space<vmem_shared>> -> memref<10240x128xf32, #tpu.memory_space<vmem_shared>>
    tpu.enqueue_indirect_dma source(%arg16 : memref<128x128xf32, #tpu.memory_space<vmem>>) target(%dma_start3A_549 : memref<10240x128xf32, #tpu.memory_space<vmem_shared>>) offsets(%dma_start3A_546 : memref<128xi32, #tpu.memory_space<vmem>>) semaphore(%arg27 : memref<!tpu.dma_semaphore, #tpu.memory_space<semaphore_mem>>) {add = true}
    %dma_start3A_550 = arith.constant 0 : i32
    %dma_start3A_551 = arith.constant 0 : i32
    %dma_start3A_552 = arith.constant 0 : i32
    %dma_start3A_553 = tpu.memref_slice %arg14[%dma_start3A_550, %dma_start3A_551, %dma_start3A_552] : memref<2x1x128xi32, #tpu.memory_space<vmem>> -> memref<1x1x128xi32, #tpu.memory_space<vmem>>
    %dma_start3A_554 = tpu.memref_squeeze %dma_start3A_553 : memref<1x1x128xi32, #tpu.memory_space<vmem>> -> memref<128xi32, #tpu.memory_space<vmem>>
    %dma_start3A_555 = arith.constant 0 : i32
    %dma_start3A_556 = tpu.memref_slice %arg9[%dma_start3A_555] : memref<10240xf32, #tpu.memory_space<vmem_shared>> -> memref<10240xf32, #tpu.memory_space<vmem_shared>>
    tpu.enqueue_indirect_dma source(%arg18 : memref<128xf32, #tpu.memory_space<vmem>>) target(%dma_start3A_556 : memref<10240xf32, #tpu.memory_space<vmem_shared>>) offsets(%dma_start3A_554 : memref<128xi32, #tpu.memory_space<vmem>>) semaphore(%arg29 : memref<!tpu.dma_semaphore, #tpu.memory_space<semaphore_mem>>) {add = true}
    %dma_wait3A_557 = arith.constant 1 : i32
    %dma_wait3A_558 = arith.constant 0 : i32
    %dma_wait3A_559 = arith.constant 0 : i32
    %dma_wait3A_560 = tpu.memref_slice %arg13[%dma_wait3A_557, %dma_wait3A_558, %dma_wait3A_559] : memref<2x1x128xi32, #tpu.memory_space<vmem>> -> memref<1x1x128xi32, #tpu.memory_space<vmem>>
    %dma_wait3A_561 = tpu.memref_squeeze %dma_wait3A_560 : memref<1x1x128xi32, #tpu.memory_space<vmem>> -> memref<128xi32, #tpu.memory_space<vmem>>
    %dma_wait3A_562 = arith.constant 0 : i32
    %dma_wait3A_563 = arith.constant 0 : i32
    %dma_wait3A_564 = tpu.memref_slice %arg8[%dma_wait3A_562, %dma_wait3A_563] : memref<10240x128xf32, #tpu.memory_space<vmem_shared>> -> memref<10240x128xf32, #tpu.memory_space<vmem_shared>>
    tpu.wait_indirect_dma semaphore(%arg27 : memref<!tpu.dma_semaphore, #tpu.memory_space<semaphore_mem>>) src(%arg16 : memref<128x128xf32, #tpu.memory_space<vmem>>) dst(%dma_wait3A_564 : memref<10240x128xf32, #tpu.memory_space<vmem_shared>>)
    %dma_wait3A_565 = arith.constant 0 : i32
    %dma_wait3A_566 = arith.constant 0 : i32
    %dma_wait3A_567 = arith.constant 0 : i32
    %dma_wait3A_568 = tpu.memref_slice %arg13[%dma_wait3A_565, %dma_wait3A_566, %dma_wait3A_567] : memref<2x1x128xi32, #tpu.memory_space<vmem>> -> memref<1x1x128xi32, #tpu.memory_space<vmem>>
    %dma_wait3A_569 = tpu.memref_squeeze %dma_wait3A_568 : memref<1x1x128xi32, #tpu.memory_space<vmem>> -> memref<128xi32, #tpu.memory_space<vmem>>
    %dma_wait3A_570 = arith.constant 0 : i32
    %dma_wait3A_571 = tpu.memref_slice %arg9[%dma_wait3A_570] : memref<10240xf32, #tpu.memory_space<vmem_shared>> -> memref<10240xf32, #tpu.memory_space<vmem_shared>>
    tpu.wait_indirect_dma semaphore(%arg29 : memref<!tpu.dma_semaphore, #tpu.memory_space<semaphore_mem>>) src(%arg18 : memref<128xf32, #tpu.memory_space<vmem>>) dst(%dma_wait3A_571 : memref<10240xf32, #tpu.memory_space<vmem_shared>>)
    %dma_wait3A_572 = arith.constant 0 : i32
    %dma_wait3A_573 = arith.constant 0 : i32
    %dma_wait3A_574 = arith.constant 0 : i32
    %dma_wait3A_575 = arith.constant 0 : i32
    %dma_wait3A_576 = tpu.memref_slice %arg2[%dma_wait3A_573, %dma_wait3A_572, %dma_wait3A_574, %dma_wait3A_575] : memref<2x2528x1x128xi32, #tpu.memory_space<hbm>> -> memref<2x1x1x128xi32, #tpu.memory_space<hbm>>
    %dma_wait3A_577 = tpu.memref_squeeze %dma_wait3A_576 : memref<2x1x1x128xi32, #tpu.memory_space<hbm>> -> memref<2x1x128xi32, #tpu.memory_space<hbm>>
    %dma_wait3A_578 = arith.constant 0 : i32
    %dma_wait3A_579 = arith.constant 0 : i32
    %dma_wait3A_580 = arith.constant 0 : i32
    %dma_wait3A_581 = tpu.memref_slice %arg2[%dma_wait3A_578, %dma_wait3A_572, %dma_wait3A_579, %dma_wait3A_580] : memref<2x2528x1x128xi32, #tpu.memory_space<hbm>> -> memref<2x1x1x128xi32, #tpu.memory_space<hbm>>
    %dma_wait3A_582 = tpu.memref_squeeze %dma_wait3A_581 : memref<2x1x1x128xi32, #tpu.memory_space<hbm>> -> memref<2x1x128xi32, #tpu.memory_space<hbm>>
    tpu.wait_dma2 semaphore(%arg20 : memref<!tpu.dma_semaphore, #tpu.memory_space<semaphore_mem>>) src(%dma_wait3A_582 : memref<2x1x128xi32, #tpu.memory_space<hbm>>) dst(%arg13 : memref<2x1x128xi32, #tpu.memory_space<vmem>>)
    %dma_start3A_583 = arith.constant 0 : i32
    %dma_start3A_584 = arith.constant 0 : i32
    %dma_start3A_585 = arith.constant 0 : i32
    %dma_start3A_586 = tpu.memref_slice %arg13[%dma_start3A_583, %dma_start3A_584, %dma_start3A_585] : memref<2x1x128xi32, #tpu.memory_space<vmem>> -> memref<1x1x128xi32, #tpu.memory_space<vmem>>
    %dma_start3A_587 = tpu.memref_squeeze %dma_start3A_586 : memref<1x1x128xi32, #tpu.memory_space<vmem>> -> memref<128xi32, #tpu.memory_space<vmem>>
    %dma_start3A_588 = arith.constant 0 : i32
    %dma_start3A_589 = arith.constant 0 : i32
    %dma_start3A_590 = tpu.memref_slice %arg3[%dma_start3A_588, %dma_start3A_589] : memref<10240x128xf32, #tpu.memory_space<hbm>> -> memref<10240x128xf32, #tpu.memory_space<hbm>>
    tpu.enqueue_indirect_dma source(%dma_start3A_590 : memref<10240x128xf32, #tpu.memory_space<hbm>>) target(%arg16 : memref<128x128xf32, #tpu.memory_space<vmem>>) offsets(%dma_start3A_587 : memref<128xi32, #tpu.memory_space<vmem>>) semaphore(%arg23 : memref<!tpu.dma_semaphore, #tpu.memory_space<semaphore_mem>>)
    %dma_start3A_591 = arith.constant 1 : i32
    %dma_start3A_592 = arith.constant 0 : i32
    %dma_start3A_593 = arith.constant 0 : i32
    %dma_start3A_594 = tpu.memref_slice %arg13[%dma_start3A_591, %dma_start3A_592, %dma_start3A_593] : memref<2x1x128xi32, #tpu.memory_space<vmem>> -> memref<1x1x128xi32, #tpu.memory_space<vmem>>
    %dma_start3A_595 = tpu.memref_squeeze %dma_start3A_594 : memref<1x1x128xi32, #tpu.memory_space<vmem>> -> memref<128xi32, #tpu.memory_space<vmem>>
    %dma_start3A_596 = arith.constant 0 : i32
    %dma_start3A_597 = tpu.memref_slice %arg10[%dma_start3A_596] : memref<10240xf32, #tpu.memory_space<vmem_shared>> -> memref<10240xf32, #tpu.memory_space<vmem_shared>>
    tpu.enqueue_indirect_dma source(%dma_start3A_597 : memref<10240xf32, #tpu.memory_space<vmem_shared>>) target(%arg18 : memref<128xf32, #tpu.memory_space<vmem>>) offsets(%dma_start3A_595 : memref<128xi32, #tpu.memory_space<vmem>>) semaphore(%arg25 : memref<!tpu.dma_semaphore, #tpu.memory_space<semaphore_mem>>)
    %dma_wait3A_598 = arith.constant 0 : i32
    %dma_wait3A_599 = arith.constant 0 : i32
    %dma_wait3A_600 = arith.constant 0 : i32
    %dma_wait3A_601 = tpu.memref_slice %arg15[%dma_wait3A_598, %dma_wait3A_599, %dma_wait3A_600] : memref<2x1x128xi32, #tpu.memory_space<vmem>> -> memref<1x1x128xi32, #tpu.memory_space<vmem>>
    %dma_wait3A_602 = tpu.memref_squeeze %dma_wait3A_601 : memref<1x1x128xi32, #tpu.memory_space<vmem>> -> memref<128xi32, #tpu.memory_space<vmem>>
    %dma_wait3A_603 = arith.constant 0 : i32
    %dma_wait3A_604 = arith.constant 0 : i32
    %dma_wait3A_605 = tpu.memref_slice %arg3[%dma_wait3A_603, %dma_wait3A_604] : memref<10240x128xf32, #tpu.memory_space<hbm>> -> memref<10240x128xf32, #tpu.memory_space<hbm>>
    tpu.wait_indirect_dma semaphore(%arg24 : memref<!tpu.dma_semaphore, #tpu.memory_space<semaphore_mem>>) src(%dma_wait3A_605 : memref<10240x128xf32, #tpu.memory_space<hbm>>) dst(%arg17 : memref<128x128xf32, #tpu.memory_space<vmem>>)
    %dma_wait3A_606 = arith.constant 1 : i32
    %dma_wait3A_607 = arith.constant 0 : i32
    %dma_wait3A_608 = arith.constant 0 : i32
    %dma_wait3A_609 = tpu.memref_slice %arg15[%dma_wait3A_606, %dma_wait3A_607, %dma_wait3A_608] : memref<2x1x128xi32, #tpu.memory_space<vmem>> -> memref<1x1x128xi32, #tpu.memory_space<vmem>>
    %dma_wait3A_610 = tpu.memref_squeeze %dma_wait3A_609 : memref<1x1x128xi32, #tpu.memory_space<vmem>> -> memref<128xi32, #tpu.memory_space<vmem>>
    %dma_wait3A_611 = arith.constant 0 : i32
    %dma_wait3A_612 = tpu.memref_slice %arg10[%dma_wait3A_611] : memref<10240xf32, #tpu.memory_space<vmem_shared>> -> memref<10240xf32, #tpu.memory_space<vmem_shared>>
    tpu.wait_indirect_dma semaphore(%arg26 : memref<!tpu.dma_semaphore, #tpu.memory_space<semaphore_mem>>) src(%dma_wait3A_612 : memref<10240xf32, #tpu.memory_space<vmem_shared>>) dst(%arg19 : memref<128xf32, #tpu.memory_space<vmem>>)
    %dma_start3A_613 = arith.constant 1 : i32
    %dma_start3A_614 = arith.constant 0 : i32
    %dma_start3A_615 = arith.constant 0 : i32
    %dma_start3A_616 = tpu.memref_slice %arg15[%dma_start3A_613, %dma_start3A_614, %dma_start3A_615] : memref<2x1x128xi32, #tpu.memory_space<vmem>> -> memref<1x1x128xi32, #tpu.memory_space<vmem>>
    %dma_start3A_617 = tpu.memref_squeeze %dma_start3A_616 : memref<1x1x128xi32, #tpu.memory_space<vmem>> -> memref<128xi32, #tpu.memory_space<vmem>>
    %dma_start3A_618 = arith.constant 0 : i32
    %dma_start3A_619 = arith.constant 0 : i32
    %dma_start3A_620 = tpu.memref_slice %arg8[%dma_start3A_618, %dma_start3A_619] : memref<10240x128xf32, #tpu.memory_space<vmem_shared>> -> memref<10240x128xf32, #tpu.memory_space<vmem_shared>>
    tpu.enqueue_indirect_dma source(%arg17 : memref<128x128xf32, #tpu.memory_space<vmem>>) target(%dma_start3A_620 : memref<10240x128xf32, #tpu.memory_space<vmem_shared>>) offsets(%dma_start3A_617 : memref<128xi32, #tpu.memory_space<vmem>>) semaphore(%arg28 : memref<!tpu.dma_semaphore, #tpu.memory_space<semaphore_mem>>) {add = true}
    %dma_start3A_621 = arith.constant 0 : i32
    %dma_start3A_622 = arith.constant 0 : i32
    %dma_start3A_623 = arith.constant 0 : i32
    %dma_start3A_624 = tpu.memref_slice %arg15[%dma_start3A_621, %dma_start3A_622, %dma_start3A_623] : memref<2x1x128xi32, #tpu.memory_space<vmem>> -> memref<1x1x128xi32, #tpu.memory_space<vmem>>
    %dma_start3A_625 = tpu.memref_squeeze %dma_start3A_624 : memref<1x1x128xi32, #tpu.memory_space<vmem>> -> memref<128xi32, #tpu.memory_space<vmem>>
    %dma_start3A_626 = arith.constant 0 : i32
    %dma_start3A_627 = tpu.memref_slice %arg9[%dma_start3A_626] : memref<10240xf32, #tpu.memory_space<vmem_shared>> -> memref<10240xf32, #tpu.memory_space<vmem_shared>>
    tpu.enqueue_indirect_dma source(%arg19 : memref<128xf32, #tpu.memory_space<vmem>>) target(%dma_start3A_627 : memref<10240xf32, #tpu.memory_space<vmem_shared>>) offsets(%dma_start3A_625 : memref<128xi32, #tpu.memory_space<vmem>>) semaphore(%arg30 : memref<!tpu.dma_semaphore, #tpu.memory_space<semaphore_mem>>) {add = true}
    %dma_wait3A_628 = arith.constant 1 : i32
    %dma_wait3A_629 = arith.constant 0 : i32
    %dma_wait3A_630 = arith.constant 0 : i32
    %dma_wait3A_631 = tpu.memref_slice %arg13[%dma_wait3A_628, %dma_wait3A_629, %dma_wait3A_630] : memref<2x1x128xi32, #tpu.memory_space<vmem>> -> memref<1x1x128xi32, #tpu.memory_space<vmem>>
    %dma_wait3A_632 = tpu.memref_squeeze %dma_wait3A_631 : memref<1x1x128xi32, #tpu.memory_space<vmem>> -> memref<128xi32, #tpu.memory_space<vmem>>
    %dma_wait3A_633 = arith.constant 0 : i32
    %dma_wait3A_634 = arith.constant 0 : i32
    %dma_wait3A_635 = tpu.memref_slice %arg8[%dma_wait3A_633, %dma_wait3A_634] : memref<10240x128xf32, #tpu.memory_space<vmem_shared>> -> memref<10240x128xf32, #tpu.memory_space<vmem_shared>>
    tpu.wait_indirect_dma semaphore(%arg28 : memref<!tpu.dma_semaphore, #tpu.memory_space<semaphore_mem>>) src(%arg17 : memref<128x128xf32, #tpu.memory_space<vmem>>) dst(%dma_wait3A_635 : memref<10240x128xf32, #tpu.memory_space<vmem_shared>>)
    %dma_wait3A_636 = arith.constant 0 : i32
    %dma_wait3A_637 = arith.constant 0 : i32
    %dma_wait3A_638 = arith.constant 0 : i32
    %dma_wait3A_639 = tpu.memref_slice %arg13[%dma_wait3A_636, %dma_wait3A_637, %dma_wait3A_638] : memref<2x1x128xi32, #tpu.memory_space<vmem>> -> memref<1x1x128xi32, #tpu.memory_space<vmem>>
    %dma_wait3A_640 = tpu.memref_squeeze %dma_wait3A_639 : memref<1x1x128xi32, #tpu.memory_space<vmem>> -> memref<128xi32, #tpu.memory_space<vmem>>
    %dma_wait3A_641 = arith.constant 0 : i32
    %dma_wait3A_642 = tpu.memref_slice %arg9[%dma_wait3A_641] : memref<10240xf32, #tpu.memory_space<vmem_shared>> -> memref<10240xf32, #tpu.memory_space<vmem_shared>>
    tpu.wait_indirect_dma semaphore(%arg30 : memref<!tpu.dma_semaphore, #tpu.memory_space<semaphore_mem>>) src(%arg19 : memref<128xf32, #tpu.memory_space<vmem>>) dst(%dma_wait3A_642 : memref<10240xf32, #tpu.memory_space<vmem_shared>>)
    %dma_wait3A_643 = arith.constant 0 : i32
    %dma_wait3A_644 = arith.constant 0 : i32
    %dma_wait3A_645 = arith.constant 0 : i32
    %dma_wait3A_646 = tpu.memref_slice %arg13[%dma_wait3A_643, %dma_wait3A_644, %dma_wait3A_645] : memref<2x1x128xi32, #tpu.memory_space<vmem>> -> memref<1x1x128xi32, #tpu.memory_space<vmem>>
    %dma_wait3A_647 = tpu.memref_squeeze %dma_wait3A_646 : memref<1x1x128xi32, #tpu.memory_space<vmem>> -> memref<128xi32, #tpu.memory_space<vmem>>
    %dma_wait3A_648 = arith.constant 0 : i32
    %dma_wait3A_649 = arith.constant 0 : i32
    %dma_wait3A_650 = tpu.memref_slice %arg3[%dma_wait3A_648, %dma_wait3A_649] : memref<10240x128xf32, #tpu.memory_space<hbm>> -> memref<10240x128xf32, #tpu.memory_space<hbm>>
    tpu.wait_indirect_dma semaphore(%arg23 : memref<!tpu.dma_semaphore, #tpu.memory_space<semaphore_mem>>) src(%dma_wait3A_650 : memref<10240x128xf32, #tpu.memory_space<hbm>>) dst(%arg16 : memref<128x128xf32, #tpu.memory_space<vmem>>)
    %dma_wait3A_651 = arith.constant 1 : i32
    %dma_wait3A_652 = arith.constant 0 : i32
    %dma_wait3A_653 = arith.constant 0 : i32
    %dma_wait3A_654 = tpu.memref_slice %arg13[%dma_wait3A_651, %dma_wait3A_652, %dma_wait3A_653] : memref<2x1x128xi32, #tpu.memory_space<vmem>> -> memref<1x1x128xi32, #tpu.memory_space<vmem>>
    %dma_wait3A_655 = tpu.memref_squeeze %dma_wait3A_654 : memref<1x1x128xi32, #tpu.memory_space<vmem>> -> memref<128xi32, #tpu.memory_space<vmem>>
    %dma_wait3A_656 = arith.constant 0 : i32
    %dma_wait3A_657 = tpu.memref_slice %arg10[%dma_wait3A_656] : memref<10240xf32, #tpu.memory_space<vmem_shared>> -> memref<10240xf32, #tpu.memory_space<vmem_shared>>
    tpu.wait_indirect_dma semaphore(%arg25 : memref<!tpu.dma_semaphore, #tpu.memory_space<semaphore_mem>>) src(%dma_wait3A_657 : memref<10240xf32, #tpu.memory_space<vmem_shared>>) dst(%arg18 : memref<128xf32, #tpu.memory_space<vmem>>)
    %dma_start3A_658 = arith.constant 1 : i32
    %dma_start3A_659 = arith.constant 0 : i32
    %dma_start3A_660 = arith.constant 0 : i32
    %dma_start3A_661 = tpu.memref_slice %arg13[%dma_start3A_658, %dma_start3A_659, %dma_start3A_660] : memref<2x1x128xi32, #tpu.memory_space<vmem>> -> memref<1x1x128xi32, #tpu.memory_space<vmem>>
    %dma_start3A_662 = tpu.memref_squeeze %dma_start3A_661 : memref<1x1x128xi32, #tpu.memory_space<vmem>> -> memref<128xi32, #tpu.memory_space<vmem>>
    %dma_start3A_663 = arith.constant 0 : i32
    %dma_start3A_664 = arith.constant 0 : i32
    %dma_start3A_665 = tpu.memref_slice %arg8[%dma_start3A_663, %dma_start3A_664] : memref<10240x128xf32, #tpu.memory_space<vmem_shared>> -> memref<10240x128xf32, #tpu.memory_space<vmem_shared>>
    tpu.enqueue_indirect_dma source(%arg16 : memref<128x128xf32, #tpu.memory_space<vmem>>) target(%dma_start3A_665 : memref<10240x128xf32, #tpu.memory_space<vmem_shared>>) offsets(%dma_start3A_662 : memref<128xi32, #tpu.memory_space<vmem>>) semaphore(%arg27 : memref<!tpu.dma_semaphore, #tpu.memory_space<semaphore_mem>>) {add = true}
    %dma_start3A_666 = arith.constant 0 : i32
    %dma_start3A_667 = arith.constant 0 : i32
    %dma_start3A_668 = arith.constant 0 : i32
    %dma_start3A_669 = tpu.memref_slice %arg13[%dma_start3A_666, %dma_start3A_667, %dma_start3A_668] : memref<2x1x128xi32, #tpu.memory_space<vmem>> -> memref<1x1x128xi32, #tpu.memory_space<vmem>>
    %dma_start3A_670 = tpu.memref_squeeze %dma_start3A_669 : memref<1x1x128xi32, #tpu.memory_space<vmem>> -> memref<128xi32, #tpu.memory_space<vmem>>
    %dma_start3A_671 = arith.constant 0 : i32
    %dma_start3A_672 = tpu.memref_slice %arg9[%dma_start3A_671] : memref<10240xf32, #tpu.memory_space<vmem_shared>> -> memref<10240xf32, #tpu.memory_space<vmem_shared>>
    tpu.enqueue_indirect_dma source(%arg18 : memref<128xf32, #tpu.memory_space<vmem>>) target(%dma_start3A_672 : memref<10240xf32, #tpu.memory_space<vmem_shared>>) offsets(%dma_start3A_670 : memref<128xi32, #tpu.memory_space<vmem>>) semaphore(%arg29 : memref<!tpu.dma_semaphore, #tpu.memory_space<semaphore_mem>>) {add = true}
    %dma_wait3A_673 = arith.constant 1 : i32
    %dma_wait3A_674 = arith.constant 0 : i32
    %dma_wait3A_675 = arith.constant 0 : i32
    %dma_wait3A_676 = tpu.memref_slice %arg13[%dma_wait3A_673, %dma_wait3A_674, %dma_wait3A_675] : memref<2x1x128xi32, #tpu.memory_space<vmem>> -> memref<1x1x128xi32, #tpu.memory_space<vmem>>
    %dma_wait3A_677 = tpu.memref_squeeze %dma_wait3A_676 : memref<1x1x128xi32, #tpu.memory_space<vmem>> -> memref<128xi32, #tpu.memory_space<vmem>>
    %dma_wait3A_678 = arith.constant 0 : i32
    %dma_wait3A_679 = arith.constant 0 : i32
    %dma_wait3A_680 = tpu.memref_slice %arg8[%dma_wait3A_678, %dma_wait3A_679] : memref<10240x128xf32, #tpu.memory_space<vmem_shared>> -> memref<10240x128xf32, #tpu.memory_space<vmem_shared>>
    tpu.wait_indirect_dma semaphore(%arg27 : memref<!tpu.dma_semaphore, #tpu.memory_space<semaphore_mem>>) src(%arg16 : memref<128x128xf32, #tpu.memory_space<vmem>>) dst(%dma_wait3A_680 : memref<10240x128xf32, #tpu.memory_space<vmem_shared>>)
    %dma_wait3A_681 = arith.constant 0 : i32
    %dma_wait3A_682 = arith.constant 0 : i32
    %dma_wait3A_683 = arith.constant 0 : i32
    %dma_wait3A_684 = tpu.memref_slice %arg13[%dma_wait3A_681, %dma_wait3A_682, %dma_wait3A_683] : memref<2x1x128xi32, #tpu.memory_space<vmem>> -> memref<1x1x128xi32, #tpu.memory_space<vmem>>
    %dma_wait3A_685 = tpu.memref_squeeze %dma_wait3A_684 : memref<1x1x128xi32, #tpu.memory_space<vmem>> -> memref<128xi32, #tpu.memory_space<vmem>>
    %dma_wait3A_686 = arith.constant 0 : i32
    %dma_wait3A_687 = tpu.memref_slice %arg9[%dma_wait3A_686] : memref<10240xf32, #tpu.memory_space<vmem_shared>> -> memref<10240xf32, #tpu.memory_space<vmem_shared>>
    tpu.wait_indirect_dma semaphore(%arg29 : memref<!tpu.dma_semaphore, #tpu.memory_space<semaphore_mem>>) src(%arg18 : memref<128xf32, #tpu.memory_space<vmem>>) dst(%dma_wait3A_687 : memref<10240xf32, #tpu.memory_space<vmem_shared>>)
    %barrier3A_688 = arith.constant 0 : index
    tpu.barrier barrier_id(%barrier3A_688)
    %mul3A_689 = arith.constant 640 : i32
    %mul3A_690 = arith.muli %arg1, %mul3A_689 : i32
    %mul3A_691 = arith.constant 640 : i32
    %mul3A_692 = arith.muli %arg1, %mul3A_691 : i32
    "tpu.region"() ({
      %run_scoped3A = tpu.sem_alloc : memref<!tpu.dma_semaphore, #tpu.memory_space<semaphore_mem>>
      %dma_start3A_700 = arith.constant 0 : i32
      %dma_start3A_701 = tpu.memref_slice %arg5[%arg0, %mul3A_692, %dma_start3A_700] : memref<2x10240x128xf32, #tpu.memory_space<hbm>> -> memref<1x640x128xf32, #tpu.memory_space<hbm>>
      %dma_start3A_702 = tpu.memref_squeeze %dma_start3A_701 : memref<1x640x128xf32, #tpu.memory_space<hbm>> -> memref<640x128xf32, #tpu.memory_space<hbm>>
      %dma_start3A_703 = arith.constant 0 : i32
      %dma_start3A_704 = tpu.memref_slice %arg8[%mul3A_690, %dma_start3A_703] : memref<10240x128xf32, #tpu.memory_space<vmem_shared>> -> memref<640x128xf32, #tpu.memory_space<vmem_shared>>
      tpu.enqueue_dma source(%dma_start3A_704 : memref<640x128xf32, #tpu.memory_space<vmem_shared>>) target(%dma_start3A_702 : memref<640x128xf32, #tpu.memory_space<hbm>>) target_semaphore(%run_scoped3A : memref<!tpu.dma_semaphore, #tpu.memory_space<semaphore_mem>>)
      %dma_wait3A_705 = arith.constant 0 : i32
      %dma_wait3A_706 = tpu.memref_slice %arg5[%arg0, %mul3A_692, %dma_wait3A_705] : memref<2x10240x128xf32, #tpu.memory_space<hbm>> -> memref<1x640x128xf32, #tpu.memory_space<hbm>>
      %dma_wait3A_707 = tpu.memref_squeeze %dma_wait3A_706 : memref<1x640x128xf32, #tpu.memory_space<hbm>> -> memref<640x128xf32, #tpu.memory_space<hbm>>
      %dma_wait3A_708 = arith.constant 0 : i32
      %dma_wait3A_709 = tpu.memref_slice %arg8[%mul3A_690, %dma_wait3A_708] : memref<10240x128xf32, #tpu.memory_space<vmem_shared>> -> memref<640x128xf32, #tpu.memory_space<vmem_shared>>
      tpu.wait_dma2 semaphore(%run_scoped3A : memref<!tpu.dma_semaphore, #tpu.memory_space<semaphore_mem>>) src(%dma_wait3A_709 : memref<640x128xf32, #tpu.memory_space<vmem_shared>>) dst(%dma_wait3A_707 : memref<640x128xf32, #tpu.memory_space<hbm>>)
      tpu.yield
    }) : () -> ()
    %eq3A = arith.constant 0 : i32
    %eq3A_693 = arith.cmpi eq, %arg0, %eq3A : i32
    %convert_element_type3A = arith.extui %eq3A_693 : i1 to i32
    %cond3A = arith.constant 0 : i32
    %cond3A_694 = arith.cmpi ne, %convert_element_type3A, %cond3A : i32
    scf.if %cond3A_694 {
      %mul3A_700 = arith.constant 640 : i32
      %mul3A_701 = arith.muli %arg1, %mul3A_700 : i32
      %mul3A_702 = arith.constant 640 : i32
      %mul3A_703 = arith.muli %arg1, %mul3A_702 : i32
      "tpu.region"() ({
        %run_scoped3A = tpu.sem_alloc : memref<!tpu.dma_semaphore, #tpu.memory_space<semaphore_mem>>
        %dma_start3A_704 = tpu.memref_slice %arg6[%mul3A_703] : memref<10240xf32, #tpu.memory_space<hbm>> -> memref<640xf32, #tpu.memory_space<hbm>>
        %dma_start3A_705 = tpu.memref_slice %arg9[%mul3A_701] : memref<10240xf32, #tpu.memory_space<vmem_shared>> -> memref<640xf32, #tpu.memory_space<vmem_shared>>
        tpu.enqueue_dma source(%dma_start3A_705 : memref<640xf32, #tpu.memory_space<vmem_shared>>) target(%dma_start3A_704 : memref<640xf32, #tpu.memory_space<hbm>>) target_semaphore(%run_scoped3A : memref<!tpu.dma_semaphore, #tpu.memory_space<semaphore_mem>>)
        %dma_wait3A_706 = tpu.memref_slice %arg6[%mul3A_703] : memref<10240xf32, #tpu.memory_space<hbm>> -> memref<640xf32, #tpu.memory_space<hbm>>
        %dma_wait3A_707 = tpu.memref_slice %arg9[%mul3A_701] : memref<10240xf32, #tpu.memory_space<vmem_shared>> -> memref<640xf32, #tpu.memory_space<vmem_shared>>
        tpu.wait_dma2 semaphore(%run_scoped3A : memref<!tpu.dma_semaphore, #tpu.memory_space<semaphore_mem>>) src(%dma_wait3A_707 : memref<640xf32, #tpu.memory_space<vmem_shared>>) dst(%dma_wait3A_706 : memref<640xf32, #tpu.memory_space<hbm>>)
        tpu.yield
      }) : () -> ()
    } else {
    }
    %eq3A_695 = arith.constant 1 : i32
    %eq3A_696 = arith.cmpi eq, %arg0, %eq3A_695 : i32
    %convert_element_type3A_697 = arith.extui %eq3A_696 : i1 to i32
    %cond3A_698 = arith.constant 0 : i32
    %cond3A_699 = arith.cmpi ne, %convert_element_type3A_697, %cond3A_698 : i32
    scf.if %cond3A_699 {
      %mul3A_700 = arith.constant 640 : i32
      %mul3A_701 = arith.muli %arg1, %mul3A_700 : i32
      %mul3A_702 = arith.constant 640 : i32
      %mul3A_703 = arith.muli %arg1, %mul3A_702 : i32
      "tpu.region"() ({
        %run_scoped3A = tpu.sem_alloc : memref<!tpu.dma_semaphore, #tpu.memory_space<semaphore_mem>>
        %dma_start3A_704 = tpu.memref_slice %arg7[%mul3A_703] : memref<10240xf32, #tpu.memory_space<hbm>> -> memref<640xf32, #tpu.memory_space<hbm>>
        %dma_start3A_705 = tpu.memref_slice %arg9[%mul3A_701] : memref<10240xf32, #tpu.memory_space<vmem_shared>> -> memref<640xf32, #tpu.memory_space<vmem_shared>>
        tpu.enqueue_dma source(%dma_start3A_705 : memref<640xf32, #tpu.memory_space<vmem_shared>>) target(%dma_start3A_704 : memref<640xf32, #tpu.memory_space<hbm>>) target_semaphore(%run_scoped3A : memref<!tpu.dma_semaphore, #tpu.memory_space<semaphore_mem>>)
        %dma_wait3A_706 = tpu.memref_slice %arg7[%mul3A_703] : memref<10240xf32, #tpu.memory_space<hbm>> -> memref<640xf32, #tpu.memory_space<hbm>>
        %dma_wait3A_707 = tpu.memref_slice %arg9[%mul3A_701] : memref<10240xf32, #tpu.memory_space<vmem_shared>> -> memref<640xf32, #tpu.memory_space<vmem_shared>>
        tpu.wait_dma2 semaphore(%run_scoped3A : memref<!tpu.dma_semaphore, #tpu.memory_space<semaphore_mem>>) src(%dma_wait3A_707 : memref<640xf32, #tpu.memory_space<vmem_shared>>) dst(%dma_wait3A_706 : memref<640xf32, #tpu.memory_space<hbm>>)
        tpu.yield
      }) : () -> ()
    } else {
    }
    return
  }
}

module attributes {stable_mosaic.version = 14 : i64} {
  func.func @_l1_body(%arg0: i32, %arg1: memref<2048x128xf32, #tpu.memory_space<vmem>>, %arg2: memref<2048x1xf32, #tpu.memory_space<vmem>>, %arg3: memref<2048x1xf32, #tpu.memory_space<vmem>>, %arg4: memref<128x128xf32, #tpu.memory_space<vmem>>, %arg5: memref<2048x128xf32, #tpu.memory_space<vmem>>, %arg6: memref<2048x1xf32, #tpu.memory_space<vmem>>, %arg7: memref<2048x1xf32, #tpu.memory_space<vmem>>) attributes {dimension_semantics = [#tpu.dimension_semantics<arbitrary>], iteration_bounds = array<i64: 5>, scalar_prefetch = 0 : i64, scratch_operands = 0 : i64, tpu.core_type = #tpu.core_type<tc>, window_params = [{transform_indices = @transform_0, window_bounds = array<i64: 2048, 128>}, {transform_indices = @transform_1, window_bounds = array<i64: 2048, 1>}, {transform_indices = @transform_2, window_bounds = array<i64: 2048, 1>}, {pipeline_mode = #tpu.pipeline_mode<synchronous>, transform_indices = @transform_3, window_bounds = array<i64: 128, 128>}, {transform_indices = @transform_4, window_bounds = array<i64: 2048, 128>}, {transform_indices = @transform_5, window_bounds = array<i64: 2048, 1>}, {transform_indices = @transform_6, window_bounds = array<i64: 2048, 1>}]} {
    %get3A = arith.constant 0 : index
    %get3A_0 = arith.constant 0 : index
    %get3A_1 = vector.load %arg2[%get3A, %get3A_0] : memref<2048x1xf32, #tpu.memory_space<vmem>>, vector<2048x1xf32>
    %max3A = arith.constant 1.000000e+00 : f32
    %max3A_2 = vector.broadcast %max3A : f32 to vector<2048x1xf32>
    %max3A_3 = arith.maximumf %get3A_1, %max3A_2 : vector<2048x1xf32>
    %rsqrt3A = math.rsqrt %max3A_3 : vector<2048x1xf32>
    %get3A_4 = arith.constant 0 : index
    %get3A_5 = arith.constant 0 : index
    %get3A_6 = vector.load %arg1[%get3A_4, %get3A_5] : memref<2048x128xf32, #tpu.memory_space<vmem>>, vector<2048x128xf32>
    %mul3A = vector.broadcast %rsqrt3A : vector<2048x1xf32> to vector<2048x128xf32>
    %mul3A_7 = arith.mulf %get3A_6, %mul3A : vector<2048x128xf32>
    %get3A_8 = arith.constant 0 : index
    %get3A_9 = arith.constant 0 : index
    %get3A_10 = vector.load %arg4[%get3A_8, %get3A_9] : memref<128x128xf32, #tpu.memory_space<vmem>>, vector<128x128xf32>
    %dot_general3A = arith.constant dense<0.000000e+00> : vector<2048x128xf32>
    %dot_general3A_11 = tpu.matmul %mul3A_7, %get3A_10, %dot_general3A {dimension_numbers = #tpu.dot_dimension_numbers<[1], [0], [0], [1], [0, 0, 1, 1], [], []>, transpose_lhs_hint = false} : vector<2048x128xf32>, vector<128x128xf32>, vector<2048x128xf32> -> vector<2048x128xf32>
    %swap3A = arith.constant 0 : index
    %swap3A_12 = arith.constant 0 : index
    %swap3A_13 = vector.load %arg5[%swap3A, %swap3A_12] : memref<2048x128xf32, #tpu.memory_space<vmem>>, vector<2048x128xf32>
    tpu.vector_store %arg5[%swap3A, %swap3A_12], %dot_general3A_11 {strides = array<i32>} : memref<2048x128xf32, #tpu.memory_space<vmem>>, vector<2048x128xf32>,
    %swap3A_14 = arith.constant 0 : index
    %swap3A_15 = arith.constant 0 : index
    %swap3A_16 = vector.load %arg6[%swap3A_14, %swap3A_15] : memref<2048x1xf32, #tpu.memory_space<vmem>>, vector<2048x1xf32>
    tpu.vector_store %arg6[%swap3A_14, %swap3A_15], %rsqrt3A {strides = array<i32>} : memref<2048x1xf32, #tpu.memory_space<vmem>>, vector<2048x1xf32>,
    %get3A_17 = arith.constant 0 : index
    %get3A_18 = arith.constant 0 : index
    %get3A_19 = vector.load %arg3[%get3A_17, %get3A_18] : memref<2048x1xf32, #tpu.memory_space<vmem>>, vector<2048x1xf32>
    %max3A_20 = arith.constant 1.000000e+00 : f32
    %max3A_21 = vector.broadcast %max3A_20 : f32 to vector<2048x1xf32>
    %max3A_22 = arith.maximumf %get3A_19, %max3A_21 : vector<2048x1xf32>
    %rsqrt3A_23 = math.rsqrt %max3A_22 : vector<2048x1xf32>
    %swap3A_24 = arith.constant 0 : index
    %swap3A_25 = arith.constant 0 : index
    %swap3A_26 = vector.load %arg7[%swap3A_24, %swap3A_25] : memref<2048x1xf32, #tpu.memory_space<vmem>>, vector<2048x1xf32>
    tpu.vector_store %arg7[%swap3A_24, %swap3A_25], %rsqrt3A_23 {strides = array<i32>} : memref<2048x1xf32, #tpu.memory_space<vmem>>, vector<2048x1xf32>,
    return
  }
  func.func @transform_0(%arg0: i32) -> (i32, i32) {
    %c0_i32 = arith.constant 0 : i32
    %c0_i32_0 = arith.constant 0 : i32
    return %arg0, %c0_i32 : i32, i32
  }
  func.func @transform_1(%arg0: i32) -> (i32, i32) {
    %c0_i32 = arith.constant 0 : i32
    %c0_i32_0 = arith.constant 0 : i32
    return %arg0, %c0_i32 : i32, i32
  }
  func.func @transform_2(%arg0: i32) -> (i32, i32) {
    %c0_i32 = arith.constant 0 : i32
    %c0_i32_0 = arith.constant 0 : i32
    return %arg0, %c0_i32 : i32, i32
  }
  func.func @transform_3(%arg0: i32) -> (i32, i32) {
    %c0_i32 = arith.constant 0 : i32
    %c0_i32_0 = arith.constant 0 : i32
    %c0_i32_1 = arith.constant 0 : i32
    return %c0_i32, %c0_i32_0 : i32, i32
  }
  func.func @transform_4(%arg0: i32) -> (i32, i32) {
    %c0_i32 = arith.constant 0 : i32
    %c0_i32_0 = arith.constant 0 : i32
    return %arg0, %c0_i32 : i32, i32
  }
  func.func @transform_5(%arg0: i32) -> (i32, i32) {
    %c0_i32 = arith.constant 0 : i32
    %c0_i32_0 = arith.constant 0 : i32
    return %arg0, %c0_i32 : i32, i32
  }
  func.func @transform_6(%arg0: i32) -> (i32, i32) {
    %c0_i32 = arith.constant 0 : i32
    %c0_i32_0 = arith.constant 0 : i32
    return %arg0, %c0_i32 : i32, i32
  }
}

module attributes {stable_mosaic.version = 14 : i64} {
  func.func @_fin_body(%arg0: i32, %arg1: memref<2x2000x128xf32, #tpu.memory_space<vmem>>, %arg2: memref<2000x1xf32, #tpu.memory_space<vmem>>, %arg3: memref<2000x1xf32, #tpu.memory_space<vmem>>, %arg4: memref<2000x1xf32, #tpu.memory_space<vmem>>, %arg5: memref<2000x1xf32, #tpu.memory_space<vmem>>, %arg6: memref<1x128xf32, #tpu.memory_space<vmem>>, %arg7: memref<128x128xf32, #tpu.memory_space<vmem>>, %arg8: memref<1x128xf32, #tpu.memory_space<vmem>>, %arg9: memref<1x128xf32, #tpu.memory_space<vmem>>, %arg10: memref<1x128xf32, #tpu.memory_space<vmem>>) attributes {dimension_semantics = [#tpu.dimension_semantics<arbitrary>], iteration_bounds = array<i64: 5>, scalar_prefetch = 0 : i64, scratch_operands = 1 : i64, tpu.core_type = #tpu.core_type<tc>, window_params = [{transform_indices = @transform_0, window_bounds = array<i64: 2, 2000, 128>}, {transform_indices = @transform_1, window_bounds = array<i64: 2000, 1>}, {transform_indices = @transform_2, window_bounds = array<i64: 2000, 1>}, {transform_indices = @transform_3, window_bounds = array<i64: 2000, 1>}, {transform_indices = @transform_4, window_bounds = array<i64: 2000, 1>}, {pipeline_mode = #tpu.pipeline_mode<synchronous>, transform_indices = @transform_5, window_bounds = array<i64: 1, 128>}, {pipeline_mode = #tpu.pipeline_mode<synchronous>, transform_indices = @transform_6, window_bounds = array<i64: 128, 128>}, {pipeline_mode = #tpu.pipeline_mode<synchronous>, transform_indices = @transform_7, window_bounds = array<i64: 1, 128>}, {pipeline_mode = #tpu.pipeline_mode<synchronous>, transform_indices = @transform_8, window_bounds = array<i64: 1, 128>}]} {
    %get3A = arith.constant 0 : index
    %get3A_0 = arith.constant 0 : index
    %get3A_1 = arith.constant 0 : index
    %get3A_2 = vector.load %arg1[%get3A, %get3A_0, %get3A_1] : memref<2x2000x128xf32, #tpu.memory_space<vmem>>, vector<1x2000x128xf32>
    %get3A_3 = vector.shape_cast %get3A_2 : vector<1x2000x128xf32> to vector<2000x128xf32>
    %get3A_4 = arith.constant 1 : index
    %get3A_5 = arith.constant 0 : index
    %get3A_6 = arith.constant 0 : index
    %get3A_7 = vector.load %arg1[%get3A_4, %get3A_5, %get3A_6] : memref<2x2000x128xf32, #tpu.memory_space<vmem>>, vector<1x2000x128xf32>
    %get3A_8 = vector.shape_cast %get3A_7 : vector<1x2000x128xf32> to vector<2000x128xf32>
    %add3A = arith.addf %get3A_3, %get3A_8 : vector<2000x128xf32>
    %get3A_9 = arith.constant 0 : index
    %get3A_10 = arith.constant 0 : index
    %get3A_11 = vector.load %arg5[%get3A_9, %get3A_10] : memref<2000x1xf32, #tpu.memory_space<vmem>>, vector<2000x1xf32>
    %mul3A = vector.broadcast %get3A_11 : vector<2000x1xf32> to vector<2000x128xf32>
    %mul3A_12 = arith.mulf %add3A, %mul3A : vector<2000x128xf32>
    %get3A_13 = arith.constant 0 : index
    %get3A_14 = arith.constant 0 : index
    %get3A_15 = vector.load %arg6[%get3A_13, %get3A_14] : memref<1x128xf32, #tpu.memory_space<vmem>>, vector<1x128xf32>
    %add3A_16 = vector.broadcast %get3A_15 : vector<1x128xf32> to vector<2000x128xf32>
    %add3A_17 = arith.addf %mul3A_12, %add3A_16 : vector<2000x128xf32>
    %max3A = arith.constant 0.000000e+00 : f32
    %max3A_18 = vector.broadcast %max3A : f32 to vector<2000x128xf32>
    %max3A_19 = arith.maximumf %add3A_17, %max3A_18 : vector<2000x128xf32>
    %get3A_20 = arith.constant 0 : index
    %get3A_21 = arith.constant 0 : index
    %get3A_22 = vector.load %arg4[%get3A_20, %get3A_21] : memref<2000x1xf32, #tpu.memory_space<vmem>>, vector<2000x1xf32>
    %get3A_23 = arith.constant 0 : index
    %get3A_24 = arith.constant 0 : index
    %get3A_25 = vector.load %arg2[%get3A_23, %get3A_24] : memref<2000x1xf32, #tpu.memory_space<vmem>>, vector<2000x1xf32>
    %get3A_26 = arith.constant 0 : index
    %get3A_27 = arith.constant 0 : index
    %get3A_28 = vector.load %arg3[%get3A_26, %get3A_27] : memref<2000x1xf32, #tpu.memory_space<vmem>>, vector<2000x1xf32>
    %add3A_29 = arith.addf %get3A_25, %get3A_28 : vector<2000x1xf32>
    %mul3A_30 = arith.mulf %get3A_22, %add3A_29 : vector<2000x1xf32>
    %mul3A_31 = vector.broadcast %mul3A_30 : vector<2000x1xf32> to vector<2000x128xf32>
    %mul3A_32 = arith.mulf %mul3A_31, %max3A_19 : vector<2000x128xf32>
    %reduce_sum3A = arith.constant dense<0.000000e+00> : vector<128xf32>
    %reduce_sum3A_33 = vector.multi_reduction <add>, %mul3A_32, %reduce_sum3A [0] : vector<2000x128xf32> to vector<128xf32>
    %broadcast_in_dim3A = vector.shape_cast %reduce_sum3A_33 : vector<128xf32> to vector<1x128xf32>
    %eq3A = arith.constant 0 : i32
    %eq3A_34 = arith.cmpi eq, %arg0, %eq3A : i32
    %convert_element_type3A = arith.extui %eq3A_34 : i1 to i32
    %cond3A = arith.constant 0 : i32
    %cond3A_35 = arith.cmpi ne, %convert_element_type3A, %cond3A : i32
    scf.if %cond3A_35 {
      %broadcast_in_dim3A_47 = arith.constant 0.000000e+00 : f32
      %broadcast_in_dim3A_48 = vector.broadcast %broadcast_in_dim3A_47 : f32 to vector<1x128xf32>
      %swap3A_49 = arith.constant 0 : index
      %swap3A_50 = arith.constant 0 : index
      %swap3A_51 = vector.load %arg10[%swap3A_49, %swap3A_50] : memref<1x128xf32, #tpu.memory_space<vmem>>, vector<1x128xf32>
      tpu.vector_store %arg10[%swap3A_49, %swap3A_50], %broadcast_in_dim3A_48 {strides = array<i32>} : memref<1x128xf32, #tpu.memory_space<vmem>>, vector<1x128xf32>,
    } else {
    }
    %get3A_36 = arith.constant 0 : index
    %get3A_37 = arith.constant 0 : index
    %get3A_38 = vector.load %arg10[%get3A_36, %get3A_37] : memref<1x128xf32, #tpu.memory_space<vmem>>, vector<1x128xf32>
    %add3A_39 = arith.addf %get3A_38, %broadcast_in_dim3A : vector<1x128xf32>
    %swap3A = arith.constant 0 : index
    %swap3A_40 = arith.constant 0 : index
    %swap3A_41 = vector.load %arg10[%swap3A, %swap3A_40] : memref<1x128xf32, #tpu.memory_space<vmem>>, vector<1x128xf32>
    tpu.vector_store %arg10[%swap3A, %swap3A_40], %add3A_39 {strides = array<i32>} : memref<1x128xf32, #tpu.memory_space<vmem>>, vector<1x128xf32>,
    %eq3A_42 = arith.constant 4 : i32
    %eq3A_43 = arith.cmpi eq, %arg0, %eq3A_42 : i32
    %convert_element_type3A_44 = arith.extui %eq3A_43 : i1 to i32
    %cond3A_45 = arith.constant 0 : i32
    %cond3A_46 = arith.cmpi ne, %convert_element_type3A_44, %cond3A_45 : i32
    scf.if %cond3A_46 {
      %get3A_47 = arith.constant 0 : index
      %get3A_48 = arith.constant 0 : index
      %get3A_49 = vector.load %arg10[%get3A_47, %get3A_48] : memref<1x128xf32, #tpu.memory_space<vmem>>, vector<1x128xf32>
      %get3A_50 = arith.constant 0 : index
      %get3A_51 = arith.constant 0 : index
      %get3A_52 = vector.load %arg7[%get3A_50, %get3A_51] : memref<128x128xf32, #tpu.memory_space<vmem>>, vector<128x128xf32>
      %dot_general3A = arith.constant dense<0.000000e+00> : vector<1x128xf32>
      %dot_general3A_53 = tpu.matmul %get3A_49, %get3A_52, %dot_general3A {dimension_numbers = #tpu.dot_dimension_numbers<[1], [0], [0], [1], [0, 0, 1, 1], [], []>, transpose_lhs_hint = false} : vector<1x128xf32>, vector<128x128xf32>, vector<1x128xf32> -> vector<1x128xf32>
      %mul3A_54 = arith.constant 9.99999974E-5 : f32
      %mul3A_55 = vector.broadcast %mul3A_54 : f32 to vector<1x128xf32>
      %mul3A_56 = arith.mulf %dot_general3A_53, %mul3A_55 : vector<1x128xf32>
      %get3A_57 = arith.constant 0 : index
      %get3A_58 = arith.constant 0 : index
      %get3A_59 = vector.load %arg8[%get3A_57, %get3A_58] : memref<1x128xf32, #tpu.memory_space<vmem>>, vector<1x128xf32>
      %add3A_60 = arith.addf %mul3A_56, %get3A_59 : vector<1x128xf32>
      %swap3A_61 = arith.constant 0 : index
      %swap3A_62 = arith.constant 0 : index
      %swap3A_63 = vector.load %arg9[%swap3A_61, %swap3A_62] : memref<1x128xf32, #tpu.memory_space<vmem>>, vector<1x128xf32>
      tpu.vector_store %arg9[%swap3A_61, %swap3A_62], %add3A_60 {strides = array<i32>} : memref<1x128xf32, #tpu.memory_space<vmem>>, vector<1x128xf32>,
    } else {
    }
    return
  }
  func.func @transform_0(%arg0: i32) -> (i32, i32, i32) {
    %c0_i32 = arith.constant 0 : i32
    %c0_i32_0 = arith.constant 0 : i32
    %c0_i32_1 = arith.constant 0 : i32
    return %c0_i32, %arg0, %c0_i32_0 : i32, i32, i32
  }
  func.func @transform_1(%arg0: i32) -> (i32, i32) {
    %c0_i32 = arith.constant 0 : i32
    %c0_i32_0 = arith.constant 0 : i32
    return %arg0, %c0_i32 : i32, i32
  }
  func.func @transform_2(%arg0: i32) -> (i32, i32) {
    %c0_i32 = arith.constant 0 : i32
    %c0_i32_0 = arith.constant 0 : i32
    return %arg0, %c0_i32 : i32, i32
  }
  func.func @transform_3(%arg0: i32) -> (i32, i32) {
    %c0_i32 = arith.constant 0 : i32
    %c0_i32_0 = arith.constant 0 : i32
    return %arg0, %c0_i32 : i32, i32
  }
  func.func @transform_4(%arg0: i32) -> (i32, i32) {
    %c0_i32 = arith.constant 0 : i32
    %c0_i32_0 = arith.constant 0 : i32
    return %arg0, %c0_i32 : i32, i32
  }
  func.func @transform_5(%arg0: i32) -> (i32, i32) {
    %c0_i32 = arith.constant 0 : i32
    %c0_i32_0 = arith.constant 0 : i32
    %c0_i32_1 = arith.constant 0 : i32
    return %c0_i32, %c0_i32_0 : i32, i32
  }
  func.func @transform_6(%arg0: i32) -> (i32, i32) {
    %c0_i32 = arith.constant 0 : i32
    %c0_i32_0 = arith.constant 0 : i32
    %c0_i32_1 = arith.constant 0 : i32
    return %c0_i32, %c0_i32_0 : i32, i32
  }
  func.func @transform_7(%arg0: i32) -> (i32, i32) {
    %c0_i32 = arith.constant 0 : i32
    %c0_i32_0 = arith.constant 0 : i32
    %c0_i32_1 = arith.constant 0 : i32
    return %c0_i32, %c0_i32_0 : i32, i32
  }
  func.func @transform_8(%arg0: i32) -> (i32, i32) {
    %c0_i32 = arith.constant 0 : i32
    %c0_i32_0 = arith.constant 0 : i32
    %c0_i32_1 = arith.constant 0 : i32
    return %c0_i32, %c0_i32_0 : i32, i32
  }
}

</mosaic_0001>

<sc_bundles>
// kernel: kernel.6.cloned.1.call-start
scs
__scs_entry_jumppad:
0x0: {  	(pc) =	sbr.rel $0x88, $3  }
0x1: {  	(tag) =	ssettag $0x0;
	lr =	simm.s32 $0x1  }
0x2: {  	[smem:$0x3F9B] =	sst lr;
	_ =	strace $0xD0000000  }
0x3: {  	_ = 	snop  }
0x4: {  	_ = 	snop  }
0x5: {  	_ = 	snop  }
0x6: {  	_ = 	snop  }
0x7: {  	_ = 	snop  }
__scs_overlays_trampoline_lowered:
0x8: {  	[smem:$0x3FAA] =	sst s0  }
0x9: {  	[smem:$0x3FAB] =	sst s1  }
0xa: {  	[smem:$0x3FAC] =	sst s2  }
0xb: {  	[smem:$0x3FAD] =	sst s3  }
0xc: {  	[smem:$0x3FAE] =	sst s4  }
0xd: {  	[smem:$0x3FAF] =	sst s5  }
0xe: {  	[smem:$0x3FB0] =	sst s6  }
0xf: {  	[smem:$0x3FB1] =	sst s7  }
0x10: {  	[smem:$0x3FB2] =	sst s8  }
0x11: {  	[smem:$0x3FB3] =	sst s9;
	s0 =	simm.s32 @!p0 $0x0  }
0x12: {  	s1 =	sld [smem:$0x3F99];
	s0 =	simm.s32 @p0 $0x1  }
0x13: {  	[smem:$0x3FB4] =	sst s0;
	s0 =	simm.s32 @!p1 $0x0  }
0x14: {  	s2 =	sld [smem:$0x3F98];
	s0 =	simm.s32 @p1 $0x1  }
0x15: {  	[smem:$0x3FB5] =	sst s0;
	s0 =	simm.s32 @!p2 $0x0  }
0x16: {  	s3 =	sld [smem:$0x3FDB];
	s0 =	simm.s32 @p2 $0x1  }
0x17: {  	s4 =	simm.s32 $0x1BF5;
	[smem:$0x3FB7] =	sst s0  }
0x18: {  	s0 =	sld [smem:$0x3F9A];
	_ =	swait.ge [sflag:s4], $0x0  }
0x19: {  	s7 =	sld [smem:$0x3F9B]  }
0x1a: {  	s8 =	sadd.s32 $0xFFFFE003, lr  }
0x1b: {  	s9 =	sadd.s32 $0xFFFFFEF7, lr;
	s5 =	simm.s32 $0xFFFFFFFF;
	p2 =	slt.u32 s8, $0xFFFFF086  }
0x1c: {  	p1 =	slt.u32 s9, $0xF7A;
	s5 =	simm.s32 @!p2 $0x0  }
0x1d: {  	s5 =	simm.s32 @p1 $0x1;
	p0 =	seq.s32 s7, s2  }
0x1e: {  	s7 =	smul.u32 @!p0 $0xF7A, s2;
	p2 =	seq.s32 @!p0 s5, $0x0  }
0x1f: {  	s9 =	smul.u32 $0xF7A, s1;
	s8 =	simm.s32 @!p0 $0x1BF5;
	p2 =	por !p2, p0  }
0x20: {  	[sflag:s8] =	ssyncset.s32 @!p0 $0xFFFFF086;
	s6 =	sadd.s32 @!p0 s3, s7;
	s7 =	simm.s32 @!p0 $0x108  }
0x21: {  	s3 =	sadd.s32 s3, s9;
	s6 =	sadd.s32 @!p0 $0x88, s6;
	s7 =	simm.s32 @p2 $0x1082  }
0x22: {  	[simem:s7], [sflag:s8] =	dma.local @!p0 [hbm:s6], $0xF7A  }
0x23: {  	s9 =	sor.u32 $0xD0000000, s2;
	s6 =	simm.s32 $0x108;
	_ =	swait.ge @!p0 [sflag:s8], $0x0  }
0x24: {  	s3 =	sadd.s32 $0x88, s3;
	s6 =	simm.s32 @!p1 $0x1082;
	[sflag:s4] =	ssyncset.s32 $0xFFFFF086  }
0x25: {  	[simem:s6], [sflag:s4] =	dma.local [hbm:s3], $0xF7A  }
0x26: {  	[smem:$0x3F9B] =	sst s1;
	(tag) =	ssettag s2;
	_ =	strace s9  }
0x27: {  	s1 =	sld [smem:$0x3FAB]  }
0x28: {  	s2 =	sld [smem:$0x3FAC]  }
0x29: {  	s4 =	sld [smem:$0x3FAE]  }
0x2a: {  	p0 =	seq.s32 s5, $0x0;
	s5 =	sld [smem:$0x3FAF]  }
0x2b: {  	s6 =	sld [smem:$0x3FB0]  }
0x2c: {  	s7 =	sld [smem:$0x3FB1]  }
0x2d: {  	s3 =	simm.s32 $0x108;
	s8 =	sld [smem:$0x3FB2]  }
0x2e: {  	s3 =	simm.s32 @!p0 $0x1082;
	s9 =	sld [smem:$0x3FB3]  }
0x2f: {  	lr =	sadd.s32 s0, s3;
	s0 =	sld [smem:$0x3FAA]  }
0x30: {  	s3 =	sld [smem:$0x3FAD]  }
0x31: {  	[smem:$0x3FB6] =	sst s10  }
0x32: {  	s10 =	sld [smem:$0x3FB4];
	_ =	sdelay $0x3  }
0x33: {  	p0 =	seq.s32 s10, $0x1;
	s10 =	sld [smem:$0x3FB6];
	_ =	sdelay $0x3  }
0x34: {  	[smem:$0x3FB6] =	sst s10  }
0x35: {  	s10 =	sld [smem:$0x3FB5];
	_ =	sdelay $0x3  }
0x36: {  	p1 =	seq.s32 s10, $0x1;
	s10 =	sld [smem:$0x3FB6];
	_ =	sdelay $0x3  }
0x37: {  	[smem:$0x3FB6] =	sst s10  }
0x38: {  	s10 =	sld [smem:$0x3FB7]  }
0x39: {  	_ = 	snop;
	(pc) =	sbr.ind lr, $3  }
0x3a: {  	_ = 	snop  }
0x3b: {  	_ = 	snop  }
0x3c: {  	p2 =	seq.s32 s10, $0x1;
	s10 =	sld [smem:$0x3FB6]  }
0x3d: {  	_ =	shalt  }
0x3e: {  	_ =	shalt  }
0x3f: {  	_ =	shalt  }
0x40: {  	_ =	shalt  }
0x41: {  	_ =	shalt  }
0x42: {  	_ =	shalt  }
0x43: {  	_ =	shalt  }
0x44: {  	_ =	shalt  }
0x45: {  	_ =	shalt  }
0x46: {  	_ =	shalt  }
0x47: {  	_ =	shalt  }
0x48: {  	_ =	shalt  }
0x49: {  	_ =	shalt  }
0x4a: {  	_ =	shalt  }
0x4b: {  	_ =	shalt  }
0x4c: {  	_ =	shalt  }
0x4d: {  	_ =	shalt  }
0x4e: {  	_ =	shalt  }
0x4f: {  	_ =	shalt  }
0x50: {  	_ =	shalt  }
0x51: {  	_ =	shalt  }
0x52: {  	_ =	shalt  }
0x53: {  	_ =	shalt  }
0x54: {  	_ =	shalt  }
0x55: {  	_ =	shalt  }
0x56: {  	_ =	shalt  }
0x57: {  	_ =	shalt  }
0x58: {  	_ =	shalt  }
0x59: {  	_ =	shalt  }
0x5a: {  	_ =	shalt  }
0x5b: {  	_ =	shalt  }
0x5c: {  	_ =	shalt  }
0x5d: {  	_ =	shalt  }
0x5e: {  	_ =	shalt  }
0x5f: {  	_ =	shalt  }
0x60: {  	_ =	shalt  }
0x61: {  	_ =	shalt  }
0x62: {  	_ =	shalt  }
0x63: {  	_ =	shalt  }
0x64: {  	_ =	shalt  }
0x65: {  	_ =	shalt  }
0x66: {  	_ =	shalt  }
0x67: {  	_ =	shalt  }
0x68: {  	_ =	shalt  }
0x69: {  	_ =	shalt  }
0x6a: {  	_ =	shalt  }
0x6b: {  	_ =	shalt  }
0x6c: {  	_ =	shalt  }
0x6d: {  	_ =	shalt  }
0x6e: {  	_ =	shalt  }
0x6f: {  	_ =	shalt  }
0x70: {  	_ =	shalt  }
0x71: {  	_ =	shalt  }
0x72: {  	_ =	shalt  }
0x73: {  	_ =	shalt  }
0x74: {  	_ =	shalt  }
0x75: {  	_ =	shalt  }
0x76: {  	_ =	shalt  }
0x77: {  	_ =	shalt  }
0x78: {  	_ =	shalt  }
0x79: {  	_ =	shalt  }
0x7a: {  	_ =	shalt  }
0x7b: {  	_ =	shalt  }
0x7c: {  	_ =	shalt  }
0x7d: {  	_ =	shalt  }
0x7e: {  	_ =	shalt  }
0x7f: {  	_ =	shalt  }
0x80: {  	_ =	shalt  }
0x81: {  	_ =	shalt  }
0x82: {  	_ =	shalt  }
0x83: {  	_ =	shalt  }
0x84: {  	_ =	shalt  }
0x85: {  	_ =	shalt  }
0x86: {  	_ =	shalt  }
0x87: {  	_ =	shalt  }
.Lfunc_end0:
.L_simem_size_0:
called_computation_lowered:
.L_overlay_start_0:
0x88: {  	s2 =	sld [smem:$0x3FD9]  }
0x89: {  	s3 =	sld [smem:$0x3FFE];
	_ =	sdelay $0x1  }
0x8a: {  	s1 =	srdreg.scid  }
0x8b: {  	s0 =	sand.u32 $0x1, s1  }
0x8c: {  	s16 =	sshll.u32 s0, $0xA;
	s2 =	sadd.s32 s3, s2  }
0x8d: {  	s2 =	sadd.s32 s2, s16  }
0x8e: {  	[smem:$0x3FC2] =	sst s2  }
0x8f: {  	_ = 	snop  }
0x90: {  	(tm) =	ssettm $0x1  }
0x91: {  	s17 =	sld [smem:$0x3FFB];
	_ =	sdelay $0x3  }
0x92: {  	_ =	strace s17  }
0x93: {  	s2 =	sld [smem:$0x3FFC];
	_ =	sdelay $0x3  }
0x94: {  	_ =	strace s2  }
0x95: {  	s2 =	sld [smem:$0x3FFD];
	_ =	sdelay $0x3  }
0x96: {  	_ =	strace s2  }
0x97: {  	_ =	strace $0x8FFFFFFF  }
0x98: {  	s18 =	sld [smem:$0x3FDB];
	_ =	sdelay $0x1  }
0x99: {  	s19 =	simm.s32 $_scs_section_size  }
0x9a: {  	s4 =	simm.s32 $_size__tile_overlayer_lowered;
	s5 =	simm.s32 $_tile_overlayer_lowered  }
0x9b: {  	s22 =	simm.s32 $0x1BFF;
	s21 =	sshll.u32 s5, $0x1;
	s2 =	sadd.s32 s19, s18  }
0x9c: {  	s6 =	simm.s32 $0x0;
	s20 =	sshll.u32 s4, $0x1;
	s4 =	sadd.s32 s21, s2  }
0x9d: {  	[timem:s6], [sflag:s22] =	dma.local [hbm:s4], s20  }
0x9e: {  	_ =	swait.ge [sflag:s22], s20  }
0x9f: {  	s3 =	ssub.s32 $0x0, s20;
	[sflag:s22] =	ssyncset.done $0x0  }
0xa0: {  	[sflag:s22] =	ssyncadd.s32 s3;
	_ =	sdelay $0x1  }
0xa1: {  	s23 =	simm.s32 $0x1B8B  }
0xa2: {  	_ =	swait.ge [sflag:s23], $0x1  }
0xa3: {  	[sflag:s23] =	ssyncset.done $0x0  }
0xa4: {  	s25 =	simm.s32 $0x1B8E;
	s24 =	sld [smem:$0x3FFE];
	[sflag:s23] =	ssyncadd.s32 $0xFFFFFFFF  }
0xa5: {  	s26 =	simm.s32 $execute0_lowered;
	[smem:$0x3FD2] =	sst s25  }
0xa6: {  	s4 =	sshll.u32 s26, $0x1;
	_ =	strace $0x80000046;
	[dreg:$0x1] =	wrdreg $0xFFFFFFFF  }
0xa7: {  	s28 =	simm.s32 $_size_execute0_lowered;
	s2 =	sadd.s32 s2, s4;
	[dreg:$0x0] =	wrdreg $0x0  }
0xa8: {  	s4 =	sshll.u32 s28, $0x1;
	[dreg:$0x2] =	wrdreg s2  }
0xa9: {  	[dreg:$0x3] =	wrdreg s4  }
0xaa: {  	[dreg:$0x4] =	wrdreg $0xC0  }
0xab: {  	_ =	task [dreg:s6], $0x5FFFF  }
0xac: {  	[dreg:$0x1] =	wrdreg $0xFFFFFFFF  }
0xad: {  	[dreg:$0x0] =	wrdreg $0x60  }
0xae: {  	[dreg:$0x2] =	wrdreg s24  }
0xaf: {  	[dreg:$0x3] =	wrdreg $0x0  }
0xb0: {  	[dreg:$0x4] =	wrdreg $0x9  }
0xb1: {  	_ =	task.clear_ibuf [dreg:s6], $0x5FFFF;
	_ =	strace $0x90000046  }
0xb2: {  	s29 =	simm.s32 $0x9;
	_ =	strace $0x80000048  }
0xb3: {  	_ =	swait.ge [sflag:s29], $0x1  }
0xb4: {  	[sflag:s29] =	ssyncadd.s32 $0xFFFFFFFF  }
0xb5: {  	_ =	strace $0x90000048  }
0xb6: {  	_ =	sfence  }
0xb7: {  	s30 =	sld [smem:$0x0];
	_ =	sdelay $0x2  }
0xb8: {  	s31 =	sshll.u32 s1, $0xD;
	s1 =	sshrl.u32 s1, $0x2  }
0xb9: {  	s3 =	sand.u32 $0x4000, s31;
	s1 =	sadd.s32 s1, s30  }
0xba: {  	s0 =	sor.u32 s3, s0;
	s1 =	sshll.u32 s1, $0x11  }
0xbb: {  	s0 =	sor.u32 s1, s0  }
0xbc: {  	s0 =	sadd.s32 $0x8F2B, s0  }
0xbd: {  	[sflag:s0] =	ssyncadd.remote.s32 $0x1  }
0xbe: {  	_ =	sfence.sel $0xFFFF  }
0xbf: {  	[dreg:$0x0] =	wrdreg $0xFFFFFFFF;
	(pc) =	sbr.abs _section_cstart, $3  }
0xc0: {  	[dreg:$0x1] =	wrdreg $0xFFFFFFFF  }
0xc1: {  	_ =	task.clear_ibuf [dreg:s6], $0x2FFFF;
	_ =	strace $0x9FFFFFFF  }
0xc2: {  	(tm) =	ssettm $0x7FFFFFFF  }
0xc3: {  	_ =	shalt  }
tec
execute0_lowered:
.L_overlay_start_1:
0x0: {  	(tag) =	ssettag $0x1  }
0x1: {  	s6 =	rddreg [dreg:$0x0]  }
0x2: {  	s2 =	rddreg [dreg:$0x1]  }
0x3: {  	s0 =	rddreg [dreg:$0x2]  }
0x4: {  	s4 =	srdreg.scid;
	s3 =	simm.s32 $0x0;
	s1 =	stileid.u32  }
0x5: {  	s10 =	simm.s32 $0x16400;
	s11 =	simm.s32 $0x580;
	s13 =	simm.s32 $0x5580  }
0x6: {  	s14 =	simm.s32 $0x80;
	s15 =	simm.s32 $0x500;
	s16 =	simm.s32 $0x1  }
0x7: {  	s19 =	simm.s32 $0x0;
	s4 =	sand.u32 $0x1, s4;
	s5 =	smul.u32 $0xA00, s1  }
0x8: {  	[smem:$0x7FF] =	sst s3;
	s31 =	smul.u32 $0x280, s1;
	s17 =	sshll.u32 s1, $0x6  }
0x9: {  	s7 =	ssub.s32 $0x2, s4;
	_ =	strace $0x80000047;
	s9 =	smul.u32 $0x14000, s4  }
0xa: {  	p0 =	seq.s32 s4, $0x1;
	s17 =	sor.u32 $0x1C02, s17;
	s8 =	sshrl.u32 s7, $0x1  }
0xb: {  	s5 =	sadd.s32 s5, s6;
	s4 =	sadd.s32 s31, s2;
	s10 =	simm.s32 @!p0 $0x16A00  }
0xc: {  	s7 =	ssub.s32 s7, s8;
	s5 =	sadd.s32 $0x2400, s5;
	s9 =	sshrl.u32 s9, $0x2  }
0xd: {  	s8 =	sshrl.u32 s31, $0x3;
	s10 =	sadd.s32 s10, s6;
	s18 =	sshrl.u32 s4, $0x3  }
0xe: {  	s6 =	sor.u32 $0x580, s9;
	s7 =	smax.u32 s7, $0x1;
	s8 =	sadd.s32 s10, s8  }
0xf: {  	v0 =	vimm.f32 $0.0e+00;
	v1 =	vimm.f32 $1.000000000e+00;
	s9 =	simm.s32 $0x280;
	s10 =	simm.s32 $0x2;
	s12 =	sadd.s32 $0xA000, s5  }
.LBB2_1:
0x10: {  	[tilespmem:$0x280] =	vst v0  }
0x11: {  	[tilespmem:$0x290] =	vst v0  }
0x12: {  	[tilespmem:$0x2A0] =	vst v0  }
0x13: {  	[tilespmem:$0x2B0] =	vst v0  }
0x14: {  	[tilespmem:$0x2C0] =	vst v0  }
0x15: {  	[tilespmem:$0x2D0] =	vst v0  }
0x16: {  	[tilespmem:$0x2E0] =	vst v0  }
0x17: {  	[tilespmem:$0x2F0] =	vst v0  }
0x18: {  	[tilespmem:$0x300] =	vst v0  }
0x19: {  	[tilespmem:$0x310] =	vst v0  }
0x1a: {  	[tilespmem:$0x320] =	vst v0  }
0x1b: {  	[tilespmem:$0x330] =	vst v0  }
0x1c: {  	[tilespmem:$0x340] =	vst v0  }
0x1d: {  	[tilespmem:$0x350] =	vst v0  }
0x1e: {  	[tilespmem:$0x360] =	vst v0  }
0x1f: {  	[tilespmem:$0x370] =	vst v0  }
0x20: {  	[tilespmem:$0x380] =	vst v0  }
0x21: {  	[tilespmem:$0x390] =	vst v0  }
0x22: {  	[tilespmem:$0x3A0] =	vst v0  }
0x23: {  	[tilespmem:$0x3B0] =	vst v0  }
0x24: {  	[tilespmem:$0x3C0] =	vst v0  }
0x25: {  	[tilespmem:$0x3D0] =	vst v0  }
0x26: {  	[tilespmem:$0x3E0] =	vst v0  }
0x27: {  	[tilespmem:$0x3F0] =	vst v0  }
0x28: {  	[tilespmem:$0x400] =	vst v0  }
0x29: {  	[tilespmem:$0x410] =	vst v0  }
0x2a: {  	[tilespmem:$0x420] =	vst v0  }
0x2b: {  	[tilespmem:$0x430] =	vst v0  }
0x2c: {  	[tilespmem:$0x440] =	vst v0  }
0x2d: {  	[tilespmem:$0x450] =	vst v0  }
0x2e: {  	[tilespmem:$0x460] =	vst v0  }
0x2f: {  	[tilespmem:$0x470] =	vst v0  }
0x30: {  	[tilespmem:$0x480] =	vst v0  }
0x31: {  	[tilespmem:$0x490] =	vst v0  }
0x32: {  	[tilespmem:$0x4A0] =	vst v0  }
0x33: {  	[tilespmem:$0x4B0] =	vst v0  }
0x34: {  	[tilespmem:$0x4C0] =	vst v0  }
0x35: {  	[tilespmem:$0x4D0] =	vst v0  }
0x36: {  	[tilespmem:$0x4E0] =	vst v0  }
0x37: {  	[tilespmem:$0x4F0] =	vst v0  }
0x38: {  	[tilespmem:$0x500] =	vst v1  }
0x39: {  	[tilespmem:$0x510] =	vst v1  }
0x3a: {  	[tilespmem:$0x520] =	vst v1  }
0x3b: {  	[tilespmem:$0x530] =	vst v1  }
0x3c: {  	[tilespmem:$0x540] =	vst v1  }
0x3d: {  	[tilespmem:$0x550] =	vst v1  }
0x3e: {  	[tilespmem:$0x560] =	vst v1  }
0x3f: {  	[tilespmem:$0x570] =	vst v1  }
0x40: {  	[spmem:s4] =	stream.linear.scatter [tilespmem:s9], [sflag:$0x2], $0x280, $0x38;
	[tilespmem:$0xA580] =	vst v63  }
0x41: {  	_ =	swait.ge [sflag:s10], $0x280  }
0x42: {  	[sflag:s10] =	ssyncset.done $0x0  }
0x43: {  	[sflag:s10] =	ssyncadd.s32 $0xFFFFFD80  }
0x44: {  	[tilespmem:s11], [sflag:$0x2] =	stream.linear.gather [hbm4b:s5+s3], $0x4F00, $0x38;
	[tilespmem:$0xA580] =	vst v63  }
0x45: {  	_ = 	snop  }
0x46: {  	[tilespmem:s13], [sflag:$0x2] =	stream.linear.gather [hbm4b:s12+s3], $0x4F00, $0x38;
	[tilespmem:$0xA580] =	vst v63  }
0x47: {  	_ =	swait.ge [sflag:s10], $0x9E00  }
0x48: {  	[sflag:s10] =	ssyncset.done $0x0  }
0x49: {  	[sflag:s10] =	ssyncadd.s32 $0xFFFF6200  }
0x4a: {  	s20 =	simm.s32 $0x0;
	[bflag:$0x0] =	sbarrier.arrive $0xFFFF  }
.LBB2_2:
0x4b: {  	p0 =	sne.s32 s20, $0x13A00  }
.Ltmp0:
0x4c: {  	_ = 	snop;
	(pc) =	sbr.rel @p0 .LBB2_2-.Ltmp0, $4  }
0x4d: {  	_ = 	snop  }
0x4e: {  	s21 =	sshra.s32 s20, $0x2  }
0x4f: {  	s20 =	sadd.s32 $0x200, s20;
	s21 =	sadd.s32 s21, s6  }
0x50: {  	[spmem:s2] =	stream.indirect.scatter.add.f32 [tilespmem:s15], [sflag:$0x1], $0x1, s21, s14, $0xb8;
	[tilespmem:$0xA580] =	vst v63  }
0x51: {  	_ =	swait.ge [sflag:s16], $0x80  }
0x52: {  	s20 =	simm.s32 $0x9D;
	[sflag:s16] =	ssyncset.done $0x0  }
.LBB2_4:
0x53: {  	p0 =	sne.s32 s20, $0x1;
	s20 =	sadd.s32 $0xFFFFFFFF, s20;
	[sflag:s16] =	ssyncadd.s32 $0xFFFFFF80  }
.Ltmp1:
0x54: {  	(pc) =	sbr.rel @p0 .LBB2_4-.Ltmp1, $3  }
0x55: {  	_ =	sdelay $0x1  }
0x56: {  	_ =	swait.ge [sflag:s16], $0x80  }
0x57: {  	[sflag:s16] =	ssyncset.done $0x0  }
0x58: {  	s19 =	sadd.s32 $0x1, s19  }
0x59: {  	[sflag:s16] =	ssyncadd.s32 $0xFFFFFF80;
	p0 =	sne.s32 s19, s7  }
.Ltmp2:
0x5a: {  	[bflag:$0x0] =	sbarrier.arrive $0xFFFF;
	(pc) =	sbr.rel @p0 .LBB2_1-.Ltmp2, $4  }
0x5b: {  	[hbm:s8], [sflag:s17] =	dma.local [spmem:s18], $0x50  }
0x5c: {  	_ =	swait.ge [sflag:s10], $0x50  }
0x5d: {  	[sflag:s10] =	ssyncset.done $0x0  }
0x5e: {  	[sflag:s10] =	ssyncadd.s32 $0xFFFFFFB0  }
0x5f: {  	_ =	sfence.sel $0x180000  }
0x60: {  	[bflag:$0x0] =	sbarrier.arrive $0xFFFF  }
0x61: {  	p0 =	sne.s32 s1, $0x0;
	_ =	strace $0x90000047  }
0x62: {  	s0 =	sadd.s32 @!p0 $0x100000, s0;
	[bflag:$0x2] =	sbarrier.arrive $0xFFFF  }
0x63: {  	[sflag:s0] =	ssyncadd.tile.s32 @!p0 $0x1;
	_ =	shalt  }
.Lfunc_end2:
_tile_overlayer_lowered:
.L_overlay_start_2:
0x64: {  	(tag) =	ssettag $0x2  }
0x65: {  	s0 =	rddreg [dreg:$0x0];
	s2 =	stileid.u32  }
0x66: {  	s1 =	rddreg [dreg:$0x1];
	p0 =	sne.s32 s2, $0x0  }
0x67: {  	s3 =	rddreg [dreg:$0x2];
	[bflag:$0x3] =	sbarrier.arrive $0xFFFF;
	s2 =	simm.s32 @!p0 $0x1C02  }
0x68: {  	[timem:s3], [sflag:s2] =	dma.local @!p0 [hbm:s0], s1  }
0x69: {  	s0 =	simm.s32 @!p0 $0x2  }
0x6a: {  	_ =	swait.ge @!p0 [sflag:s0], s1  }
0x6b: {  	s1 =	ssub.s32 @!p0 $0x0, s1;
	[sflag:s0] =	ssyncset.done @!p0 $0x0  }
0x6c: {  	[sflag:s0] =	ssyncadd.s32 @!p0 s1  }
0x6d: {  	[bflag:$0x3] =	sbarrier.arrive $0xFFFF  }
0x6e: {  	_ =	shalt  }

// kernel: kernel.9.cloned.1.call-start
scs
__scs_entry_jumppad:
0x0: {  	(pc) =	sbr.rel $0x88, $3  }
0x1: {  	(tag) =	ssettag $0x0;
	lr =	simm.s32 $0x1  }
0x2: {  	[smem:$0x3F9B] =	sst lr;
	_ =	strace $0xD0000000  }
0x3: {  	_ = 	snop  }
0x4: {  	_ = 	snop  }
0x5: {  	_ = 	snop  }
0x6: {  	_ = 	snop  }
0x7: {  	_ = 	snop  }
__scs_overlays_trampoline_lowered:
0x8: {  	[smem:$0x3FAA] =	sst s0  }
0x9: {  	[smem:$0x3FAB] =	sst s1  }
0xa: {  	[smem:$0x3FAC] =	sst s2  }
0xb: {  	[smem:$0x3FAD] =	sst s3  }
0xc: {  	[smem:$0x3FAE] =	sst s4  }
0xd: {  	[smem:$0x3FAF] =	sst s5  }
0xe: {  	[smem:$0x3FB0] =	sst s6  }
0xf: {  	[smem:$0x3FB1] =	sst s7  }
0x10: {  	[smem:$0x3FB2] =	sst s8  }
0x11: {  	[smem:$0x3FB3] =	sst s9;
	s0 =	simm.s32 @!p0 $0x0  }
0x12: {  	s1 =	sld [smem:$0x3F99];
	s0 =	simm.s32 @p0 $0x1  }
0x13: {  	[smem:$0x3FB4] =	sst s0;
	s0 =	simm.s32 @!p1 $0x0  }
0x14: {  	s2 =	sld [smem:$0x3F98];
	s0 =	simm.s32 @p1 $0x1  }
0x15: {  	[smem:$0x3FB5] =	sst s0;
	s0 =	simm.s32 @!p2 $0x0  }
0x16: {  	s3 =	sld [smem:$0x3FDB];
	s0 =	simm.s32 @p2 $0x1  }
0x17: {  	s4 =	simm.s32 $0x1BF5;
	[smem:$0x3FB7] =	sst s0  }
0x18: {  	s0 =	sld [smem:$0x3F9A];
	_ =	swait.ge [sflag:s4], $0x0  }
0x19: {  	s7 =	sld [smem:$0x3F9B]  }
0x1a: {  	s8 =	sadd.s32 $0xFFFFE003, lr  }
0x1b: {  	s9 =	sadd.s32 $0xFFFFFEF7, lr;
	s5 =	simm.s32 $0xFFFFFFFF;
	p2 =	slt.u32 s8, $0xFFFFF086  }
0x1c: {  	p1 =	slt.u32 s9, $0xF7A;
	s5 =	simm.s32 @!p2 $0x0  }
0x1d: {  	s5 =	simm.s32 @p1 $0x1;
	p0 =	seq.s32 s7, s2  }
0x1e: {  	s7 =	smul.u32 @!p0 $0xF7A, s2;
	p2 =	seq.s32 @!p0 s5, $0x0  }
0x1f: {  	s9 =	smul.u32 $0xF7A, s1;
	s8 =	simm.s32 @!p0 $0x1BF5;
	p2 =	por !p2, p0  }
0x20: {  	[sflag:s8] =	ssyncset.s32 @!p0 $0xFFFFF086;
	s6 =	sadd.s32 @!p0 s3, s7;
	s7 =	simm.s32 @!p0 $0x108  }
0x21: {  	s3 =	sadd.s32 s3, s9;
	s6 =	sadd.s32 @!p0 $0x88, s6;
	s7 =	simm.s32 @p2 $0x1082  }
0x22: {  	[simem:s7], [sflag:s8] =	dma.local @!p0 [hbm:s6], $0xF7A  }
0x23: {  	s9 =	sor.u32 $0xD0000000, s2;
	s6 =	simm.s32 $0x108;
	_ =	swait.ge @!p0 [sflag:s8], $0x0  }
0x24: {  	s3 =	sadd.s32 $0x88, s3;
	s6 =	simm.s32 @!p1 $0x1082;
	[sflag:s4] =	ssyncset.s32 $0xFFFFF086  }
0x25: {  	[simem:s6], [sflag:s4] =	dma.local [hbm:s3], $0xF7A  }
0x26: {  	[smem:$0x3F9B] =	sst s1;
	(tag) =	ssettag s2;
	_ =	strace s9  }
0x27: {  	s1 =	sld [smem:$0x3FAB]  }
0x28: {  	s2 =	sld [smem:$0x3FAC]  }
0x29: {  	s4 =	sld [smem:$0x3FAE]  }
0x2a: {  	p0 =	seq.s32 s5, $0x0;
	s5 =	sld [smem:$0x3FAF]  }
0x2b: {  	s6 =	sld [smem:$0x3FB0]  }
0x2c: {  	s7 =	sld [smem:$0x3FB1]  }
0x2d: {  	s3 =	simm.s32 $0x108;
	s8 =	sld [smem:$0x3FB2]  }
0x2e: {  	s3 =	simm.s32 @!p0 $0x1082;
	s9 =	sld [smem:$0x3FB3]  }
0x2f: {  	lr =	sadd.s32 s0, s3;
	s0 =	sld [smem:$0x3FAA]  }
0x30: {  	s3 =	sld [smem:$0x3FAD]  }
0x31: {  	[smem:$0x3FB6] =	sst s10  }
0x32: {  	s10 =	sld [smem:$0x3FB4];
	_ =	sdelay $0x3  }
0x33: {  	p0 =	seq.s32 s10, $0x1;
	s10 =	sld [smem:$0x3FB6];
	_ =	sdelay $0x3  }
0x34: {  	[smem:$0x3FB6] =	sst s10  }
0x35: {  	s10 =	sld [smem:$0x3FB5];
	_ =	sdelay $0x3  }
0x36: {  	p1 =	seq.s32 s10, $0x1;
	s10 =	sld [smem:$0x3FB6];
	_ =	sdelay $0x3  }
0x37: {  	[smem:$0x3FB6] =	sst s10  }
0x38: {  	s10 =	sld [smem:$0x3FB7]  }
0x39: {  	_ = 	snop;
	(pc) =	sbr.ind lr, $3  }
0x3a: {  	_ = 	snop  }
0x3b: {  	_ = 	snop  }
0x3c: {  	p2 =	seq.s32 s10, $0x1;
	s10 =	sld [smem:$0x3FB6]  }
0x3d: {  	_ =	shalt  }
0x3e: {  	_ =	shalt  }
0x3f: {  	_ =	shalt  }
0x40: {  	_ =	shalt  }
0x41: {  	_ =	shalt  }
0x42: {  	_ =	shalt  }
0x43: {  	_ =	shalt  }
0x44: {  	_ =	shalt  }
0x45: {  	_ =	shalt  }
0x46: {  	_ =	shalt  }
0x47: {  	_ =	shalt  }
0x48: {  	_ =	shalt  }
0x49: {  	_ =	shalt  }
0x4a: {  	_ =	shalt  }
0x4b: {  	_ =	shalt  }
0x4c: {  	_ =	shalt  }
0x4d: {  	_ =	shalt  }
0x4e: {  	_ =	shalt  }
0x4f: {  	_ =	shalt  }
0x50: {  	_ =	shalt  }
0x51: {  	_ =	shalt  }
0x52: {  	_ =	shalt  }
0x53: {  	_ =	shalt  }
0x54: {  	_ =	shalt  }
0x55: {  	_ =	shalt  }
0x56: {  	_ =	shalt  }
0x57: {  	_ =	shalt  }
0x58: {  	_ =	shalt  }
0x59: {  	_ =	shalt  }
0x5a: {  	_ =	shalt  }
0x5b: {  	_ =	shalt  }
0x5c: {  	_ =	shalt  }
0x5d: {  	_ =	shalt  }
0x5e: {  	_ =	shalt  }
0x5f: {  	_ =	shalt  }
0x60: {  	_ =	shalt  }
0x61: {  	_ =	shalt  }
0x62: {  	_ =	shalt  }
0x63: {  	_ =	shalt  }
0x64: {  	_ =	shalt  }
0x65: {  	_ =	shalt  }
0x66: {  	_ =	shalt  }
0x67: {  	_ =	shalt  }
0x68: {  	_ =	shalt  }
0x69: {  	_ =	shalt  }
0x6a: {  	_ =	shalt  }
0x6b: {  	_ =	shalt  }
0x6c: {  	_ =	shalt  }
0x6d: {  	_ =	shalt  }
0x6e: {  	_ =	shalt  }
0x6f: {  	_ =	shalt  }
0x70: {  	_ =	shalt  }
0x71: {  	_ =	shalt  }
0x72: {  	_ =	shalt  }
0x73: {  	_ =	shalt  }
0x74: {  	_ =	shalt  }
0x75: {  	_ =	shalt  }
0x76: {  	_ =	shalt  }
0x77: {  	_ =	shalt  }
0x78: {  	_ =	shalt  }
0x79: {  	_ =	shalt  }
0x7a: {  	_ =	shalt  }
0x7b: {  	_ =	shalt  }
0x7c: {  	_ =	shalt  }
0x7d: {  	_ =	shalt  }
0x7e: {  	_ =	shalt  }
0x7f: {  	_ =	shalt  }
0x80: {  	_ =	shalt  }
0x81: {  	_ =	shalt  }
0x82: {  	_ =	shalt  }
0x83: {  	_ =	shalt  }
0x84: {  	_ =	shalt  }
0x85: {  	_ =	shalt  }
0x86: {  	_ =	shalt  }
0x87: {  	_ =	shalt  }
.Lfunc_end0:
.L_simem_size_0:
called_computation.1_lowered:
.L_overlay_start_0:
0x88: {  	s2 =	sld [smem:$0x3FD9]  }
0x89: {  	s3 =	sld [smem:$0x3FFE];
	_ =	sdelay $0x1  }
0x8a: {  	s1 =	srdreg.scid  }
0x8b: {  	s0 =	sand.u32 $0x1, s1  }
0x8c: {  	s16 =	sshll.u32 s0, $0xA;
	s2 =	sadd.s32 s3, s2  }
0x8d: {  	s2 =	sadd.s32 s2, s16  }
0x8e: {  	[smem:$0x3FC2] =	sst s2  }
0x8f: {  	_ = 	snop  }
0x90: {  	(tm) =	ssettm $0x1  }
0x91: {  	s17 =	sld [smem:$0x3FFB];
	_ =	sdelay $0x3  }
0x92: {  	_ =	strace s17  }
0x93: {  	s2 =	sld [smem:$0x3FFC];
	_ =	sdelay $0x3  }
0x94: {  	_ =	strace s2  }
0x95: {  	s2 =	sld [smem:$0x3FFD];
	_ =	sdelay $0x3  }
0x96: {  	_ =	strace s2  }
0x97: {  	_ =	strace $0x8FFFFFFF  }
0x98: {  	s18 =	sld [smem:$0x3FDB];
	_ =	sdelay $0x1  }
0x99: {  	s19 =	simm.s32 $_scs_section_size  }
0x9a: {  	s4 =	simm.s32 $_size__tile_overlayer_lowered;
	s5 =	simm.s32 $_tile_overlayer_lowered  }
0x9b: {  	s22 =	simm.s32 $0x1BFF;
	s21 =	sshll.u32 s5, $0x1;
	s2 =	sadd.s32 s19, s18  }
0x9c: {  	s6 =	simm.s32 $0x0;
	s20 =	sshll.u32 s4, $0x1;
	s4 =	sadd.s32 s21, s2  }
0x9d: {  	[timem:s6], [sflag:s22] =	dma.local [hbm:s4], s20  }
0x9e: {  	_ =	swait.ge [sflag:s22], s20  }
0x9f: {  	s3 =	ssub.s32 $0x0, s20;
	[sflag:s22] =	ssyncset.done $0x0  }
0xa0: {  	[sflag:s22] =	ssyncadd.s32 s3;
	_ =	sdelay $0x1  }
0xa1: {  	s23 =	simm.s32 $0x1B8B  }
0xa2: {  	_ =	swait.ge [sflag:s23], $0x1  }
0xa3: {  	[sflag:s23] =	ssyncset.done $0x0  }
0xa4: {  	s25 =	simm.s32 $0x1B8E;
	s24 =	sld [smem:$0x3FFE];
	[sflag:s23] =	ssyncadd.s32 $0xFFFFFFFF  }
0xa5: {  	s26 =	simm.s32 $execute0_lowered;
	[smem:$0x3FD2] =	sst s25  }
0xa6: {  	s4 =	sshll.u32 s26, $0x1;
	_ =	strace $0x80000049;
	[dreg:$0x1] =	wrdreg $0xFFFFFFFF  }
0xa7: {  	s28 =	simm.s32 $_size_execute0_lowered;
	s2 =	sadd.s32 s2, s4;
	[dreg:$0x0] =	wrdreg $0x0  }
0xa8: {  	s4 =	sshll.u32 s28, $0x1;
	[dreg:$0x2] =	wrdreg s2  }
0xa9: {  	[dreg:$0x3] =	wrdreg s4  }
0xaa: {  	[dreg:$0x4] =	wrdreg $0xC0  }
0xab: {  	_ =	task [dreg:s6], $0x5FFFF  }
0xac: {  	[dreg:$0x1] =	wrdreg $0xFFFFFFFF  }
0xad: {  	[dreg:$0x0] =	wrdreg $0x60  }
0xae: {  	[dreg:$0x2] =	wrdreg s24  }
0xaf: {  	[dreg:$0x3] =	wrdreg $0x0  }
0xb0: {  	[dreg:$0x4] =	wrdreg $0x140000  }
0xb1: {  	[dreg:$0x5] =	wrdreg $0x142800  }
0xb2: {  	[dreg:$0x6] =	wrdreg $0x9  }
0xb3: {  	_ =	task.clear_ibuf [dreg:s6], $0x7FFFF;
	_ =	strace $0x90000049  }
0xb4: {  	s29 =	simm.s32 $0x9;
	_ =	strace $0x8000004B  }
0xb5: {  	_ =	swait.ge [sflag:s29], $0x1  }
0xb6: {  	[sflag:s29] =	ssyncadd.s32 $0xFFFFFFFF  }
0xb7: {  	_ =	strace $0x9000004B  }
0xb8: {  	_ =	sfence  }
0xb9: {  	s30 =	sld [smem:$0x0];
	_ =	sdelay $0x2  }
0xba: {  	s31 =	sshll.u32 s1, $0xD;
	s1 =	sshrl.u32 s1, $0x2  }
0xbb: {  	s3 =	sand.u32 $0x4000, s31;
	s1 =	sadd.s32 s1, s30  }
0xbc: {  	s0 =	sor.u32 s3, s0;
	s1 =	sshll.u32 s1, $0x11  }
0xbd: {  	s0 =	sor.u32 s1, s0  }
0xbe: {  	s0 =	sadd.s32 $0x8F2B, s0  }
0xbf: {  	[sflag:s0] =	ssyncadd.remote.s32 $0x1  }
0xc0: {  	_ =	sfence.sel $0xFFFF  }
0xc1: {  	[dreg:$0x0] =	wrdreg $0xFFFFFFFF;
	(pc) =	sbr.abs _section_cstart, $3  }
0xc2: {  	[dreg:$0x1] =	wrdreg $0xFFFFFFFF  }
0xc3: {  	_ =	task.clear_ibuf [dreg:s6], $0x2FFFF;
	_ =	strace $0x9FFFFFFF  }
0xc4: {  	(tm) =	ssettm $0x7FFFFFFF  }
0xc5: {  	_ =	shalt  }
tec
execute0_lowered:
.L_overlay_start_1:
0x0: {  	(tag) =	ssettag $0x1  }
0x1: {  	s0 =	rddreg [dreg:$0x0]  }
0x2: {  	s1 =	rddreg [dreg:$0x1]  }
0x3: {  	s3 =	rddreg [dreg:$0x2];
	s13 =	stileid.u32  }
0x4: {  	s2 =	srdreg.scid;
	s5 =	smul.u32 $0x280, s13  }
0x5: {  	s4 =	rddreg [dreg:$0x3];
	s16 =	simm.s32 $0x0;
	s8 =	smul.u32 $0x14000, s13  }
0x6: {  	s2 =	sand.u32 $0x1, s2;
	[smem:$0x7FF] =	sst s16;
	s19 =	smul.u32 $0x50000, s13  }
0x7: {  	s7 =	smul.u32 $0x140000, s2;
	_ =	strace $0x8000004A;
	s11 =	ssub.s32 $0x2, s2  }
0x8: {  	s21 =	smul.u32 $0x4F0, s2;
	s26 =	sshll.u32 s2, $0x4;
	s10 =	sshrl.u32 s5, $0x3  }
0x9: {  	p0 =	seq.s32 s2, $0x1;
	s2 =	simm.s32 $0x3000;
	s10 =	sadd.s32 s10, s0  }
0xa: {  	s2 =	simm.s32 @!p0 $0x2A00;
	s7 =	sadd.s32 s8, s7;
	s17 =	sadd.s32 $0x2400, s10  }
0xb: {  	s8 =	sshrl.u32 s19, $0x2;
	s2 =	sadd.s32 s2, s10;
	[dreg:$0x13] =	wrdreg s17  }
0xc: {  	s9 =	sadd.s32 $0x17000, s0;
	s14 =	sadd.s32 s8, s1;
	[dreg:$0x18] =	wrdreg s2  }
0xd: {  	s6 =	sadd.s32 $0x2AC00, s0;
	s22 =	sadd.s32 $0x1000, s14;
	[dreg:$0xc] =	wrdreg s14  }
0xe: {  	s24 =	smul.u32 $0x4F, s13;
	s23 =	sadd.s32 $0x2000, s14;
	[dreg:$0xd] =	wrdreg s22  }
0xf: {  	s7 =	sshrl.u32 s7, $0x3;
	s12 =	sadd.s32 $0x3000, s14;
	[dreg:$0xe] =	wrdreg s23  }
0x10: {  	s8 =	sadd.s32 s24, s21;
	s25 =	sadd.s32 $0x4000, s14;
	[dreg:$0xf] =	wrdreg s12  }
0x11: {  	s0 =	sadd.s32 s7, s0;
	s15 =	sadd.s32 $0x5000, s14;
	[dreg:$0x10] =	wrdreg s25  }
0x12: {  	s8 =	sshll.u32 s8, $0x4;
	s17 =	sadd.s32 $0xA000, s14;
	[dreg:$0x11] =	wrdreg s15  }
0x13: {  	s12 =	sor.u32 s13, s26;
	s13 =	sadd.s32 s5, s3;
	[smem:$0x7F4] =	sst s17  }
0x14: {  	s8 =	sadd.s32 s8, s9;
	s0 =	sadd.s32 $0x52C00, s0;
	[dreg:$0x12] =	wrdreg s13  }
0x15: {  	s18 =	sadd.s32 $0x80, s8;
	[dreg:$0x1c] =	wrdreg s0  }
0x16: {  	s20 =	sshrl.u32 s11, $0x1;
	s19 =	sadd.s32 $0x70, s8;
	[dreg:$0x5] =	wrdreg s18  }
0x17: {  	s7 =	ssub.s32 s11, s20;
	s20 =	sadd.s32 $0x60, s8;
	[dreg:$0x6] =	wrdreg s19  }
0x18: {  	s21 =	sadd.s32 $0x50, s8;
	[dreg:$0x7] =	wrdreg s20  }
0x19: {  	s28 =	simm.s32 $0x2;
	s23 =	sadd.s32 $0x40, s8;
	[dreg:$0x8] =	wrdreg s21  }
0x1a: {  	s5 =	sadd.s32 s5, s4;
	s8 =	sadd.s32 $0x30, s8;
	[dreg:$0x9] =	wrdreg s23  }
0x1b: {  	s29 =	simm.s32 $0x19A80;
	s10 =	sshrl.u32 s5, $0x3;
	[dreg:$0xa] =	wrdreg s8  }
0x1c: {  	s30 =	simm.s32 $0x15900;
	s13 =	sadd.s32 $0x8000, s14;
	[dreg:$0x1e] =	wrdreg s10  }
0x1d: {  	s31 =	simm.s32 $0x1DB00;
	[smem:$0x7F2] =	sst s13;
	s18 =	sadd.s32 $0xB000, s14  }
0x1e: {  	s2 =	simm.s32 $0x4;
	s19 =	sadd.s32 $0xC000, s14;
	[smem:$0x7F5] =	sst s18  }
0x1f: {  	s17 =	simm.s32 $0xC;
	s20 =	sadd.s32 $0xD000, s14;
	[smem:$0x7F6] =	sst s19  }
0x20: {  	s15 =	smul.u32 $0x4F0, s12;
	s21 =	sadd.s32 $0xE000, s14;
	[smem:$0x7F7] =	sst s20  }
0x21: {  	s12 =	smul.u32 $0x2780, s12;
	s23 =	sadd.s32 $0x10000, s14;
	[smem:$0x7F8] =	sst s21  }
0x22: {  	s0 =	simm.s32 $0x6;
	s11 =	sadd.s32 s9, s15;
	[smem:$0x7FA] =	sst s23  }
0x23: {  	s12 =	sshrl.u32 s12, $0x3;
	s15 =	sadd.s32 $0x9000, s14;
	[dreg:$0x14] =	wrdreg s11  }
0x24: {  	s9 =	sadd.s32 s9, s12;
	s11 =	sadd.s32 $0x6000, s14;
	[smem:$0x7F3] =	sst s15  }
0x25: {  	s10 =	simm.s32 $0x3;
	s12 =	sadd.s32 $0x10, s9;
	[dreg:$0x1f] =	wrdreg s11  }
0x26: {  	s13 =	simm.s32 $0xB;
	s22 =	sadd.s32 $0x20, s9;
	[dreg:$0x15] =	wrdreg s12  }
0x27: {  	s18 =	simm.s32 $0x80;
	s24 =	sadd.s32 $0x4B0, s9;
	[dreg:$0x16] =	wrdreg s22  }
0x28: {  	s19 =	simm.s32 $0x4F000;
	s25 =	sadd.s32 $0x4C0, s9;
	[dreg:$0x17] =	wrdreg s24  }
0x29: {  	s20 =	simm.s32 $0x15780;
	s26 =	sadd.s32 $0x4D0, s9;
	[dreg:$0x19] =	wrdreg s25  }
0x2a: {  	s21 =	simm.s32 $0x15880;
	s8 =	sadd.s32 $0x4E0, s9;
	[dreg:$0x1a] =	wrdreg s26  }
0x2b: {  	s23 =	simm.s32 $0x15A80;
	s9 =	smax.u32 s7, $0x1;
	[dreg:$0x1b] =	wrdreg s8  }
0x2c: {  	s15 =	simm.s32 $0x9;
	[dreg:$0x1d] =	wrdreg s9;
	s12 =	sadd.s32 $0x7000, s14  }
0x2d: {  	s11 =	simm.s32 $0x15A00;
	s22 =	sadd.s32 $0xF000, s14;
	[smem:$0x7F1] =	sst s12  }
0x2e: {  	s24 =	sadd.s32 $0x11000, s14;
	s25 =	sadd.s32 $0x12000, s14;
	[smem:$0x7F9] =	sst s22  }
0x2f: {  	s26 =	sadd.s32 $0x13000, s14;
	s8 =	simm.s32 $0x8;
	[smem:$0x7FB] =	sst s24  }
0x30: {  	s9 =	simm.s32 $0xA;
	s14 =	simm.s32 $0x7;
	[smem:$0x7FC] =	sst s25  }
0x31: {  	[smem:$0x7FD] =	sst s26;
	s22 =	simm.s32 $0x1;
	s24 =	simm.s32 $0x15800  }
0x32: {  	v0 =	vimm.f32 $0.0e+00;
	s25 =	simm.s32 $0x1DA80;
	s26 =	simm.s32 $0x15980;
	s12 =	simm.s32 $0x5  }
.LBB2_1:
0x33: {  	[dreg:$0xb] =	wrdreg s16;
	s5 =	simm.s32 $0x0;
	s7 =	simm.s32 $0x200  }
.LBB2_2:
0x34: {  	p0 =	sne.s32 s7, $0x3E00;
	[tilespmem:s5+$0x14570] =	vst v0  }
0x35: {  	[tilespmem:s5+$0x14500] =	vst v0  }
0x36: {  	[tilespmem:s5+$0x14510] =	vst v0  }
.Ltmp0:
0x37: {  	[tilespmem:s5+$0x14520] =	vst v0;
	(pc) =	sbr.rel @p0 .LBB2_2-.Ltmp0, $4  }
0x38: {  	[tilespmem:s5+$0x14530] =	vst v0  }
0x39: {  	[tilespmem:s5+$0x14540] =	vst v0  }
0x3a: {  	[tilespmem:s5+$0x14550] =	vst v0  }
0x3b: {  	[tilespmem:s5+$0x14560] =	vst v0;
	s5 =	sshra.s32 s7, $0x2;
	s7 =	sadd.s32 $0x200, s7  }
0x3c: {  	[tilespmem:s5+$0x14570] =	vst v0  }
0x3d: {  	[tilespmem:s5+$0x14500] =	vst v0  }
0x3e: {  	[tilespmem:s5+$0x14510] =	vst v0  }
0x3f: {  	[tilespmem:s5+$0x14520] =	vst v0  }
0x40: {  	[tilespmem:s5+$0x14530] =	vst v0  }
0x41: {  	[tilespmem:s5+$0x14540] =	vst v0  }
0x42: {  	[tilespmem:s5+$0x14550] =	vst v0  }
0x43: {  	[tilespmem:s5+$0x14560] =	vst v0  }
0x44: {  	[tilespmem:$0x15500] =	vst v0  }
0x45: {  	[tilespmem:$0x15510] =	vst v0  }
0x46: {  	[tilespmem:$0x15520] =	vst v0  }
0x47: {  	[tilespmem:$0x15530] =	vst v0  }
0x48: {  	[tilespmem:$0x15540] =	vst v0  }
0x49: {  	[tilespmem:$0x15550] =	vst v0  }
0x4a: {  	[tilespmem:$0x15560] =	vst v0  }
0x4b: {  	[tilespmem:$0x15570] =	vst v0  }
0x4c: {  	[tilespmem:$0x15580] =	vst v0  }
0x4d: {  	[tilespmem:$0x15590] =	vst v0  }
0x4e: {  	[tilespmem:$0x155A0] =	vst v0  }
0x4f: {  	[tilespmem:$0x155B0] =	vst v0  }
0x50: {  	[tilespmem:$0x155C0] =	vst v0  }
0x51: {  	[tilespmem:$0x155D0] =	vst v0  }
0x52: {  	[tilespmem:$0x155E0] =	vst v0  }
0x53: {  	[tilespmem:$0x155F0] =	vst v0  }
0x54: {  	[tilespmem:$0x15600] =	vst v0  }
0x55: {  	[tilespmem:$0x15610] =	vst v0  }
0x56: {  	[tilespmem:$0x15620] =	vst v0  }
0x57: {  	[tilespmem:$0x15630] =	vst v0  }
0x58: {  	[tilespmem:$0x15640] =	vst v0  }
0x59: {  	[tilespmem:$0x15650] =	vst v0  }
0x5a: {  	[tilespmem:$0x15660] =	vst v0  }
0x5b: {  	[tilespmem:$0x15670] =	vst v0  }
0x5c: {  	[tilespmem:$0x15680] =	vst v0  }
0x5d: {  	[tilespmem:$0x15690] =	vst v0  }
0x5e: {  	[tilespmem:$0x156A0] =	vst v0  }
0x5f: {  	[tilespmem:$0x156B0] =	vst v0  }
0x60: {  	[tilespmem:$0x156C0] =	vst v0  }
0x61: {  	[tilespmem:$0x156D0] =	vst v0  }
0x62: {  	[tilespmem:$0x156E0] =	vst v0  }
0x63: {  	[tilespmem:$0x156F0] =	vst v0  }
0x64: {  	[tilespmem:$0x15700] =	vst v0  }
0x65: {  	[tilespmem:$0x15710] =	vst v0  }
0x66: {  	[tilespmem:$0x15720] =	vst v0  }
0x67: {  	[tilespmem:$0x15730] =	vst v0  }
0x68: {  	[tilespmem:$0x15740] =	vst v0  }
0x69: {  	[tilespmem:$0x15750] =	vst v0  }
0x6a: {  	[tilespmem:$0x15760] =	vst v0  }
0x6b: {  	s16 =	rddreg [dreg:$0xc];
	s7 =	simm.s32 $0x14500;
	[tilespmem:$0x15770] =	vst v0  }
0x6c: {  	[spmem:s16] =	stream.linear.scatter [tilespmem:s7], [sflag:$0xC], $0x1000, $0x38;
	[tilespmem:$0x1DB80] =	vst v63  }
0x6d: {  	_ =	swait.ge [sflag:s17], $0x1000  }
0x6e: {  	[sflag:s17] =	ssyncset.done $0x0  }
0x6f: {  	s16 =	rddreg [dreg:$0xd];
	[sflag:s17] =	ssyncadd.s32 $0xFFFFF000  }
0x70: {  	[spmem:s16] =	stream.linear.scatter [tilespmem:s7], [sflag:$0xC], $0x1000, $0x38;
	[tilespmem:$0x1DB80] =	vst v63  }
0x71: {  	_ =	swait.ge [sflag:s17], $0x1000  }
0x72: {  	[sflag:s17] =	ssyncset.done $0x0  }
0x73: {  	s16 =	rddreg [dreg:$0xe];
	[sflag:s17] =	ssyncadd.s32 $0xFFFFF000  }
0x74: {  	[spmem:s16] =	stream.linear.scatter [tilespmem:s7], [sflag:$0xC], $0x1000, $0x38;
	[tilespmem:$0x1DB80] =	vst v63  }
0x75: {  	_ =	swait.ge [sflag:s17], $0x1000  }
0x76: {  	[sflag:s17] =	ssyncset.done $0x0  }
0x77: {  	s16 =	rddreg [dreg:$0xf];
	[sflag:s17] =	ssyncadd.s32 $0xFFFFF000  }
0x78: {  	[spmem:s16] =	stream.linear.scatter [tilespmem:s7], [sflag:$0xC], $0x1000, $0x38;
	[tilespmem:$0x1DB80] =	vst v63  }
0x79: {  	_ =	swait.ge [sflag:s17], $0x1000  }
0x7a: {  	[sflag:s17] =	ssyncset.done $0x0  }
0x7b: {  	s16 =	rddreg [dreg:$0x10];
	[sflag:s17] =	ssyncadd.s32 $0xFFFFF000  }
0x7c: {  	[spmem:s16] =	stream.linear.scatter [tilespmem:s7], [sflag:$0xC], $0x1000, $0x38;
	[tilespmem:$0x1DB80] =	vst v63  }
0x7d: {  	_ =	swait.ge [sflag:s17], $0x1000  }
0x7e: {  	[sflag:s17] =	ssyncset.done $0x0  }
0x7f: {  	s16 =	rddreg [dreg:$0x11];
	[sflag:s17] =	ssyncadd.s32 $0xFFFFF000  }
0x80: {  	[spmem:s16] =	stream.linear.scatter [tilespmem:s7], [sflag:$0xC], $0x1000, $0x38;
	[tilespmem:$0x1DB80] =	vst v63  }
0x81: {  	_ =	swait.ge [sflag:s17], $0x1000  }
0x82: {  	[sflag:s17] =	ssyncset.done $0x0  }
0x83: {  	s16 =	rddreg [dreg:$0x1f];
	[sflag:s17] =	ssyncadd.s32 $0xFFFFF000  }
0x84: {  	[spmem:s16] =	stream.linear.scatter [tilespmem:s7], [sflag:$0xC], $0x1000, $0x38;
	[tilespmem:$0x1DB80] =	vst v63  }
0x85: {  	_ =	swait.ge [sflag:s17], $0x1000  }
0x86: {  	s16 =	sld [smem:$0x7F1]  }
0x87: {  	[sflag:s17] =	ssyncset.done $0x0  }
0x88: {  	[sflag:s17] =	ssyncadd.s32 $0xFFFFF000  }
0x89: {  	[spmem:s16] =	stream.linear.scatter [tilespmem:s7], [sflag:$0xC], $0x1000, $0x38;
	[tilespmem:$0x1DB80] =	vst v63  }
0x8a: {  	_ =	swait.ge [sflag:s17], $0x1000  }
0x8b: {  	s16 =	sld [smem:$0x7F2]  }
0x8c: {  	[sflag:s17] =	ssyncset.done $0x0  }
0x8d: {  	[sflag:s17] =	ssyncadd.s32 $0xFFFFF000  }
0x8e: {  	[spmem:s16] =	stream.linear.scatter [tilespmem:s7], [sflag:$0xC], $0x1000, $0x38;
	[tilespmem:$0x1DB80] =	vst v63  }
0x8f: {  	_ =	swait.ge [sflag:s17], $0x1000  }
0x90: {  	s16 =	sld [smem:$0x7F3]  }
0x91: {  	[sflag:s17] =	ssyncset.done $0x0  }
0x92: {  	[sflag:s17] =	ssyncadd.s32 $0xFFFFF000  }
0x93: {  	[spmem:s16] =	stream.linear.scatter [tilespmem:s7], [sflag:$0xC], $0x1000, $0x38;
	[tilespmem:$0x1DB80] =	vst v63  }
0x94: {  	_ =	swait.ge [sflag:s17], $0x1000  }
0x95: {  	s16 =	sld [smem:$0x7F4]  }
0x96: {  	[sflag:s17] =	ssyncset.done $0x0  }
0x97: {  	[sflag:s17] =	ssyncadd.s32 $0xFFFFF000  }
0x98: {  	[spmem:s16] =	stream.linear.scatter [tilespmem:s7], [sflag:$0xC], $0x1000, $0x38;
	[tilespmem:$0x1DB80] =	vst v63  }
0x99: {  	_ =	swait.ge [sflag:s17], $0x1000  }
0x9a: {  	s16 =	sld [smem:$0x7F5]  }
0x9b: {  	[sflag:s17] =	ssyncset.done $0x0  }
0x9c: {  	[sflag:s17] =	ssyncadd.s32 $0xFFFFF000  }
0x9d: {  	[spmem:s16] =	stream.linear.scatter [tilespmem:s7], [sflag:$0xC], $0x1000, $0x38;
	[tilespmem:$0x1DB80] =	vst v63  }
0x9e: {  	_ =	swait.ge [sflag:s17], $0x1000  }
0x9f: {  	s16 =	sld [smem:$0x7F6]  }
0xa0: {  	[sflag:s17] =	ssyncset.done $0x0  }
0xa1: {  	[sflag:s17] =	ssyncadd.s32 $0xFFFFF000  }
0xa2: {  	[spmem:s16] =	stream.linear.scatter [tilespmem:s7], [sflag:$0xC], $0x1000, $0x38;
	[tilespmem:$0x1DB80] =	vst v63  }
0xa3: {  	_ =	swait.ge [sflag:s17], $0x1000  }
0xa4: {  	s16 =	sld [smem:$0x7F7]  }
0xa5: {  	[sflag:s17] =	ssyncset.done $0x0  }
0xa6: {  	[sflag:s17] =	ssyncadd.s32 $0xFFFFF000  }
0xa7: {  	[spmem:s16] =	stream.linear.scatter [tilespmem:s7], [sflag:$0xC], $0x1000, $0x38;
	[tilespmem:$0x1DB80] =	vst v63  }
0xa8: {  	_ =	swait.ge [sflag:s17], $0x1000  }
0xa9: {  	s16 =	sld [smem:$0x7F8]  }
0xaa: {  	[sflag:s17] =	ssyncset.done $0x0  }
0xab: {  	[sflag:s17] =	ssyncadd.s32 $0xFFFFF000  }
0xac: {  	[spmem:s16] =	stream.linear.scatter [tilespmem:s7], [sflag:$0xC], $0x1000, $0x38;
	[tilespmem:$0x1DB80] =	vst v63  }
0xad: {  	_ =	swait.ge [sflag:s17], $0x1000  }
0xae: {  	s16 =	sld [smem:$0x7F9]  }
0xaf: {  	[sflag:s17] =	ssyncset.done $0x0  }
0xb0: {  	[sflag:s17] =	ssyncadd.s32 $0xFFFFF000  }
0xb1: {  	[spmem:s16] =	stream.linear.scatter [tilespmem:s7], [sflag:$0xC], $0x1000, $0x38;
	[tilespmem:$0x1DB80] =	vst v63  }
0xb2: {  	_ =	swait.ge [sflag:s17], $0x1000  }
0xb3: {  	s16 =	sld [smem:$0x7FA]  }
0xb4: {  	[sflag:s17] =	ssyncset.done $0x0  }
0xb5: {  	[sflag:s17] =	ssyncadd.s32 $0xFFFFF000  }
0xb6: {  	[spmem:s16] =	stream.linear.scatter [tilespmem:s7], [sflag:$0xC], $0x1000, $0x38;
	[tilespmem:$0x1DB80] =	vst v63  }
0xb7: {  	_ =	swait.ge [sflag:s17], $0x1000  }
0xb8: {  	s16 =	sld [smem:$0x7FB]  }
0xb9: {  	[sflag:s17] =	ssyncset.done $0x0  }
0xba: {  	[sflag:s17] =	ssyncadd.s32 $0xFFFFF000  }
0xbb: {  	[spmem:s16] =	stream.linear.scatter [tilespmem:s7], [sflag:$0xC], $0x1000, $0x38;
	[tilespmem:$0x1DB80] =	vst v63  }
0xbc: {  	_ =	swait.ge [sflag:s17], $0x1000  }
0xbd: {  	s16 =	sld [smem:$0x7FC]  }
0xbe: {  	[sflag:s17] =	ssyncset.done $0x0  }
0xbf: {  	[sflag:s17] =	ssyncadd.s32 $0xFFFFF000  }
0xc0: {  	[spmem:s16] =	stream.linear.scatter [tilespmem:s7], [sflag:$0xC], $0x1000, $0x38;
	[tilespmem:$0x1DB80] =	vst v63  }
0xc1: {  	_ =	swait.ge [sflag:s17], $0x1000  }
0xc2: {  	s16 =	sld [smem:$0x7FD]  }
0xc3: {  	[sflag:s17] =	ssyncset.done $0x0  }
0xc4: {  	[sflag:s17] =	ssyncadd.s32 $0xFFFFF000  }
0xc5: {  	[spmem:s16] =	stream.linear.scatter [tilespmem:s7], [sflag:$0xC], $0x1000, $0x38;
	[tilespmem:$0x1DB80] =	vst v63  }
0xc6: {  	_ =	swait.ge [sflag:s17], $0x1000  }
0xc7: {  	[sflag:s17] =	ssyncset.done $0x0  }
0xc8: {  	s16 =	simm.s32 $0x15500;
	s7 =	rddreg [dreg:$0x12];
	[sflag:s17] =	ssyncadd.s32 $0xFFFFF000  }
0xc9: {  	[spmem:s7] =	stream.linear.scatter [tilespmem:s16], [sflag:$0xC], $0x280, $0x38;
	[tilespmem:$0x1DB80] =	vst v63  }
0xca: {  	s7 =	stileid.u32  }
0xcb: {  	_ =	swait.ge [sflag:s17], $0x280;
	s5 =	sshll.u32 s7, $0x6  }
0xcc: {  	s16 =	sor.u32 $0x1C0C, s5;
	s5 =	rddreg [dreg:$0x13]  }
0xcd: {  	[sflag:s17] =	ssyncset.done $0x0;
	s7 =	rddreg [dreg:$0x1e]  }
0xce: {  	[sflag:s17] =	ssyncadd.s32 $0xFFFFFD80;
	[smem:$0x7F0] =	sst s16  }
0xcf: {  	[spmem:s7], [sflag:s16] =	dma.local [hbm:s5], $0x50  }
0xd0: {  	_ =	swait.ge [sflag:s17], $0x50  }
0xd1: {  	[sflag:s17] =	ssyncset.done $0x0  }
0xd2: {  	s16 =	rddreg [dreg:$0x14];
	[sflag:s17] =	ssyncadd.s32 $0xFFFFFFB0  }
0xd3: {  	[tilespmem:s20], [sflag:$0x1] =	stream.strided.gather [hbm4b:s16+s18], $0x100, s19, s18, $0x38;
	[tilespmem:$0x1DB80] =	vst v63  }
0xd4: {  	s7 =	rddreg [dreg:$0x15]  }
0xd5: {  	[tilespmem:s21], [sflag:$0x2] =	stream.strided.gather [hbm4b:s7+s18], $0x100, s19, s18, $0x38;
	[tilespmem:$0x1DB80] =	vst v63  }
0xd6: {  	_ =	swait.ge [sflag:s22], $0x100  }
0xd7: {  	[sflag:s22] =	ssyncset.done $0x0  }
0xd8: {  	[sflag:s22] =	ssyncadd.s32 $0xFFFFFF00  }
0xd9: {  	[bflag:$0x0] =	sbarrier.arrive $0xFFFF  }
0xda: {  	[tilespmem:s23], [sflag:$0x4] =	stream.indirect.gather [hbm4b:s6+s18], $0x80, s20, s18, $0xb8;
	[tilespmem:$0x1DB80] =	vst v63  }
0xdb: {  	_ = 	snop  }
0xdc: {  	[tilespmem:s25], [sflag:$0x6] =	stream.indirect.gather [spmem:s4], $0x1, s24, s18, $0xb8;
	[tilespmem:$0x1DB80] =	vst v63  }
0xdd: {  	s16 =	rddreg [dreg:$0x16]  }
0xde: {  	[tilespmem:s26], [sflag:$0x3] =	stream.strided.gather [hbm4b:s16+s18], $0x100, s19, s18, $0x38;
	[tilespmem:$0x1DB80] =	vst v63  }
0xdf: {  	_ =	swait.ge [sflag:s28], $0x100  }
0xe0: {  	[sflag:s28] =	ssyncset.done $0x0  }
0xe1: {  	[sflag:s28] =	ssyncadd.s32 $0xFFFFFF00  }
0xe2: {  	[tilespmem:s29], [sflag:$0x5] =	stream.indirect.gather [hbm4b:s6+s18], $0x80, s21, s18, $0xb8;
	[tilespmem:$0x1DB80] =	vst v63  }
0xe3: {  	_ = 	snop  }
0xe4: {  	[tilespmem:s31], [sflag:$0x7] =	stream.indirect.gather [spmem:s4], $0x1, s30, s18, $0xb8;
	[tilespmem:$0x1DB80] =	vst v63  }
0xe5: {  	_ =	swait.ge [sflag:s2], $0x4000  }
0xe6: {  	[sflag:s2] =	ssyncset.done $0x0  }
0xe7: {  	[sflag:s2] =	ssyncadd.s32 $0xFFFFC000  }
0xe8: {  	_ =	swait.ge [sflag:s0], $0x80  }
0xe9: {  	[sflag:s0] =	ssyncset.done $0x0  }
0xea: {  	[sflag:s0] =	ssyncadd.s32 $0xFFFFFF80  }
0xeb: {  	[spmem:s1] =	stream.indirect.scatter.add.f32 [tilespmem:s23], [sflag:$0x8], $0x80, s24, s18, $0xb8;
	[tilespmem:$0x1DB80] =	vst v63  }
0xec: {  	_ = 	snop  }
0xed: {  	[spmem:s3] =	stream.indirect.scatter.add.f32 [tilespmem:s25], [sflag:$0xA], $0x1, s20, s18, $0xb8;
	[tilespmem:$0x1DB80] =	vst v63  }
0xee: {  	_ =	swait.ge [sflag:s8], $0x4000  }
0xef: {  	[sflag:s8] =	ssyncset.done $0x0  }
0xf0: {  	[sflag:s8] =	ssyncadd.s32 $0xFFFFC000  }
0xf1: {  	_ =	swait.ge [sflag:s9], $0x80  }
0xf2: {  	s7 =	rddreg [dreg:$0xa];
	[sflag:s9] =	ssyncset.done $0x0  }
0xf3: {  	[sflag:s9] =	ssyncadd.s32 $0xFFFFFF80;
	s5 =	sadd.s32 $0x0, s7  }
0xf4: {  	[tilespmem:s20], [sflag:$0x1] =	stream.strided.gather [hbm4b:s5+s18], $0x100, s19, s18, $0x38;
	[tilespmem:$0x1DB80] =	vst v63  }
0xf5: {  	_ =	swait.ge [sflag:s10], $0x100  }
0xf6: {  	[sflag:s10] =	ssyncset.done $0x0  }
0xf7: {  	[sflag:s10] =	ssyncadd.s32 $0xFFFFFF00  }
0xf8: {  	[tilespmem:s23], [sflag:$0x4] =	stream.indirect.gather [hbm4b:s6+s18], $0x80, s26, s18, $0xb8;
	[tilespmem:$0x1DB80] =	vst v63  }
0xf9: {  	_ = 	snop  }
0xfa: {  	[tilespmem:s25], [sflag:$0x6] =	stream.indirect.gather [spmem:s4], $0x1, s11, s18, $0xb8;
	[tilespmem:$0x1DB80] =	vst v63  }
0xfb: {  	_ =	swait.ge [sflag:s12], $0x4000  }
0xfc: {  	[sflag:s12] =	ssyncset.done $0x0  }
0xfd: {  	[sflag:s12] =	ssyncadd.s32 $0xFFFFC000  }
0xfe: {  	_ =	swait.ge [sflag:s14], $0x80  }
0xff: {  	[sflag:s14] =	ssyncset.done $0x0  }
0x100: {  	[sflag:s14] =	ssyncadd.s32 $0xFFFFFF80  }
0x101: {  	[spmem:s1] =	stream.indirect.scatter.add.f32 [tilespmem:s29], [sflag:$0x9], $0x80, s30, s18, $0xb8;
	[tilespmem:$0x1DB80] =	vst v63  }
0x102: {  	_ = 	snop  }
0x103: {  	[spmem:s3] =	stream.indirect.scatter.add.f32 [tilespmem:s31], [sflag:$0xB], $0x1, s21, s18, $0xb8;
	[tilespmem:$0x1DB80] =	vst v63  }
0x104: {  	_ =	swait.ge [sflag:s15], $0x4000  }
0x105: {  	[sflag:s15] =	ssyncset.done $0x0  }
0x106: {  	[sflag:s15] =	ssyncadd.s32 $0xFFFFC000  }
0x107: {  	_ =	swait.ge [sflag:s13], $0x80  }
0x108: {  	s16 =	rddreg [dreg:$0x9];
	[sflag:s13] =	ssyncset.done $0x0  }
0x109: {  	[sflag:s13] =	ssyncadd.s32 $0xFFFFFF80;
	s5 =	sadd.s32 $0x0, s16  }
0x10a: {  	[tilespmem:s21], [sflag:$0x2] =	stream.strided.gather [hbm4b:s5+s18], $0x100, s19, s18, $0x38;
	[tilespmem:$0x1DB80] =	vst v63  }
0x10b: {  	_ =	swait.ge [sflag:s22], $0x100  }
0x10c: {  	[sflag:s22] =	ssyncset.done $0x0  }
0x10d: {  	[sflag:s22] =	ssyncadd.s32 $0xFFFFFF00  }
0x10e: {  	[tilespmem:s29], [sflag:$0x5] =	stream.indirect.gather [hbm4b:s6+s18], $0x80, s20, s18, $0xb8;
	[tilespmem:$0x1DB80] =	vst v63  }
0x10f: {  	_ = 	snop  }
0x110: {  	[tilespmem:s31], [sflag:$0x7] =	stream.indirect.gather [spmem:s4], $0x1, s24, s18, $0xb8;
	[tilespmem:$0x1DB80] =	vst v63  }
0x111: {  	_ =	swait.ge [sflag:s2], $0x4000  }
0x112: {  	[sflag:s2] =	ssyncset.done $0x0  }
0x113: {  	[sflag:s2] =	ssyncadd.s32 $0xFFFFC000  }
0x114: {  	_ =	swait.ge [sflag:s0], $0x80  }
0x115: {  	[sflag:s0] =	ssyncset.done $0x0  }
0x116: {  	[sflag:s0] =	ssyncadd.s32 $0xFFFFFF80  }
0x117: {  	[spmem:s1] =	stream.indirect.scatter.add.f32 [tilespmem:s23], [sflag:$0x8], $0x80, s11, s18, $0xb8;
	[tilespmem:$0x1DB80] =	vst v63  }
0x118: {  	_ = 	snop  }
0x119: {  	[spmem:s3] =	stream.indirect.scatter.add.f32 [tilespmem:s25], [sflag:$0xA], $0x1, s26, s18, $0xb8;
	[tilespmem:$0x1DB80] =	vst v63  }
0x11a: {  	_ =	swait.ge [sflag:s8], $0x4000  }
0x11b: {  	[sflag:s8] =	ssyncset.done $0x0  }
0x11c: {  	[sflag:s8] =	ssyncadd.s32 $0xFFFFC000  }
0x11d: {  	_ =	swait.ge [sflag:s9], $0x80  }
0x11e: {  	s7 =	rddreg [dreg:$0x8];
	[sflag:s9] =	ssyncset.done $0x0  }
0x11f: {  	[sflag:s9] =	ssyncadd.s32 $0xFFFFFF80;
	s5 =	sadd.s32 $0x0, s7  }
0x120: {  	[tilespmem:s26], [sflag:$0x3] =	stream.strided.gather [hbm4b:s5+s18], $0x100, s19, s18, $0x38;
	[tilespmem:$0x1DB80] =	vst v63  }
0x121: {  	_ =	swait.ge [sflag:s28], $0x100  }
0x122: {  	[sflag:s28] =	ssyncset.done $0x0  }
0x123: {  	[sflag:s28] =	ssyncadd.s32 $0xFFFFFF00  }
0x124: {  	[tilespmem:s23], [sflag:$0x4] =	stream.indirect.gather [hbm4b:s6+s18], $0x80, s21, s18, $0xb8;
	[tilespmem:$0x1DB80] =	vst v63  }
0x125: {  	_ = 	snop  }
0x126: {  	[tilespmem:s25], [sflag:$0x6] =	stream.indirect.gather [spmem:s4], $0x1, s30, s18, $0xb8;
	[tilespmem:$0x1DB80] =	vst v63  }
0x127: {  	_ =	swait.ge [sflag:s12], $0x4000  }
0x128: {  	[sflag:s12] =	ssyncset.done $0x0  }
0x129: {  	[sflag:s12] =	ssyncadd.s32 $0xFFFFC000  }
0x12a: {  	_ =	swait.ge [sflag:s14], $0x80  }
0x12b: {  	[sflag:s14] =	ssyncset.done $0x0  }
0x12c: {  	[sflag:s14] =	ssyncadd.s32 $0xFFFFFF80  }
0x12d: {  	[spmem:s1] =	stream.indirect.scatter.add.f32 [tilespmem:s29], [sflag:$0x9], $0x80, s24, s18, $0xb8;
	[tilespmem:$0x1DB80] =	vst v63  }
0x12e: {  	_ = 	snop  }
0x12f: {  	[spmem:s3] =	stream.indirect.scatter.add.f32 [tilespmem:s31], [sflag:$0xB], $0x1, s20, s18, $0xb8;
	[tilespmem:$0x1DB80] =	vst v63  }
0x130: {  	_ =	swait.ge [sflag:s15], $0x4000  }
0x131: {  	[sflag:s15] =	ssyncset.done $0x0  }
0x132: {  	[sflag:s15] =	ssyncadd.s32 $0xFFFFC000  }
0x133: {  	_ =	swait.ge [sflag:s13], $0x80  }
0x134: {  	s16 =	rddreg [dreg:$0x7];
	[sflag:s13] =	ssyncset.done $0x0  }
0x135: {  	[sflag:s13] =	ssyncadd.s32 $0xFFFFFF80;
	s5 =	sadd.s32 $0x0, s16  }
0x136: {  	[tilespmem:s20], [sflag:$0x1] =	stream.strided.gather [hbm4b:s5+s18], $0x100, s19, s18, $0x38;
	[tilespmem:$0x1DB80] =	vst v63  }
0x137: {  	_ =	swait.ge [sflag:s10], $0x100  }
0x138: {  	[sflag:s10] =	ssyncset.done $0x0  }
0x139: {  	[sflag:s10] =	ssyncadd.s32 $0xFFFFFF00  }
0x13a: {  	[tilespmem:s29], [sflag:$0x5] =	stream.indirect.gather [hbm4b:s6+s18], $0x80, s26, s18, $0xb8;
	[tilespmem:$0x1DB80] =	vst v63  }
0x13b: {  	_ = 	snop  }
0x13c: {  	[tilespmem:s31], [sflag:$0x7] =	stream.indirect.gather [spmem:s4], $0x1, s11, s18, $0xb8;
	[tilespmem:$0x1DB80] =	vst v63  }
0x13d: {  	_ =	swait.ge [sflag:s2], $0x4000  }
0x13e: {  	[sflag:s2] =	ssyncset.done $0x0  }
0x13f: {  	[sflag:s2] =	ssyncadd.s32 $0xFFFFC000  }
0x140: {  	_ =	swait.ge [sflag:s0], $0x80  }
0x141: {  	[sflag:s0] =	ssyncset.done $0x0  }
0x142: {  	[sflag:s0] =	ssyncadd.s32 $0xFFFFFF80  }
0x143: {  	[spmem:s1] =	stream.indirect.scatter.add.f32 [tilespmem:s23], [sflag:$0x8], $0x80, s30, s18, $0xb8;
	[tilespmem:$0x1DB80] =	vst v63  }
0x144: {  	_ = 	snop  }
0x145: {  	[spmem:s3] =	stream.indirect.scatter.add.f32 [tilespmem:s25], [sflag:$0xA], $0x1, s21, s18, $0xb8;
	[tilespmem:$0x1DB80] =	vst v63  }
0x146: {  	_ =	swait.ge [sflag:s8], $0x4000  }
0x147: {  	[sflag:s8] =	ssyncset.done $0x0  }
0x148: {  	[sflag:s8] =	ssyncadd.s32 $0xFFFFC000  }
0x149: {  	_ =	swait.ge [sflag:s9], $0x80  }
0x14a: {  	s7 =	rddreg [dreg:$0x6];
	[sflag:s9] =	ssyncset.done $0x0  }
0x14b: {  	[sflag:s9] =	ssyncadd.s32 $0xFFFFFF80;
	s5 =	sadd.s32 $0x0, s7  }
0x14c: {  	[tilespmem:s21], [sflag:$0x2] =	stream.strided.gather [hbm4b:s5+s18], $0x100, s19, s18, $0x38;
	[tilespmem:$0x1DB80] =	vst v63  }
0x14d: {  	_ =	swait.ge [sflag:s22], $0x100  }
0x14e: {  	[sflag:s22] =	ssyncset.done $0x0  }
0x14f: {  	[sflag:s22] =	ssyncadd.s32 $0xFFFFFF00  }
0x150: {  	[tilespmem:s23], [sflag:$0x4] =	stream.indirect.gather [hbm4b:s6+s18], $0x80, s20, s18, $0xb8;
	[tilespmem:$0x1DB80] =	vst v63  }
0x151: {  	_ = 	snop  }
0x152: {  	[tilespmem:s25], [sflag:$0x6] =	stream.indirect.gather [spmem:s4], $0x1, s24, s18, $0xb8;
	[tilespmem:$0x1DB80] =	vst v63  }
0x153: {  	_ =	swait.ge [sflag:s12], $0x4000  }
0x154: {  	[sflag:s12] =	ssyncset.done $0x0  }
0x155: {  	[sflag:s12] =	ssyncadd.s32 $0xFFFFC000  }
0x156: {  	_ =	swait.ge [sflag:s14], $0x80  }
0x157: {  	[sflag:s14] =	ssyncset.done $0x0  }
0x158: {  	[sflag:s14] =	ssyncadd.s32 $0xFFFFFF80  }
0x159: {  	[spmem:s1] =	stream.indirect.scatter.add.f32 [tilespmem:s29], [sflag:$0x9], $0x80, s11, s18, $0xb8;
	[tilespmem:$0x1DB80] =	vst v63  }
0x15a: {  	_ = 	snop  }
0x15b: {  	[spmem:s3] =	stream.indirect.scatter.add.f32 [tilespmem:s31], [sflag:$0xB], $0x1, s26, s18, $0xb8;
	[tilespmem:$0x1DB80] =	vst v63  }
0x15c: {  	_ =	swait.ge [sflag:s15], $0x4000  }
0x15d: {  	[sflag:s15] =	ssyncset.done $0x0  }
0x15e: {  	[sflag:s15] =	ssyncadd.s32 $0xFFFFC000  }
0x15f: {  	_ =	swait.ge [sflag:s13], $0x80  }
0x160: {  	s16 =	rddreg [dreg:$0x5];
	[sflag:s13] =	ssyncset.done $0x0  }
0x161: {  	[sflag:s13] =	ssyncadd.s32 $0xFFFFFF80;
	s5 =	sadd.s32 $0x0, s16  }
0x162: {  	[tilespmem:s26], [sflag:$0x3] =	stream.strided.gather [hbm4b:s5+s18], $0x100, s19, s18, $0x38;
	[tilespmem:$0x1DB80] =	vst v63  }
0x163: {  	_ =	swait.ge [sflag:s28], $0x100  }
0x164: {  	[sflag:s28] =	ssyncset.done $0x0  }
0x165: {  	[sflag:s28] =	ssyncadd.s32 $0xFFFFFF00  }
0x166: {  	[tilespmem:s29], [sflag:$0x5] =	stream.indirect.gather [hbm4b:s6+s18], $0x80, s21, s18, $0xb8;
	[tilespmem:$0x1DB80] =	vst v63  }
0x167: {  	_ = 	snop  }
0x168: {  	[tilespmem:s31], [sflag:$0x7] =	stream.indirect.gather [spmem:s4], $0x1, s30, s18, $0xb8;
	[tilespmem:$0x1DB80] =	vst v63  }
0x169: {  	_ =	swait.ge [sflag:s2], $0x4000  }
0x16a: {  	[sflag:s2] =	ssyncset.done $0x0  }
0x16b: {  	[sflag:s2] =	ssyncadd.s32 $0xFFFFC000  }
0x16c: {  	_ =	swait.ge [sflag:s0], $0x80  }
0x16d: {  	[sflag:s0] =	ssyncset.done $0x0  }
0x16e: {  	s7 =	simm.s32 $0x60;
	[sflag:s0] =	ssyncadd.s32 $0xFFFFFF80  }
0x16f: {  	[spmem:s1] =	stream.indirect.scatter.add.f32 [tilespmem:s23], [sflag:$0x8], $0x80, s24, s18, $0xb8;
	[tilespmem:$0x1DB80] =	vst v63  }
.LBB2_4:
0x170: {  	[spmem:s3] =	stream.indirect.scatter.add.f32 [tilespmem:s25], [sflag:$0xA], $0x1, s20, s18, $0xb8;
	[tilespmem:$0x1DB80] =	vst v63  }
0x171: {  	_ =	swait.ge [sflag:s8], $0x4000  }
0x172: {  	[sflag:s8] =	ssyncset.done $0x0  }
0x173: {  	[sflag:s8] =	ssyncadd.s32 $0xFFFFC000  }
0x174: {  	_ =	swait.ge [sflag:s9], $0x80  }
0x175: {  	s5 =	smov.u32 s7;
	s16 =	rddreg [dreg:$0xa];
	[sflag:s9] =	ssyncset.done $0x0  }
0x176: {  	[sflag:s9] =	ssyncadd.s32 $0xFFFFFF80;
	s16 =	sadd.s32 s5, s16  }
0x177: {  	[tilespmem:s20], [sflag:$0x1] =	stream.strided.gather [hbm4b:s16+s18], $0x100, s19, s18, $0x38;
	[tilespmem:$0x1DB80] =	vst v63  }
0x178: {  	_ =	swait.ge [sflag:s10], $0x100  }
0x179: {  	[sflag:s10] =	ssyncset.done $0x0  }
0x17a: {  	[sflag:s10] =	ssyncadd.s32 $0xFFFFFF00  }
0x17b: {  	[tilespmem:s23], [sflag:$0x4] =	stream.indirect.gather [hbm4b:s6+s18], $0x80, s26, s18, $0xb8;
	[tilespmem:$0x1DB80] =	vst v63  }
0x17c: {  	_ = 	snop  }
0x17d: {  	[tilespmem:s25], [sflag:$0x6] =	stream.indirect.gather [spmem:s4], $0x1, s11, s18, $0xb8;
	[tilespmem:$0x1DB80] =	vst v63  }
0x17e: {  	_ =	swait.ge [sflag:s12], $0x4000  }
0x17f: {  	[sflag:s12] =	ssyncset.done $0x0  }
0x180: {  	[sflag:s12] =	ssyncadd.s32 $0xFFFFC000  }
0x181: {  	_ =	swait.ge [sflag:s14], $0x80  }
0x182: {  	[sflag:s14] =	ssyncset.done $0x0  }
0x183: {  	[sflag:s14] =	ssyncadd.s32 $0xFFFFFF80  }
0x184: {  	[spmem:s1] =	stream.indirect.scatter.add.f32 [tilespmem:s29], [sflag:$0x9], $0x80, s30, s18, $0xb8;
	[tilespmem:$0x1DB80] =	vst v63  }
0x185: {  	_ = 	snop  }
0x186: {  	[spmem:s3] =	stream.indirect.scatter.add.f32 [tilespmem:s31], [sflag:$0xB], $0x1, s21, s18, $0xb8;
	[tilespmem:$0x1DB80] =	vst v63  }
0x187: {  	_ =	swait.ge [sflag:s15], $0x4000  }
0x188: {  	[sflag:s15] =	ssyncset.done $0x0  }
0x189: {  	[sflag:s15] =	ssyncadd.s32 $0xFFFFC000  }
0x18a: {  	_ =	swait.ge [sflag:s13], $0x80  }
0x18b: {  	s16 =	rddreg [dreg:$0x9];
	[sflag:s13] =	ssyncset.done $0x0  }
0x18c: {  	[sflag:s13] =	ssyncadd.s32 $0xFFFFFF80;
	s16 =	sadd.s32 s5, s16  }
0x18d: {  	[tilespmem:s21], [sflag:$0x2] =	stream.strided.gather [hbm4b:s16+s18], $0x100, s19, s18, $0x38;
	[tilespmem:$0x1DB80] =	vst v63  }
0x18e: {  	_ =	swait.ge [sflag:s22], $0x100  }
0x18f: {  	[sflag:s22] =	ssyncset.done $0x0  }
0x190: {  	[sflag:s22] =	ssyncadd.s32 $0xFFFFFF00  }
0x191: {  	[tilespmem:s29], [sflag:$0x5] =	stream.indirect.gather [hbm4b:s6+s18], $0x80, s20, s18, $0xb8;
	[tilespmem:$0x1DB80] =	vst v63  }
0x192: {  	_ = 	snop  }
0x193: {  	[tilespmem:s31], [sflag:$0x7] =	stream.indirect.gather [spmem:s4], $0x1, s24, s18, $0xb8;
	[tilespmem:$0x1DB80] =	vst v63  }
0x194: {  	_ =	swait.ge [sflag:s2], $0x4000  }
0x195: {  	[sflag:s2] =	ssyncset.done $0x0  }
0x196: {  	[sflag:s2] =	ssyncadd.s32 $0xFFFFC000  }
0x197: {  	_ =	swait.ge [sflag:s0], $0x80  }
0x198: {  	[sflag:s0] =	ssyncset.done $0x0  }
0x199: {  	[sflag:s0] =	ssyncadd.s32 $0xFFFFFF80  }
0x19a: {  	[spmem:s1] =	stream.indirect.scatter.add.f32 [tilespmem:s23], [sflag:$0x8], $0x80, s11, s18, $0xb8;
	[tilespmem:$0x1DB80] =	vst v63  }
0x19b: {  	_ = 	snop  }
0x19c: {  	[spmem:s3] =	stream.indirect.scatter.add.f32 [tilespmem:s25], [sflag:$0xA], $0x1, s26, s18, $0xb8;
	[tilespmem:$0x1DB80] =	vst v63  }
0x19d: {  	_ =	swait.ge [sflag:s8], $0x4000  }
0x19e: {  	[sflag:s8] =	ssyncset.done $0x0  }
0x19f: {  	[sflag:s8] =	ssyncadd.s32 $0xFFFFC000  }
0x1a0: {  	_ =	swait.ge [sflag:s9], $0x80  }
0x1a1: {  	s16 =	rddreg [dreg:$0x8];
	[sflag:s9] =	ssyncset.done $0x0  }
0x1a2: {  	[sflag:s9] =	ssyncadd.s32 $0xFFFFFF80;
	s16 =	sadd.s32 s5, s16  }
0x1a3: {  	[tilespmem:s26], [sflag:$0x3] =	stream.strided.gather [hbm4b:s16+s18], $0x100, s19, s18, $0x38;
	[tilespmem:$0x1DB80] =	vst v63  }
0x1a4: {  	_ =	swait.ge [sflag:s28], $0x100  }
0x1a5: {  	[sflag:s28] =	ssyncset.done $0x0  }
0x1a6: {  	[sflag:s28] =	ssyncadd.s32 $0xFFFFFF00  }
0x1a7: {  	[tilespmem:s23], [sflag:$0x4] =	stream.indirect.gather [hbm4b:s6+s18], $0x80, s21, s18, $0xb8;
	[tilespmem:$0x1DB80] =	vst v63  }
0x1a8: {  	_ = 	snop  }
0x1a9: {  	[tilespmem:s25], [sflag:$0x6] =	stream.indirect.gather [spmem:s4], $0x1, s30, s18, $0xb8;
	[tilespmem:$0x1DB80] =	vst v63  }
0x1aa: {  	_ =	swait.ge [sflag:s12], $0x4000  }
0x1ab: {  	[sflag:s12] =	ssyncset.done $0x0  }
0x1ac: {  	[sflag:s12] =	ssyncadd.s32 $0xFFFFC000  }
0x1ad: {  	_ =	swait.ge [sflag:s14], $0x80  }
0x1ae: {  	[sflag:s14] =	ssyncset.done $0x0  }
0x1af: {  	[sflag:s14] =	ssyncadd.s32 $0xFFFFFF80  }
0x1b0: {  	[spmem:s1] =	stream.indirect.scatter.add.f32 [tilespmem:s29], [sflag:$0x9], $0x80, s24, s18, $0xb8;
	[tilespmem:$0x1DB80] =	vst v63  }
0x1b1: {  	_ = 	snop  }
0x1b2: {  	[spmem:s3] =	stream.indirect.scatter.add.f32 [tilespmem:s31], [sflag:$0xB], $0x1, s20, s18, $0xb8;
	[tilespmem:$0x1DB80] =	vst v63  }
0x1b3: {  	_ =	swait.ge [sflag:s15], $0x4000  }
0x1b4: {  	[sflag:s15] =	ssyncset.done $0x0  }
0x1b5: {  	[sflag:s15] =	ssyncadd.s32 $0xFFFFC000  }
0x1b6: {  	_ =	swait.ge [sflag:s13], $0x80  }
0x1b7: {  	s16 =	rddreg [dreg:$0x7];
	[sflag:s13] =	ssyncset.done $0x0  }
0x1b8: {  	[sflag:s13] =	ssyncadd.s32 $0xFFFFFF80;
	s16 =	sadd.s32 s5, s16  }
0x1b9: {  	[tilespmem:s20], [sflag:$0x1] =	stream.strided.gather [hbm4b:s16+s18], $0x100, s19, s18, $0x38;
	[tilespmem:$0x1DB80] =	vst v63  }
0x1ba: {  	_ =	swait.ge [sflag:s10], $0x100  }
0x1bb: {  	[sflag:s10] =	ssyncset.done $0x0  }
0x1bc: {  	[sflag:s10] =	ssyncadd.s32 $0xFFFFFF00  }
0x1bd: {  	[tilespmem:s29], [sflag:$0x5] =	stream.indirect.gather [hbm4b:s6+s18], $0x80, s26, s18, $0xb8;
	[tilespmem:$0x1DB80] =	vst v63  }
0x1be: {  	_ = 	snop  }
0x1bf: {  	[tilespmem:s31], [sflag:$0x7] =	stream.indirect.gather [spmem:s4], $0x1, s11, s18, $0xb8;
	[tilespmem:$0x1DB80] =	vst v63  }
0x1c0: {  	_ =	swait.ge [sflag:s2], $0x4000  }
0x1c1: {  	[sflag:s2] =	ssyncset.done $0x0  }
0x1c2: {  	[sflag:s2] =	ssyncadd.s32 $0xFFFFC000  }
0x1c3: {  	_ =	swait.ge [sflag:s0], $0x80  }
0x1c4: {  	[sflag:s0] =	ssyncset.done $0x0  }
0x1c5: {  	[sflag:s0] =	ssyncadd.s32 $0xFFFFFF80  }
0x1c6: {  	[spmem:s1] =	stream.indirect.scatter.add.f32 [tilespmem:s23], [sflag:$0x8], $0x80, s30, s18, $0xb8;
	[tilespmem:$0x1DB80] =	vst v63  }
0x1c7: {  	_ = 	snop  }
0x1c8: {  	[spmem:s3] =	stream.indirect.scatter.add.f32 [tilespmem:s25], [sflag:$0xA], $0x1, s21, s18, $0xb8;
	[tilespmem:$0x1DB80] =	vst v63  }
0x1c9: {  	_ =	swait.ge [sflag:s8], $0x4000  }
0x1ca: {  	[sflag:s8] =	ssyncset.done $0x0  }
0x1cb: {  	[sflag:s8] =	ssyncadd.s32 $0xFFFFC000  }
0x1cc: {  	_ =	swait.ge [sflag:s9], $0x80  }
0x1cd: {  	s16 =	rddreg [dreg:$0x6];
	[sflag:s9] =	ssyncset.done $0x0  }
0x1ce: {  	[sflag:s9] =	ssyncadd.s32 $0xFFFFFF80;
	s16 =	sadd.s32 s5, s16  }
0x1cf: {  	[tilespmem:s21], [sflag:$0x2] =	stream.strided.gather [hbm4b:s16+s18], $0x100, s19, s18, $0x38;
	[tilespmem:$0x1DB80] =	vst v63  }
0x1d0: {  	_ =	swait.ge [sflag:s22], $0x100  }
0x1d1: {  	[sflag:s22] =	ssyncset.done $0x0  }
0x1d2: {  	[sflag:s22] =	ssyncadd.s32 $0xFFFFFF00  }
0x1d3: {  	[tilespmem:s23], [sflag:$0x4] =	stream.indirect.gather [hbm4b:s6+s18], $0x80, s20, s18, $0xb8;
	[tilespmem:$0x1DB80] =	vst v63  }
0x1d4: {  	_ = 	snop  }
0x1d5: {  	[tilespmem:s25], [sflag:$0x6] =	stream.indirect.gather [spmem:s4], $0x1, s24, s18, $0xb8;
	[tilespmem:$0x1DB80] =	vst v63  }
0x1d6: {  	_ =	swait.ge [sflag:s12], $0x4000  }
0x1d7: {  	[sflag:s12] =	ssyncset.done $0x0  }
0x1d8: {  	[sflag:s12] =	ssyncadd.s32 $0xFFFFC000  }
0x1d9: {  	_ =	swait.ge [sflag:s14], $0x80  }
0x1da: {  	[sflag:s14] =	ssyncset.done $0x0  }
0x1db: {  	[sflag:s14] =	ssyncadd.s32 $0xFFFFFF80  }
0x1dc: {  	[spmem:s1] =	stream.indirect.scatter.add.f32 [tilespmem:s29], [sflag:$0x9], $0x80, s11, s18, $0xb8;
	[tilespmem:$0x1DB80] =	vst v63  }
0x1dd: {  	_ = 	snop  }
0x1de: {  	[spmem:s3] =	stream.indirect.scatter.add.f32 [tilespmem:s31], [sflag:$0xB], $0x1, s26, s18, $0xb8;
	[tilespmem:$0x1DB80] =	vst v63  }
0x1df: {  	_ =	swait.ge [sflag:s15], $0x4000  }
0x1e0: {  	[sflag:s15] =	ssyncset.done $0x0  }
0x1e1: {  	[sflag:s15] =	ssyncadd.s32 $0xFFFFC000  }
0x1e2: {  	_ =	swait.ge [sflag:s13], $0x80  }
0x1e3: {  	s16 =	rddreg [dreg:$0x5];
	[sflag:s13] =	ssyncset.done $0x0  }
0x1e4: {  	[sflag:s13] =	ssyncadd.s32 $0xFFFFFF80;
	s5 =	sadd.s32 s5, s16  }
0x1e5: {  	[tilespmem:s26], [sflag:$0x3] =	stream.strided.gather [hbm4b:s5+s18], $0x100, s19, s18, $0x38;
	[tilespmem:$0x1DB80] =	vst v63  }
0x1e6: {  	_ =	swait.ge [sflag:s28], $0x100  }
0x1e7: {  	[sflag:s28] =	ssyncset.done $0x0  }
0x1e8: {  	[sflag:s28] =	ssyncadd.s32 $0xFFFFFF00  }
0x1e9: {  	[tilespmem:s29], [sflag:$0x5] =	stream.indirect.gather [hbm4b:s6+s18], $0x80, s21, s18, $0xb8;
	[tilespmem:$0x1DB80] =	vst v63  }
0x1ea: {  	_ = 	snop  }
0x1eb: {  	[tilespmem:s31], [sflag:$0x7] =	stream.indirect.gather [spmem:s4], $0x1, s30, s18, $0xb8;
	[tilespmem:$0x1DB80] =	vst v63  }
0x1ec: {  	_ =	swait.ge [sflag:s2], $0x4000  }
0x1ed: {  	p0 =	sne.s32 s7, $0x420;
	[sflag:s2] =	ssyncset.done $0x0  }
.Ltmp1:
0x1ee: {  	[sflag:s2] =	ssyncadd.s32 $0xFFFFC000;
	(pc) =	sbr.rel @p0 .LBB2_4-.Ltmp1, $4  }
0x1ef: {  	_ =	swait.ge [sflag:s0], $0x80  }
0x1f0: {  	[sflag:s0] =	ssyncset.done $0x0  }
0x1f1: {  	s7 =	sadd.s32 $0x60, s7;
	[sflag:s0] =	ssyncadd.s32 $0xFFFFFF80  }
0x1f2: {  	[spmem:s1] =	stream.indirect.scatter.add.f32 [tilespmem:s23], [sflag:$0x8], $0x80, s24, s18, $0xb8;
	[tilespmem:$0x1DB80] =	vst v63  }
0x1f3: {  	[spmem:s3] =	stream.indirect.scatter.add.f32 [tilespmem:s25], [sflag:$0xA], $0x1, s20, s18, $0xb8;
	[tilespmem:$0x1DB80] =	vst v63  }
0x1f4: {  	_ =	swait.ge [sflag:s8], $0x4000  }
0x1f5: {  	[sflag:s8] =	ssyncset.done $0x0  }
0x1f6: {  	[sflag:s8] =	ssyncadd.s32 $0xFFFFC000  }
0x1f7: {  	_ =	swait.ge [sflag:s9], $0x80  }
0x1f8: {  	[sflag:s9] =	ssyncset.done $0x0  }
0x1f9: {  	s5 =	rddreg [dreg:$0x17];
	[sflag:s9] =	ssyncadd.s32 $0xFFFFFF80  }
0x1fa: {  	[tilespmem:s20], [sflag:$0x1] =	stream.strided.gather [hbm4b:s5+s18], $0x100, s19, s18, $0x38;
	[tilespmem:$0x1DB80] =	vst v63  }
0x1fb: {  	_ =	swait.ge [sflag:s10], $0x100  }
0x1fc: {  	[sflag:s10] =	ssyncset.done $0x0  }
0x1fd: {  	[sflag:s10] =	ssyncadd.s32 $0xFFFFFF00  }
0x1fe: {  	[tilespmem:s23], [sflag:$0x4] =	stream.indirect.gather [hbm4b:s6+s18], $0x80, s26, s18, $0xb8;
	[tilespmem:$0x1DB80] =	vst v63  }
0x1ff: {  	_ = 	snop  }
0x200: {  	[tilespmem:s25], [sflag:$0x6] =	stream.indirect.gather [spmem:s4], $0x1, s11, s18, $0xb8;
	[tilespmem:$0x1DB80] =	vst v63  }
0x201: {  	_ =	swait.ge [sflag:s12], $0x4000  }
0x202: {  	[sflag:s12] =	ssyncset.done $0x0  }
0x203: {  	[sflag:s12] =	ssyncadd.s32 $0xFFFFC000  }
0x204: {  	_ =	swait.ge [sflag:s14], $0x80  }
0x205: {  	[sflag:s14] =	ssyncset.done $0x0  }
0x206: {  	[sflag:s14] =	ssyncadd.s32 $0xFFFFFF80  }
0x207: {  	[spmem:s1] =	stream.indirect.scatter.add.f32 [tilespmem:s29], [sflag:$0x9], $0x80, s30, s18, $0xb8;
	[tilespmem:$0x1DB80] =	vst v63  }
0x208: {  	_ = 	snop  }
0x209: {  	[spmem:s3] =	stream.indirect.scatter.add.f32 [tilespmem:s31], [sflag:$0xB], $0x1, s21, s18, $0xb8;
	[tilespmem:$0x1DB80] =	vst v63  }
0x20a: {  	_ =	swait.ge [sflag:s15], $0x4000  }
0x20b: {  	[sflag:s15] =	ssyncset.done $0x0  }
0x20c: {  	[sflag:s15] =	ssyncadd.s32 $0xFFFFC000  }
0x20d: {  	_ =	swait.ge [sflag:s13], $0x80  }
0x20e: {  	[sflag:s13] =	ssyncset.done $0x0  }
0x20f: {  	s7 =	rddreg [dreg:$0x19];
	[sflag:s13] =	ssyncadd.s32 $0xFFFFFF80  }
0x210: {  	[tilespmem:s21], [sflag:$0x2] =	stream.strided.gather [hbm4b:s7+s18], $0x100, s19, s18, $0x38;
	[tilespmem:$0x1DB80] =	vst v63  }
0x211: {  	_ =	swait.ge [sflag:s22], $0x100  }
0x212: {  	[sflag:s22] =	ssyncset.done $0x0  }
0x213: {  	[sflag:s22] =	ssyncadd.s32 $0xFFFFFF00  }
0x214: {  	[tilespmem:s29], [sflag:$0x5] =	stream.indirect.gather [hbm4b:s6+s18], $0x80, s20, s18, $0xb8;
	[tilespmem:$0x1DB80] =	vst v63  }
0x215: {  	_ = 	snop  }
0x216: {  	[tilespmem:s31], [sflag:$0x7] =	stream.indirect.gather [spmem:s4], $0x1, s24, s18, $0xb8;
	[tilespmem:$0x1DB80] =	vst v63  }
0x217: {  	_ =	swait.ge [sflag:s2], $0x4000  }
0x218: {  	[sflag:s2] =	ssyncset.done $0x0  }
0x219: {  	[sflag:s2] =	ssyncadd.s32 $0xFFFFC000  }
0x21a: {  	_ =	swait.ge [sflag:s0], $0x80  }
0x21b: {  	[sflag:s0] =	ssyncset.done $0x0  }
0x21c: {  	[sflag:s0] =	ssyncadd.s32 $0xFFFFFF80  }
0x21d: {  	[spmem:s1] =	stream.indirect.scatter.add.f32 [tilespmem:s23], [sflag:$0x8], $0x80, s11, s18, $0xb8;
	[tilespmem:$0x1DB80] =	vst v63  }
0x21e: {  	_ = 	snop  }
0x21f: {  	[spmem:s3] =	stream.indirect.scatter.add.f32 [tilespmem:s25], [sflag:$0xA], $0x1, s26, s18, $0xb8;
	[tilespmem:$0x1DB80] =	vst v63  }
0x220: {  	_ =	swait.ge [sflag:s8], $0x4000  }
0x221: {  	[sflag:s8] =	ssyncset.done $0x0  }
0x222: {  	[sflag:s8] =	ssyncadd.s32 $0xFFFFC000  }
0x223: {  	_ =	swait.ge [sflag:s9], $0x80  }
0x224: {  	[sflag:s9] =	ssyncset.done $0x0  }
0x225: {  	s16 =	rddreg [dreg:$0x1a];
	[sflag:s9] =	ssyncadd.s32 $0xFFFFFF80  }
0x226: {  	[tilespmem:s26], [sflag:$0x3] =	stream.strided.gather [hbm4b:s16+s18], $0x100, s19, s18, $0x38;
	[tilespmem:$0x1DB80] =	vst v63  }
0x227: {  	_ =	swait.ge [sflag:s28], $0x100  }
0x228: {  	[sflag:s28] =	ssyncset.done $0x0  }
0x229: {  	[sflag:s28] =	ssyncadd.s32 $0xFFFFFF00  }
0x22a: {  	[tilespmem:s23], [sflag:$0x4] =	stream.indirect.gather [hbm4b:s6+s18], $0x80, s21, s18, $0xb8;
	[tilespmem:$0x1DB80] =	vst v63  }
0x22b: {  	_ = 	snop  }
0x22c: {  	[tilespmem:s25], [sflag:$0x6] =	stream.indirect.gather [spmem:s4], $0x1, s30, s18, $0xb8;
	[tilespmem:$0x1DB80] =	vst v63  }
0x22d: {  	_ =	swait.ge [sflag:s12], $0x4000  }
0x22e: {  	[sflag:s12] =	ssyncset.done $0x0  }
0x22f: {  	[sflag:s12] =	ssyncadd.s32 $0xFFFFC000  }
0x230: {  	_ =	swait.ge [sflag:s14], $0x80  }
0x231: {  	[sflag:s14] =	ssyncset.done $0x0  }
0x232: {  	[sflag:s14] =	ssyncadd.s32 $0xFFFFFF80  }
0x233: {  	[spmem:s1] =	stream.indirect.scatter.add.f32 [tilespmem:s29], [sflag:$0x9], $0x80, s24, s18, $0xb8;
	[tilespmem:$0x1DB80] =	vst v63  }
0x234: {  	_ = 	snop  }
0x235: {  	[spmem:s3] =	stream.indirect.scatter.add.f32 [tilespmem:s31], [sflag:$0xB], $0x1, s20, s18, $0xb8;
	[tilespmem:$0x1DB80] =	vst v63  }
0x236: {  	_ =	swait.ge [sflag:s15], $0x4000  }
0x237: {  	[sflag:s15] =	ssyncset.done $0x0  }
0x238: {  	[sflag:s15] =	ssyncadd.s32 $0xFFFFC000  }
0x239: {  	_ =	swait.ge [sflag:s13], $0x80  }
0x23a: {  	[sflag:s13] =	ssyncset.done $0x0  }
0x23b: {  	s7 =	rddreg [dreg:$0x1b];
	[sflag:s13] =	ssyncadd.s32 $0xFFFFFF80  }
0x23c: {  	[tilespmem:s20], [sflag:$0x1] =	stream.strided.gather [hbm4b:s7+s18], $0x100, s19, s18, $0x38;
	[tilespmem:$0x1DB80] =	vst v63  }
0x23d: {  	_ =	swait.ge [sflag:s10], $0x100  }
0x23e: {  	[sflag:s10] =	ssyncset.done $0x0  }
0x23f: {  	[sflag:s10] =	ssyncadd.s32 $0xFFFFFF00  }
0x240: {  	[tilespmem:s29], [sflag:$0x5] =	stream.indirect.gather [hbm4b:s6+s18], $0x80, s26, s18, $0xb8;
	[tilespmem:$0x1DB80] =	vst v63  }
0x241: {  	_ = 	snop  }
0x242: {  	[tilespmem:s31], [sflag:$0x7] =	stream.indirect.gather [spmem:s4], $0x1, s11, s18, $0xb8;
	[tilespmem:$0x1DB80] =	vst v63  }
0x243: {  	_ =	swait.ge [sflag:s2], $0x4000  }
0x244: {  	[sflag:s2] =	ssyncset.done $0x0  }
0x245: {  	[sflag:s2] =	ssyncadd.s32 $0xFFFFC000  }
0x246: {  	_ =	swait.ge [sflag:s0], $0x80  }
0x247: {  	[sflag:s0] =	ssyncset.done $0x0  }
0x248: {  	[sflag:s0] =	ssyncadd.s32 $0xFFFFFF80  }
0x249: {  	[spmem:s1] =	stream.indirect.scatter.add.f32 [tilespmem:s23], [sflag:$0x8], $0x80, s30, s18, $0xb8;
	[tilespmem:$0x1DB80] =	vst v63  }
0x24a: {  	_ = 	snop  }
0x24b: {  	[spmem:s3] =	stream.indirect.scatter.add.f32 [tilespmem:s25], [sflag:$0xA], $0x1, s21, s18, $0xb8;
	[tilespmem:$0x1DB80] =	vst v63  }
0x24c: {  	_ =	swait.ge [sflag:s8], $0x4000  }
0x24d: {  	[sflag:s8] =	ssyncset.done $0x0  }
0x24e: {  	[sflag:s8] =	ssyncadd.s32 $0xFFFFC000  }
0x24f: {  	_ =	swait.ge [sflag:s9], $0x80  }
0x250: {  	[sflag:s9] =	ssyncset.done $0x0  }
0x251: {  	[sflag:s9] =	ssyncadd.s32 $0xFFFFFF80  }
0x252: {  	_ =	swait.ge [sflag:s22], $0x100  }
0x253: {  	[sflag:s22] =	ssyncset.done $0x0  }
0x254: {  	[sflag:s22] =	ssyncadd.s32 $0xFFFFFF00  }
0x255: {  	[tilespmem:s23], [sflag:$0x4] =	stream.indirect.gather [hbm4b:s6+s18], $0x80, s20, s18, $0xb8;
	[tilespmem:$0x1DB80] =	vst v63  }
0x256: {  	_ = 	snop  }
0x257: {  	[tilespmem:s25], [sflag:$0x6] =	stream.indirect.gather [spmem:s4], $0x1, s24, s18, $0xb8;
	[tilespmem:$0x1DB80] =	vst v63  }
0x258: {  	_ =	swait.ge [sflag:s12], $0x4000  }
0x259: {  	[sflag:s12] =	ssyncset.done $0x0  }
0x25a: {  	[sflag:s12] =	ssyncadd.s32 $0xFFFFC000  }
0x25b: {  	_ =	swait.ge [sflag:s14], $0x80  }
0x25c: {  	[sflag:s14] =	ssyncset.done $0x0  }
0x25d: {  	[sflag:s14] =	ssyncadd.s32 $0xFFFFFF80  }
0x25e: {  	[spmem:s1] =	stream.indirect.scatter.add.f32 [tilespmem:s29], [sflag:$0x9], $0x80, s11, s18, $0xb8;
	[tilespmem:$0x1DB80] =	vst v63  }
0x25f: {  	_ = 	snop  }
0x260: {  	[spmem:s3] =	stream.indirect.scatter.add.f32 [tilespmem:s31], [sflag:$0xB], $0x1, s26, s18, $0xb8;
	[tilespmem:$0x1DB80] =	vst v63  }
0x261: {  	_ =	swait.ge [sflag:s15], $0x4000  }
0x262: {  	[sflag:s15] =	ssyncset.done $0x0  }
0x263: {  	[sflag:s15] =	ssyncadd.s32 $0xFFFFC000  }
0x264: {  	_ =	swait.ge [sflag:s13], $0x80  }
0x265: {  	[sflag:s13] =	ssyncset.done $0x0  }
0x266: {  	[sflag:s13] =	ssyncadd.s32 $0xFFFFFF80  }
0x267: {  	_ =	swait.ge [sflag:s2], $0x4000  }
0x268: {  	[sflag:s2] =	ssyncset.done $0x0  }
0x269: {  	[sflag:s2] =	ssyncadd.s32 $0xFFFFC000  }
0x26a: {  	_ =	swait.ge [sflag:s0], $0x80  }
0x26b: {  	[sflag:s0] =	ssyncset.done $0x0  }
0x26c: {  	[sflag:s0] =	ssyncadd.s32 $0xFFFFFF80  }
0x26d: {  	[spmem:s1] =	stream.indirect.scatter.add.f32 [tilespmem:s23], [sflag:$0x8], $0x80, s24, s18, $0xb8;
	[tilespmem:$0x1DB80] =	vst v63  }
0x26e: {  	_ = 	snop  }
0x26f: {  	[spmem:s3] =	stream.indirect.scatter.add.f32 [tilespmem:s25], [sflag:$0xA], $0x1, s20, s18, $0xb8;
	[tilespmem:$0x1DB80] =	vst v63  }
0x270: {  	_ =	swait.ge [sflag:s8], $0x4000  }
0x271: {  	[sflag:s8] =	ssyncset.done $0x0  }
0x272: {  	[sflag:s8] =	ssyncadd.s32 $0xFFFFC000  }
0x273: {  	_ =	swait.ge [sflag:s9], $0x80  }
0x274: {  	[sflag:s9] =	ssyncset.done $0x0  }
0x275: {  	[sflag:s9] =	ssyncadd.s32 $0xFFFFFF80  }
0x276: {  	[bflag:$0x0] =	sbarrier.arrive $0xFFFF  }
0x277: {  	s16 =	rddreg [dreg:$0xc]  }
0x278: {  	s5 =	sshrl.u32 s16, $0x3;
	s16 =	sld [smem:$0x7F0];
	_ =	sdelay $0x1  }
0x279: {  	s7 =	rddreg [dreg:$0x1c]  }
0x27a: {  	[hbm:s7], [sflag:s16] =	dma.local [spmem:s5], $0x2800  }
0x27b: {  	_ =	swait.ge [sflag:s17], $0x2800  }
0x27c: {  	[sflag:s17] =	ssyncset.done $0x0;
	s7 =	rddreg [dreg:$0x12]  }
0x27d: {  	[sflag:s17] =	ssyncadd.s32 $0xFFFFD800;
	s5 =	sshrl.u32 s7, $0x3;
	s7 =	rddreg [dreg:$0x18]  }
0x27e: {  	[hbm:s7], [sflag:s16] =	dma.local [spmem:s5], $0x50  }
0x27f: {  	_ =	swait.ge [sflag:s17], $0x50  }
0x280: {  	s5 =	rddreg [dreg:$0xb]  }
0x281: {  	s7 =	rddreg [dreg:$0x1d];
	s16 =	sadd.s32 $0x1, s5  }
0x282: {  	p0 =	sne.s32 s16, s7  }
.Ltmp2:
0x283: {  	_ = 	snop;
	(pc) =	sbr.rel @p0 .LBB2_1-.Ltmp2, $3  }
0x284: {  	_ =	sdelay $0x1  }
0x285: {  	[sflag:s17] =	ssyncset.done $0x0  }
0x286: {  	[sflag:s17] =	ssyncadd.s32 $0xFFFFFFB0  }
0x287: {  	_ =	sfence.sel $0x180000  }
0x288: {  	[bflag:$0x0] =	sbarrier.arrive $0xFFFF  }
0x289: {  	_ =	strace $0x9000004A  }
0x28a: {  	s0 =	stileid.u32;
	[bflag:$0x2] =	sbarrier.arrive $0xFFFF  }
0x28b: {  	p0 =	sne.s32 s0, $0x0;
	s0 =	rddreg [dreg:$0x4]  }
0x28c: {  	s0 =	sadd.s32 @!p0 $0x100000, s0  }
0x28d: {  	[sflag:s0] =	ssyncadd.tile.s32 @!p0 $0x1;
	_ =	shalt  }
.Lfunc_end2:
_tile_overlayer_lowered:
.L_overlay_start_2:
0x28e: {  	(tag) =	ssettag $0x2  }
0x28f: {  	s0 =	rddreg [dreg:$0x0];
	s2 =	stileid.u32  }
0x290: {  	s1 =	rddreg [dreg:$0x1];
	p0 =	sne.s32 s2, $0x0  }
0x291: {  	s3 =	rddreg [dreg:$0x2];
	[bflag:$0x3] =	sbarrier.arrive $0xFFFF;
	s2 =	simm.s32 @!p0 $0x1C0C  }
0x292: {  	[timem:s3], [sflag:s2] =	dma.local @!p0 [hbm:s0], s1  }
0x293: {  	s0 =	simm.s32 @!p0 $0xC  }
0x294: {  	_ =	swait.ge @!p0 [sflag:s0], s1  }
0x295: {  	s1 =	ssub.s32 @!p0 $0x0, s1;
	[sflag:s0] =	ssyncset.done @!p0 $0x0  }
0x296: {  	[sflag:s0] =	ssyncadd.s32 @!p0 s1  }
0x297: {  	[bflag:$0x3] =	sbarrier.arrive $0xFFFF  }
0x298: {  	_ =	shalt  }

</sc_bundles>
